<compile_context>
chip_gen: v7x
topology: tpu7x:2x2x1
jax: 0.10.2.dev20260603
libtpu: 0.0.44.dev20260713+nightly
codegen_flags: <defaults>
</compile_context>

<pallas_src>
import functools

import jax
import jax.numpy as jnp
from jax import lax
from jax.experimental import pallas as pl
from jax.experimental.pallas import tpu as pltpu
from jax.experimental.pallas import tpu_sc as plsc

N = 50000
E = 800000
H = 32
R = 3

NC = 2
NS = 16
NW = NC * NS
G = 128
BLK = 1280
NGRP = BLK // G
NBLKS = E // BLK
BPW = -(-NBLKS // NW)
E2 = 819200
BE = 8192

NRP = 153600
SLOT_PER_SUB = NRP // NS
AGG_ROWS = 50176
AGG_PER_SUB = AGG_ROWS // NS
WAVE = 5

_mesh = plsc.VectorSubcoreMesh(core_axis_name="c", subcore_axis_name="s")
_f32 = jnp.float32
_i32 = jnp.int32


@functools.partial(
    pl.kernel,
    out_type=[
        jax.ShapeDtypeStruct((E2,), _f32),
        jax.ShapeDtypeStruct((E2,), _f32),
    ],
    mesh=_mesh,
    scratch_types=[
        pltpu.VMEM((BLK,), _i32),
        pltpu.VMEM((BLK,), _i32),
        pltpu.VMEM((BLK,), _f32),
        pltpu.VMEM((BLK,), _f32),
        pltpu.SemaphoreType.DMA,
    ],
)
def _phase_a1(x_hbm, row_hbm, col_hbm, xr_hbm, xc_hbm,
              rowb, colb, xrb, xcb, semg):
    cid = lax.axis_index("c")
    sid = lax.axis_index("s")
    wid = cid * NS + sid

    @pl.loop(0, BPW)
    def _block(bi):
        cidx = wid + bi * NW

        @pl.when(cidx < NBLKS)
        def _():
            ebase = cidx * BLK
            cl = pltpu.async_copy(row_hbm.at[pl.ds(ebase, BLK)], rowb, semg)
            cl2 = pltpu.async_copy(col_hbm.at[pl.ds(ebase, BLK)], colb, semg)
            cl.wait()
            cl2.wait()
            gs = []
            for i in range(NGRP):
                sl = pl.ds(i * G, G)
                gs.append(pltpu.async_copy(
                    x_hbm.at[rowb.at[sl]], xrb.at[sl], semg))
                gs.append(pltpu.async_copy(
                    x_hbm.at[colb.at[sl]], xcb.at[sl], semg))
            for c in gs:
                c.wait()
            st = [pltpu.async_copy(xrb, xr_hbm.at[pl.ds(ebase, BLK)], semg),
                  pltpu.async_copy(xcb, xc_hbm.at[pl.ds(ebase, BLK)], semg)]
            for c in st:
                c.wait()


def _phase_a2_body(xr_ref, xc_ref, wt_ref, bt_ref, w1_ref, b1_ref,
                   w2_ref, b2_ref, et_ref):
    xr = xr_ref[...]
    xc = xc_ref[...]
    wt = wt_ref[...]
    bt = bt_ref[...]
    efr = wt * xr[None, :] + bt
    efc = wt * xc[None, :] + bt
    ef = jnp.transpose(jnp.concatenate([efr, efc], axis=0))
    hid = jnp.maximum(jnp.dot(ef, w1_ref[...]) + b1_ref[...][None, :], 0.0)
    logits = jnp.dot(hid, w2_ref[...])
    lt = jnp.transpose(logits)
    b2 = b2_ref[...]
    l0 = lt[0] + b2[0]
    l1 = lt[1] + b2[1]
    l2 = lt[2] + b2[2]
    m = jnp.maximum(jnp.maximum(l0, l1), l2)
    u0 = jnp.exp(l0 - m)
    u1 = jnp.exp(l1 - m)
    u2 = jnp.exp(l2 - m)
    s = u0 + u1 + u2
    p0 = u0 / s
    p1 = u1 / s
    p2 = u2 / s
    et = jnp.zeros_like(et_ref[...])
    best = p0
    m1 = p1 > best
    et = jnp.where(m1, 1, et)
    best = jnp.where(m1, p1, best)
    et = jnp.where(p2 > best, 2, et)
    et_ref[...] = et


def _phase_a2(xr, xc, w, bemb, rp_W1, rp_b1, rp_W2, rp_b2):
    full = lambda shp: pl.BlockSpec(shp, lambda i: tuple(0 for _ in shp))
    wt = jnp.broadcast_to(w[:, None], (H, BE))
    bt = jnp.broadcast_to(bemb[:, None], (H, BE))
    return pl.pallas_call(
        _phase_a2_body,
        grid=(E2 // BE,),
        in_specs=[
            pl.BlockSpec((BE,), lambda i: (i,)),
            pl.BlockSpec((BE,), lambda i: (i,)),
            full((H, BE)), full((H, BE)), full((2 * H, H // 2)), full((H // 2,)),
            full((H // 2, R)), full((R,)),
        ],
        out_specs=pl.BlockSpec((BE,), lambda i: (i,)),
        out_shape=jax.ShapeDtypeStruct((E2,), _i32),
    )(xr, xc, wt, bt, rp_W1, rp_b1, rp_W2, rp_b2)


@functools.partial(
    pl.kernel,
    out_type=[
        jax.ShapeDtypeStruct((NC, NRP), _f32),
        jax.ShapeDtypeStruct((NC, NRP), _f32),
    ],
    mesh=_mesh,
    scratch_types=[
        pltpu.VMEM((BLK,), _i32),
        pltpu.VMEM((BLK,), _i32),
        pltpu.VMEM((BLK,), _f32),
        pltpu.VMEM((NGRP, G), _i32),
        pltpu.VMEM((BLK,), _f32),
        pltpu.VMEM_SHARED((NRP,), _f32),
        pltpu.VMEM_SHARED((NRP,), _f32),
        pltpu.SemaphoreType.DMA,
        pltpu.SemaphoreType.DMA,
    ],
)
def _phase_a3(col_hbm, et_hbm, xr_hbm, ones_hbm, zeros_hbm,
              sum_hbm, cnt_hbm,
              colb, etb, xrb, didx2, onesb, SUM, CNT, semg, sems):
    cid = lax.axis_index("c")
    sid = lax.axis_index("s")
    wid = cid * NS + sid

    pltpu.sync_copy(ones_hbm, onesb)
    base0 = sid * SLOT_PER_SUB
    pltpu.sync_copy(zeros_hbm, SUM.at[pl.ds(base0, SLOT_PER_SUB)])
    pltpu.sync_copy(zeros_hbm, CNT.at[pl.ds(base0, SLOT_PER_SUB)])
    plsc.subcore_barrier()

    @pl.loop(0, BPW)
    def _block(bi):
        cidx = wid + bi * NW

        @pl.when(cidx < NBLKS)
        def _():
            ebase = cidx * BLK
            ls = [pltpu.async_copy(col_hbm.at[pl.ds(ebase, BLK)], colb, semg),
                  pltpu.async_copy(et_hbm.at[pl.ds(ebase, BLK)], etb, semg),
                  pltpu.async_copy(xr_hbm.at[pl.ds(ebase, BLK)], xrb, semg)]
            for c in ls:
                c.wait()

            @pl.loop(0, NGRP)
            def _grp(gi):
                @pl.loop(0, G, step=16)
                def _compute(jj):
                    sj = pl.ds(gi * G + jj, 16)
                    didx2[gi, pl.ds(jj, 16)] = colb[sj] * R + etb[sj]

            ss = []
            for i in range(NGRP):
                sl = pl.ds(i * G, G)
                ss.append(pltpu.async_copy(
                    xrb.at[sl], SUM.at[didx2.at[i]], sems, add=True))
                ss.append(pltpu.async_copy(
                    onesb.at[sl], CNT.at[didx2.at[i]], sems, add=True))
            for c in ss:
                c.wait()

    plsc.subcore_barrier()
    sl = pl.ds(base0, SLOT_PER_SUB)
    pltpu.sync_copy(SUM.at[sl], sum_hbm.at[cid, sl])
    pltpu.sync_copy(CNT.at[sl], cnt_hbm.at[cid, sl])


@functools.partial(
    pl.kernel,
    out_type=jax.ShapeDtypeStruct((NC, R, AGG_ROWS, H), _f32),
    mesh=_mesh,
    scratch_types=[
        pltpu.VMEM((BLK,), _i32),
        pltpu.VMEM((BLK,), _i32),
        pltpu.VMEM((BLK,), _i32),
        pltpu.VMEM((NGRP, G), _i32),
        pltpu.VMEM((WAVE, G, H), _f32),
        pltpu.VMEM_SHARED((AGG_ROWS, H), _f32),
        pltpu.SemaphoreType.DMA,
        pltpu.SemaphoreType.DMA,
    ],
    compiler_params=pltpu.CompilerParams(use_tc_tiling_on_sc=False),
)
def _phase_c(hmid_hbm, row_hbm, col_hbm, et_hbm, zeros_hbm, agg_hbm,
             rowb, colb, etb, tgt2, grows, AGG, semg, sems):
    cid = lax.axis_index("c")
    sid = lax.axis_index("s")
    wid = cid * NS + sid
    rbase = sid * AGG_PER_SUB

    @pl.loop(0, R)
    def _rel(r):
        pltpu.sync_copy(zeros_hbm, AGG.at[pl.ds(rbase, AGG_PER_SUB), :])
        plsc.subcore_barrier()

        @pl.loop(0, BPW)
        def _block(bi):
            cidx = wid + bi * NW

            @pl.when(cidx < NBLKS)
            def _():
                ebase = cidx * BLK
                ls = [pltpu.async_copy(row_hbm.at[pl.ds(ebase, BLK)], rowb, semg),
                      pltpu.async_copy(col_hbm.at[pl.ds(ebase, BLK)], colb, semg),
                      pltpu.async_copy(et_hbm.at[pl.ds(ebase, BLK)], etb, semg)]
                for c in ls:
                    c.wait()

                @pl.loop(0, NGRP)
                def _grp(gi):
                    @pl.loop(0, G, step=16)
                    def _compute(jj):
                        j = gi * G + jj
                        sj = pl.ds(j, 16)
                        lane = jax.lax.iota(_i32, 16)
                        dump = N + lane + jj
                        tgt2[gi, pl.ds(jj, 16)] = jnp.where(
                            etb[sj] == r, colb[sj], dump)

                for w0 in range(0, NGRP, WAVE):
                    gs = [pltpu.async_copy(
                            hmid_hbm.at[rowb.at[pl.ds((w0 + i) * G, G)]],
                            grows.at[i], semg)
                          for i in range(WAVE)]
                    for c in gs:
                        c.wait()
                    ss = [pltpu.async_copy(
                            grows.at[i], AGG.at[tgt2.at[w0 + i]], sems, add=True)
                          for i in range(WAVE)]
                    for c in ss:
                        c.wait()

        plsc.subcore_barrier()
        pltpu.sync_copy(AGG.at[pl.ds(rbase, AGG_PER_SUB), :],
                        agg_hbm.at[cid, r, pl.ds(rbase, AGG_PER_SUB), :])
        plsc.subcore_barrier()


BN = 2000


def _phase_b_body(x_ref, s_ref, c_ref, u_ref, v_ref, g1_ref, h0_ref,
                  b1_ref, g_ref, bb_ref, w_ref, be_ref,
                  hmid_ref, cinv_ref):
    xb = x_ref[...]
    s = s_ref[0] + s_ref[1]
    c = c_ref[0] + c_ref[1]
    cc = jnp.maximum(c, 1.0)
    ci = 1.0 / cc
    msg = jnp.dot(s * ci, u_ref[...], preferred_element_type=_f32)
    msg = msg + jnp.dot(c * ci, v_ref[...], preferred_element_type=_f32)
    pre = xb * g1_ref[...][None, :] + h0_ref[...][None, :] + b1_ref[...][None, :] + msg
    m = jnp.mean(pre, axis=-1, keepdims=True)
    var = jnp.mean((pre - m) ** 2, axis=-1, keepdims=True)
    y = (pre - m) / jnp.sqrt(var + 1e-5) * g_ref[...][None, :] + bb_ref[...][None, :]
    h = xb * w_ref[...][None, :] + be_ref[...][None, :]
    hmid_ref[...] = jnp.maximum(y, 0.0) + h
    cinv_ref[...] = ci


def _phase_b(x, s_nr, c_nr, U, V, g1, h0, bias1, ln1_g, ln1_b, w, bemb):
    full = lambda shp: pl.BlockSpec(shp, lambda i: tuple(0 for _ in shp))
    return pl.pallas_call(
        _phase_b_body,
        grid=(N // BN,),
        in_specs=[
            pl.BlockSpec((BN, 1), lambda i: (i, 0)),
            pl.BlockSpec((NC, BN, R), lambda i: (0, i, 0)),
            pl.BlockSpec((NC, BN, R), lambda i: (0, i, 0)),
            full((R, H)), full((R, H)), full((H,)), full((H,)),
            full((H,)), full((H,)), full((H,)), full((H,)), full((H,)),
        ],
        out_specs=[
            pl.BlockSpec((BN, H), lambda i: (i, 0)),
            pl.BlockSpec((BN, R), lambda i: (i, 0)),
        ],
        out_shape=[
            jax.ShapeDtypeStruct((N, H), _f32),
            jax.ShapeDtypeStruct((N, R), _f32),
        ],
    )(x, s_nr, c_nr, U, V, g1, h0, bias1, ln1_g, ln1_b, w, bemb)


def _phase_d_body(hm_ref, agg_ref, ci_ref, rt_ref, w2_ref, b2_ref,
                  g_ref, bb_ref, out_ref):
    hm = hm_ref[...]
    ci = ci_ref[...]
    acc = jnp.dot(hm, rt_ref[...], preferred_element_type=_f32)
    acc = acc + b2_ref[...][None, :]
    for r in range(R):
        a_r = agg_ref[0, r] + agg_ref[1, r]
        acc = acc + jnp.dot(a_r * ci[:, r:r + 1], w2_ref[r],
                            preferred_element_type=_f32)
    m = jnp.mean(acc, axis=-1, keepdims=True)
    var = jnp.mean((acc - m) ** 2, axis=-1, keepdims=True)
    y = (acc - m) / jnp.sqrt(var + 1e-5) * g_ref[...][None, :] + bb_ref[...][None, :]
    out_ref[...] = jnp.maximum(y, 0.0) + hm


def _phase_d(hmid, agg, cinv, root2, rel_W2, bias2, ln2_g, ln2_b):
    full = lambda shp: pl.BlockSpec(shp, lambda i: tuple(0 for _ in shp))
    return pl.pallas_call(
        _phase_d_body,
        grid=(N // BN,),
        in_specs=[
            pl.BlockSpec((BN, H), lambda i: (i, 0)),
            pl.BlockSpec((NC, R, BN, H), lambda i: (0, 0, i, 0)),
            pl.BlockSpec((BN, R), lambda i: (i, 0)),
            full((H, H)), full((R, H, H)), full((H,)), full((H,)), full((H,)),
        ],
        out_specs=pl.BlockSpec((BN, H), lambda i: (i, 0)),
        out_shape=jax.ShapeDtypeStruct((N, H), _f32),
    )(hmid, agg, cinv, root2, rel_W2, bias2, ln2_g, ln2_b)


def kernel(x, edge_index, W_emb, b_emb, rp_W1, rp_b1, rp_W2, rp_b2,
           rel_W1, root1, bias1, ln1_g, ln1_b,
           rel_W2, root2, bias2, ln2_g, ln2_b):
    row = edge_index[0]
    col = edge_index[1]
    xf = x[:, 0]
    w = W_emb[0]

    ones_in = jnp.ones((BLK,), _f32)
    zeros_a = jnp.zeros((SLOT_PER_SUB,), _f32)
    zeros_c = jnp.zeros((AGG_PER_SUB, H), _f32)

    xr, xc = _phase_a1(xf, row, col)
    et = _phase_a2(xr, xc, w, b_emb, rp_W1, rp_b1, rp_W2, rp_b2)
    sum_p, cnt_p = _phase_a3(col, et, xr, ones_in, zeros_a)
    s_nr = sum_p[:, :N * R].reshape(NC, N, R)
    c_nr = cnt_p[:, :N * R].reshape(NC, N, R)

    hp = lax.Precision.HIGHEST
    U = jnp.einsum("h,rhk->rk", w, rel_W1, precision=hp)
    V = jnp.einsum("h,rhk->rk", b_emb, rel_W1, precision=hp)
    g1 = jnp.dot(w, root1, precision=hp)
    h0 = jnp.dot(b_emb, root1, precision=hp)

    hmid, cinv = _phase_b(x, s_nr, c_nr, U, V, g1, h0, bias1, ln1_g, ln1_b,
                          w, b_emb)
    agg = _phase_c(hmid, row, col, et, zeros_c)
    return _phase_d(hmid, agg, cinv, root2, rel_W2, bias2, ln2_g, ln2_b)

# --- scband reference (transcript-rebuilt; emitter-appended) ---
"""Pipeline reference for scband-simple-heterogeneous-microbial-gnn-59502476919387 (READ-ONLY COPY).

The authoritative reference and input builder live on the scoring server;
editing this copy changes nothing except your own understanding.
"""

import jax, jax.numpy as jnp
import numpy as np

N = 50000
E = 800000
H = 32
R = 3

def setup_inputs(seed: int = 0) -> dict:
    key = jax.random.key(seed)
    ks = jax.random.split(key, 20)
    x = jax.random.normal(ks[0], (N, 1), dtype=jnp.float32)
    edge_index = jax.random.randint(ks[1], (2, E), 0, N, dtype=jnp.int32)
    s = 0.1
    return {
        'x': x,
        'edge_index': edge_index,
        'W_emb': jax.random.normal(ks[2], (1, H), dtype=jnp.float32) * s,
        'b_emb': jnp.zeros((H,), dtype=jnp.float32),
        'rp_W1': jax.random.normal(ks[3], (2 * H, H // 2), dtype=jnp.float32) * s,
        'rp_b1': jnp.zeros((H // 2,), dtype=jnp.float32),
        'rp_W2': jax.random.normal(ks[4], (H // 2, R), dtype=jnp.float32) * s,
        'rp_b2': jnp.zeros((R,), dtype=jnp.float32),
        'rel_W1': jax.random.normal(ks[5], (R, H, H), dtype=jnp.float32) * s,
        'root1': jax.random.normal(ks[6], (H, H), dtype=jnp.float32) * s,
        'bias1': jnp.zeros((H,), dtype=jnp.float32),
        'ln1_g': jnp.ones((H,), dtype=jnp.float32),
        'ln1_b': jnp.zeros((H,), dtype=jnp.float32),
        'rel_W2': jax.random.normal(ks[7], (R, H, H), dtype=jnp.float32) * s,
        'root2': jax.random.normal(ks[8], (H, H), dtype=jnp.float32) * s,
        'bias2': jnp.zeros((H,), dtype=jnp.float32),
        'ln2_g': jnp.ones((H,), dtype=jnp.float32),
        'ln2_b': jnp.zeros((H,), dtype=jnp.float32),
    }

def _layer_norm(z, g, b):
    m = z.mean(axis=-1, keepdims=True)
    v = ((z - m) ** 2).mean(axis=-1, keepdims=True)
    return (z - m) / jnp.sqrt(v + 1e-5) * g + b

def reference(x, edge_index, W_emb, b_emb, rp_W1, rp_b1, rp_W2, rp_b2,
              rel_W1, root1, bias1, ln1_g, ln1_b,
              rel_W2, root2, bias2, ln2_g, ln2_b):
    row = edge_index[0]
    col = edge_index[1]
    n = x.shape[0]
    h = x @ W_emb + b_emb
    # relation predictor on edge features [h[row], h[col]] -> softmax -> argmax
    ef = jnp.concatenate([h[row], h[col]], axis=1)
    hid = jnp.maximum(ef @ rp_W1 + rp_b1, 0.0)
    logits = hid @ rp_W2 + rp_b2
    probs = jax.nn.softmax(logits, axis=-1)
    etypes = jnp.argmax(probs, axis=1)

    def rgcn(hh, W, root, bias):
        out = hh @ root + bias
        for r in range(R):
            m = (etypes == r).astype(hh.dtype)
            msg = (hh[row] @ W[r]) * m[:, None]
            ssum = jax.ops.segment_sum(msg, col, num_segments=n)
            cnt = jax.ops.segment_sum(m, col, num_segments=n)
            out = out + ssum / jnp.clip(cnt, 1.0)[:, None]
        return out

    h1 = rgcn(h, rel_W1, root1, bias1)
    h1 = _layer_norm(h1, ln1_g, ln1_b)
    h = jnp.maximum(h1, 0.0) + h
    h2 = rgcn(h, rel_W2, root2, bias2)
    h2 = _layer_norm(h2, ln2_g, ln2_b)
    h = jnp.maximum(h2, 0.0) + h
    return h

if __name__ == "__main__":
    import jax
    _d = setup_inputs()
    print(jax.jit(kernel)(*tuple(_d.values())))

</pallas_src>

<mosaic_0001>
#map = affine_map<(d0, d1) -> (0, 0)>
#map1 = affine_map<(d0, d1) -> (0)>
#map2 = affine_map<(d0, d1) -> (0, 0, 0, 0)>
module attributes {stable_mosaic.version = 14 : i64} {
  func.func @_phase_c(%arg0: i32, %arg1: i32, %arg2: memref<50000x32xf32, #tpu.memory_space<hbm>>, %arg3: memref<800000xi32, #tpu.memory_space<hbm>>, %arg4: memref<800000xi32, #tpu.memory_space<hbm>>, %arg5: memref<819200xi32, #tpu.memory_space<hbm>>, %arg6: memref<3136x32xf32, #tpu.memory_space<hbm>>, %arg7: memref<2x3x50176x32xf32, #tpu.memory_space<hbm>>, %arg8: memref<1280xi32, #tpu.memory_space<vmem>>, %arg9: memref<1280xi32, #tpu.memory_space<vmem>>, %arg10: memref<1280xi32, #tpu.memory_space<vmem>>, %arg11: memref<10x128xi32, #tpu.memory_space<vmem>>, %arg12: memref<5x128x32xf32, #tpu.memory_space<vmem>>, %arg13: memref<50176x32xf32, #tpu.memory_space<vmem_shared>>, %arg14: memref<!tpu.dma_semaphore, #tpu.memory_space<semaphore_mem>>, %arg15: memref<!tpu.dma_semaphore, #tpu.memory_space<semaphore_mem>>) attributes {dimension_semantics = [#tpu.dimension_semantics<core_parallel>, #tpu.dimension_semantics<subcore_parallel>], iteration_bounds = array<i64: 2, 16>, scalar_prefetch = 0 : i64, scratch_operands = 8 : i64, tpu.core_type = #tpu.core_type<sc_vector_subcore>, window_params = [{transform_indices = #map}, {transform_indices = #map1}, {transform_indices = #map1}, {transform_indices = #map1}, {transform_indices = #map}, {transform_indices = #map2}]} {
    %mul3A = arith.constant 16 : i32
    %mul3A_0 = arith.muli %arg0, %mul3A : i32
    %add3A = arith.addi %mul3A_0, %arg1 : i32
    %mul3A_1 = arith.constant 3136 : i32
    %mul3A_2 = arith.muli %arg1, %mul3A_1 : i32
    %scan3A = arith.constant 0 : i32
    %scan3A_3 = arith.constant 3 : i32
    %scan3A_4 = arith.addi %scan3A, %scan3A_3 : i32
    %scan3A_5 = arith.constant 1 : i32
    scf.for %scan3A_7 = %scan3A to %scan3A_4 step %scan3A_5  : i32 {
      %mul3A_8 = arith.constant 1 : i32
      %mul3A_9 = arith.muli %scan3A_7, %mul3A_8 : i32
      %add3A_10 = arith.constant 0 : i32
      %add3A_11 = arith.addi %add3A_10, %mul3A_9 : i32
      "tpu.region"() ({
        %run_scoped3A = tpu.sem_alloc : memref<!tpu.dma_semaphore, #tpu.memory_space<semaphore_mem>>
        %dma_start3A = arith.constant 0 : i32
        %dma_start3A_19 = tpu.memref_slice %arg13[%mul3A_2, %dma_start3A] : memref<50176x32xf32, #tpu.memory_space<vmem_shared>> -> memref<3136x32xf32, #tpu.memory_space<vmem_shared>>
        tpu.enqueue_dma source(%arg6 : memref<3136x32xf32, #tpu.memory_space<hbm>>) target(%dma_start3A_19 : memref<3136x32xf32, #tpu.memory_space<vmem_shared>>) target_semaphore(%run_scoped3A : memref<!tpu.dma_semaphore, #tpu.memory_space<semaphore_mem>>)
        %dma_wait3A = arith.constant 0 : i32
        %dma_wait3A_20 = tpu.memref_slice %arg13[%mul3A_2, %dma_wait3A] : memref<50176x32xf32, #tpu.memory_space<vmem_shared>> -> memref<3136x32xf32, #tpu.memory_space<vmem_shared>>
        tpu.wait_dma2 semaphore(%run_scoped3A : memref<!tpu.dma_semaphore, #tpu.memory_space<semaphore_mem>>) src(%arg6 : memref<3136x32xf32, #tpu.memory_space<hbm>>) dst(%dma_wait3A_20 : memref<3136x32xf32, #tpu.memory_space<vmem_shared>>)
        tpu.yield
      }) : () -> ()
      %barrier3A = arith.constant 0 : index
      tpu.barrier barrier_id(%barrier3A)
      %scan3A_12 = arith.constant 0 : i32
      %scan3A_13 = arith.constant 20 : i32
      %scan3A_14 = arith.addi %scan3A_12, %scan3A_13 : i32
      %scan3A_15 = arith.constant 1 : i32
      scf.for %scan3A_19 = %scan3A_12 to %scan3A_14 step %scan3A_15  : i32 {
        %mul3A_20 = arith.constant 1 : i32
        %mul3A_21 = arith.muli %scan3A_19, %mul3A_20 : i32
        %add3A_22 = arith.constant 0 : i32
        %add3A_23 = arith.addi %add3A_22, %mul3A_21 : i32
        %mul3A_24 = arith.constant 32 : i32
        %mul3A_25 = arith.muli %add3A_23, %mul3A_24 : i32
        %add3A_26 = arith.addi %add3A, %mul3A_25 : i32
        %lt3A = arith.constant 625 : i32
        %lt3A_27 = arith.cmpi slt, %add3A_26, %lt3A : i32
        %convert_element_type3A = arith.extui %lt3A_27 : i1 to i32
        %cond3A = arith.constant 0 : i32
        %cond3A_28 = arith.cmpi ne, %convert_element_type3A, %cond3A : i32
        scf.if %cond3A_28 {
          %mul3A_29 = arith.constant 1280 : i32
          %mul3A_30 = arith.muli %add3A_26, %mul3A_29 : i32
          %dma_start3A = tpu.memref_slice %arg3[%mul3A_30] : memref<800000xi32, #tpu.memory_space<hbm>> -> memref<1280xi32, #tpu.memory_space<hbm>>
          %dma_start3A_31 = tpu.memref_slice %arg3[%mul3A_30] : memref<800000xi32, #tpu.memory_space<hbm>> -> memref<1280xi32, #tpu.memory_space<hbm>>
          tpu.enqueue_dma source(%dma_start3A_31 : memref<1280xi32, #tpu.memory_space<hbm>>) target(%arg8 : memref<1280xi32, #tpu.memory_space<vmem>>) target_semaphore(%arg14 : memref<!tpu.dma_semaphore, #tpu.memory_space<semaphore_mem>>)
          %dma_start3A_32 = tpu.memref_slice %arg4[%mul3A_30] : memref<800000xi32, #tpu.memory_space<hbm>> -> memref<1280xi32, #tpu.memory_space<hbm>>
          %dma_start3A_33 = tpu.memref_slice %arg4[%mul3A_30] : memref<800000xi32, #tpu.memory_space<hbm>> -> memref<1280xi32, #tpu.memory_space<hbm>>
          tpu.enqueue_dma source(%dma_start3A_33 : memref<1280xi32, #tpu.memory_space<hbm>>) target(%arg9 : memref<1280xi32, #tpu.memory_space<vmem>>) target_semaphore(%arg14 : memref<!tpu.dma_semaphore, #tpu.memory_space<semaphore_mem>>)
          %dma_start3A_34 = tpu.memref_slice %arg5[%mul3A_30] : memref<819200xi32, #tpu.memory_space<hbm>> -> memref<1280xi32, #tpu.memory_space<hbm>>
          %dma_start3A_35 = tpu.memref_slice %arg5[%mul3A_30] : memref<819200xi32, #tpu.memory_space<hbm>> -> memref<1280xi32, #tpu.memory_space<hbm>>
          tpu.enqueue_dma source(%dma_start3A_35 : memref<1280xi32, #tpu.memory_space<hbm>>) target(%arg10 : memref<1280xi32, #tpu.memory_space<vmem>>) target_semaphore(%arg14 : memref<!tpu.dma_semaphore, #tpu.memory_space<semaphore_mem>>)
          %dma_wait3A = tpu.memref_slice %arg3[%mul3A_30] : memref<800000xi32, #tpu.memory_space<hbm>> -> memref<1280xi32, #tpu.memory_space<hbm>>
          %dma_wait3A_36 = tpu.memref_slice %arg3[%mul3A_30] : memref<800000xi32, #tpu.memory_space<hbm>> -> memref<1280xi32, #tpu.memory_space<hbm>>
          tpu.wait_dma2 semaphore(%arg14 : memref<!tpu.dma_semaphore, #tpu.memory_space<semaphore_mem>>) src(%dma_wait3A_36 : memref<1280xi32, #tpu.memory_space<hbm>>) dst(%arg8 : memref<1280xi32, #tpu.memory_space<vmem>>)
          %dma_wait3A_37 = tpu.memref_slice %arg4[%mul3A_30] : memref<800000xi32, #tpu.memory_space<hbm>> -> memref<1280xi32, #tpu.memory_space<hbm>>
          %dma_wait3A_38 = tpu.memref_slice %arg4[%mul3A_30] : memref<800000xi32, #tpu.memory_space<hbm>> -> memref<1280xi32, #tpu.memory_space<hbm>>
          tpu.wait_dma2 semaphore(%arg14 : memref<!tpu.dma_semaphore, #tpu.memory_space<semaphore_mem>>) src(%dma_wait3A_38 : memref<1280xi32, #tpu.memory_space<hbm>>) dst(%arg9 : memref<1280xi32, #tpu.memory_space<vmem>>)
          %dma_wait3A_39 = tpu.memref_slice %arg5[%mul3A_30] : memref<819200xi32, #tpu.memory_space<hbm>> -> memref<1280xi32, #tpu.memory_space<hbm>>
          %dma_wait3A_40 = tpu.memref_slice %arg5[%mul3A_30] : memref<819200xi32, #tpu.memory_space<hbm>> -> memref<1280xi32, #tpu.memory_space<hbm>>
          tpu.wait_dma2 semaphore(%arg14 : memref<!tpu.dma_semaphore, #tpu.memory_space<semaphore_mem>>) src(%dma_wait3A_40 : memref<1280xi32, #tpu.memory_space<hbm>>) dst(%arg10 : memref<1280xi32, #tpu.memory_space<vmem>>)
          %scan3A_41 = arith.constant 0 : i32
          %scan3A_42 = arith.constant 10 : i32
          %scan3A_43 = arith.addi %scan3A_41, %scan3A_42 : i32
          %scan3A_44 = arith.constant 1 : i32
          scf.for %scan3A_486 = %scan3A_41 to %scan3A_43 step %scan3A_44  : i32 {
            %mul3A_487 = arith.constant 1 : i32
            %mul3A_488 = arith.muli %scan3A_486, %mul3A_487 : i32
            %add3A_489 = arith.constant 0 : i32
            %add3A_490 = arith.addi %add3A_489, %mul3A_488 : i32
            %scan3A_491 = arith.constant 0 : i32
            %scan3A_492 = arith.constant 8 : i32
            %scan3A_493 = arith.addi %scan3A_491, %scan3A_492 : i32
            %scan3A_494 = arith.constant 1 : i32
            scf.for %scan3A_496 = %scan3A_491 to %scan3A_493 step %scan3A_494  : i32 {
              %mul3A_497 = arith.constant 16 : i32
              %mul3A_498 = arith.muli %scan3A_496, %mul3A_497 : i32
              %add3A_499 = arith.constant 0 : i32
              %add3A_500 = arith.addi %add3A_499, %mul3A_498 : i32
              %mul3A_501 = arith.constant 128 : i32
              %mul3A_502 = arith.muli %add3A_490, %mul3A_501 : i32
              %add3A_503 = arith.addi %mul3A_502, %add3A_500 : i32
              %iota3A = tpu.iota {dimensions = array<i32: 0>} : vector<16xi32>
              %add3A_504 = arith.constant 50000 : i32
              %add3A_505 = vector.broadcast %add3A_504 : i32 to vector<16xi32>
              %add3A_506 = arith.addi %add3A_505, %iota3A : vector<16xi32>
              %add3A_507 = vector.broadcast %add3A_500 : i32 to vector<16xi32>
              %add3A_508 = arith.addi %add3A_506, %add3A_507 : vector<16xi32>
              %get3A = arith.index_cast %add3A_503 : i32 to index
              %get3A_509 = tpu.vector_load %arg10[%get3A] {strides = array<i32>} : memref<1280xi32, #tpu.memory_space<vmem>>, vector<16xi32>,
              %get3A_510 = vector.shape_cast %get3A_509 : vector<16xi32> to vector<16xi32>
              %eq3A = vector.broadcast %add3A_11 : i32 to vector<16xi32>
              %eq3A_511 = arith.cmpi eq, %get3A_510, %eq3A : vector<16xi32>
              %get3A_512 = arith.index_cast %add3A_503 : i32 to index
              %get3A_513 = tpu.vector_load %arg9[%get3A_512] {strides = array<i32>} : memref<1280xi32, #tpu.memory_space<vmem>>, vector<16xi32>,
              %get3A_514 = vector.shape_cast %get3A_513 : vector<16xi32> to vector<16xi32>
              %select_n3A = arith.select %eq3A_511, %get3A_514, %add3A_508 : vector<16xi1>, vector<16xi32>
              %swap3A = arith.index_cast %add3A_490 : i32 to index
              %swap3A_515 = arith.index_cast %add3A_500 : i32 to index
              %swap3A_516 = tpu.vector_load %arg11[%swap3A, %swap3A_515] {strides = array<i32>} : memref<10x128xi32, #tpu.memory_space<vmem>>, vector<1x16xi32>,
              %swap3A_517 = vector.shape_cast %swap3A_516 : vector<1x16xi32> to vector<16xi32>
              %swap3A_518 = vector.shape_cast %select_n3A : vector<16xi32> to vector<1x16xi32>
              tpu.vector_store %arg11[%swap3A, %swap3A_515], %swap3A_518 {strides = array<i32>} : memref<10x128xi32, #tpu.memory_space<vmem>>, vector<1x16xi32>,
            }
            %scan3A_495 = arith.constant 8 : i32
          }
          %scan3A_45 = arith.constant 10 : i32
          %dma_start3A_46 = arith.constant 0 : i32
          %dma_start3A_47 = arith.constant 0 : i32
          %dma_start3A_48 = arith.constant 0 : i32
          %dma_start3A_49 = tpu.memref_slice %arg12[%dma_start3A_46, %dma_start3A_47, %dma_start3A_48] : memref<5x128x32xf32, #tpu.memory_space<vmem>> -> memref<1x128x32xf32, #tpu.memory_space<vmem>>
          %dma_start3A_50 = tpu.memref_squeeze %dma_start3A_49 : memref<1x128x32xf32, #tpu.memory_space<vmem>> -> memref<128x32xf32, #tpu.memory_space<vmem>>
          %dma_start3A_51 = arith.constant 0 : i32
          %dma_start3A_52 = tpu.memref_slice %arg8[%dma_start3A_51] : memref<1280xi32, #tpu.memory_space<vmem>> -> memref<128xi32, #tpu.memory_space<vmem>>
          %dma_start3A_53 = arith.constant 0 : i32
          %dma_start3A_54 = arith.constant 0 : i32
          %dma_start3A_55 = tpu.memref_slice %arg2[%dma_start3A_53, %dma_start3A_54] : memref<50000x32xf32, #tpu.memory_space<hbm>> -> memref<50000x32xf32, #tpu.memory_space<hbm>>
          tpu.enqueue_indirect_dma source(%dma_start3A_55 : memref<50000x32xf32, #tpu.memory_space<hbm>>) target(%dma_start3A_50 : memref<128x32xf32, #tpu.memory_space<vmem>>) offsets(%dma_start3A_52 : memref<128xi32, #tpu.memory_space<vmem>>) semaphore(%arg14 : memref<!tpu.dma_semaphore, #tpu.memory_space<semaphore_mem>>)
          %dma_start3A_56 = arith.constant 1 : i32
          %dma_start3A_57 = arith.constant 0 : i32
          %dma_start3A_58 = arith.constant 0 : i32
          %dma_start3A_59 = tpu.memref_slice %arg12[%dma_start3A_56, %dma_start3A_57, %dma_start3A_58] : memref<5x128x32xf32, #tpu.memory_space<vmem>> -> memref<1x128x32xf32, #tpu.memory_space<vmem>>
          %dma_start3A_60 = tpu.memref_squeeze %dma_start3A_59 : memref<1x128x32xf32, #tpu.memory_space<vmem>> -> memref<128x32xf32, #tpu.memory_space<vmem>>
          %dma_start3A_61 = arith.constant 128 : i32
          %dma_start3A_62 = tpu.memref_slice %arg8[%dma_start3A_61] : memref<1280xi32, #tpu.memory_space<vmem>> -> memref<128xi32, #tpu.memory_space<vmem>>
          %dma_start3A_63 = arith.constant 0 : i32
          %dma_start3A_64 = arith.constant 0 : i32
          %dma_start3A_65 = tpu.memref_slice %arg2[%dma_start3A_63, %dma_start3A_64] : memref<50000x32xf32, #tpu.memory_space<hbm>> -> memref<50000x32xf32, #tpu.memory_space<hbm>>
          tpu.enqueue_indirect_dma source(%dma_start3A_65 : memref<50000x32xf32, #tpu.memory_space<hbm>>) target(%dma_start3A_60 : memref<128x32xf32, #tpu.memory_space<vmem>>) offsets(%dma_start3A_62 : memref<128xi32, #tpu.memory_space<vmem>>) semaphore(%arg14 : memref<!tpu.dma_semaphore, #tpu.memory_space<semaphore_mem>>)
          %dma_start3A_66 = arith.constant 2 : i32
          %dma_start3A_67 = arith.constant 0 : i32
          %dma_start3A_68 = arith.constant 0 : i32
          %dma_start3A_69 = tpu.memref_slice %arg12[%dma_start3A_66, %dma_start3A_67, %dma_start3A_68] : memref<5x128x32xf32, #tpu.memory_space<vmem>> -> memref<1x128x32xf32, #tpu.memory_space<vmem>>
          %dma_start3A_70 = tpu.memref_squeeze %dma_start3A_69 : memref<1x128x32xf32, #tpu.memory_space<vmem>> -> memref<128x32xf32, #tpu.memory_space<vmem>>
          %dma_start3A_71 = arith.constant 256 : i32
          %dma_start3A_72 = tpu.memref_slice %arg8[%dma_start3A_71] : memref<1280xi32, #tpu.memory_space<vmem>> -> memref<128xi32, #tpu.memory_space<vmem>>
          %dma_start3A_73 = arith.constant 0 : i32
          %dma_start3A_74 = arith.constant 0 : i32
          %dma_start3A_75 = tpu.memref_slice %arg2[%dma_start3A_73, %dma_start3A_74] : memref<50000x32xf32, #tpu.memory_space<hbm>> -> memref<50000x32xf32, #tpu.memory_space<hbm>>
          tpu.enqueue_indirect_dma source(%dma_start3A_75 : memref<50000x32xf32, #tpu.memory_space<hbm>>) target(%dma_start3A_70 : memref<128x32xf32, #tpu.memory_space<vmem>>) offsets(%dma_start3A_72 : memref<128xi32, #tpu.memory_space<vmem>>) semaphore(%arg14 : memref<!tpu.dma_semaphore, #tpu.memory_space<semaphore_mem>>)
          %dma_start3A_76 = arith.constant 3 : i32
          %dma_start3A_77 = arith.constant 0 : i32
          %dma_start3A_78 = arith.constant 0 : i32
          %dma_start3A_79 = tpu.memref_slice %arg12[%dma_start3A_76, %dma_start3A_77, %dma_start3A_78] : memref<5x128x32xf32, #tpu.memory_space<vmem>> -> memref<1x128x32xf32, #tpu.memory_space<vmem>>
          %dma_start3A_80 = tpu.memref_squeeze %dma_start3A_79 : memref<1x128x32xf32, #tpu.memory_space<vmem>> -> memref<128x32xf32, #tpu.memory_space<vmem>>
          %dma_start3A_81 = arith.constant 384 : i32
          %dma_start3A_82 = tpu.memref_slice %arg8[%dma_start3A_81] : memref<1280xi32, #tpu.memory_space<vmem>> -> memref<128xi32, #tpu.memory_space<vmem>>
          %dma_start3A_83 = arith.constant 0 : i32
          %dma_start3A_84 = arith.constant 0 : i32
          %dma_start3A_85 = tpu.memref_slice %arg2[%dma_start3A_83, %dma_start3A_84] : memref<50000x32xf32, #tpu.memory_space<hbm>> -> memref<50000x32xf32, #tpu.memory_space<hbm>>
          tpu.enqueue_indirect_dma source(%dma_start3A_85 : memref<50000x32xf32, #tpu.memory_space<hbm>>) target(%dma_start3A_80 : memref<128x32xf32, #tpu.memory_space<vmem>>) offsets(%dma_start3A_82 : memref<128xi32, #tpu.memory_space<vmem>>) semaphore(%arg14 : memref<!tpu.dma_semaphore, #tpu.memory_space<semaphore_mem>>)
          %dma_start3A_86 = arith.constant 4 : i32
          %dma_start3A_87 = arith.constant 0 : i32
          %dma_start3A_88 = arith.constant 0 : i32
          %dma_start3A_89 = tpu.memref_slice %arg12[%dma_start3A_86, %dma_start3A_87, %dma_start3A_88] : memref<5x128x32xf32, #tpu.memory_space<vmem>> -> memref<1x128x32xf32, #tpu.memory_space<vmem>>
          %dma_start3A_90 = tpu.memref_squeeze %dma_start3A_89 : memref<1x128x32xf32, #tpu.memory_space<vmem>> -> memref<128x32xf32, #tpu.memory_space<vmem>>
          %dma_start3A_91 = arith.constant 512 : i32
          %dma_start3A_92 = tpu.memref_slice %arg8[%dma_start3A_91] : memref<1280xi32, #tpu.memory_space<vmem>> -> memref<128xi32, #tpu.memory_space<vmem>>
          %dma_start3A_93 = arith.constant 0 : i32
          %dma_start3A_94 = arith.constant 0 : i32
          %dma_start3A_95 = tpu.memref_slice %arg2[%dma_start3A_93, %dma_start3A_94] : memref<50000x32xf32, #tpu.memory_space<hbm>> -> memref<50000x32xf32, #tpu.memory_space<hbm>>
          tpu.enqueue_indirect_dma source(%dma_start3A_95 : memref<50000x32xf32, #tpu.memory_space<hbm>>) target(%dma_start3A_90 : memref<128x32xf32, #tpu.memory_space<vmem>>) offsets(%dma_start3A_92 : memref<128xi32, #tpu.memory_space<vmem>>) semaphore(%arg14 : memref<!tpu.dma_semaphore, #tpu.memory_space<semaphore_mem>>)
          %dma_wait3A_96 = arith.constant 0 : i32
          %dma_wait3A_97 = arith.constant 0 : i32
          %dma_wait3A_98 = arith.constant 0 : i32
          %dma_wait3A_99 = tpu.memref_slice %arg12[%dma_wait3A_96, %dma_wait3A_97, %dma_wait3A_98] : memref<5x128x32xf32, #tpu.memory_space<vmem>> -> memref<1x128x32xf32, #tpu.memory_space<vmem>>
          %dma_wait3A_100 = tpu.memref_squeeze %dma_wait3A_99 : memref<1x128x32xf32, #tpu.memory_space<vmem>> -> memref<128x32xf32, #tpu.memory_space<vmem>>
          %dma_wait3A_101 = arith.constant 0 : i32
          %dma_wait3A_102 = tpu.memref_slice %arg8[%dma_wait3A_101] : memref<1280xi32, #tpu.memory_space<vmem>> -> memref<128xi32, #tpu.memory_space<vmem>>
          %dma_wait3A_103 = arith.constant 0 : i32
          %dma_wait3A_104 = arith.constant 0 : i32
          %dma_wait3A_105 = tpu.memref_slice %arg2[%dma_wait3A_103, %dma_wait3A_104] : memref<50000x32xf32, #tpu.memory_space<hbm>> -> memref<50000x32xf32, #tpu.memory_space<hbm>>
          tpu.wait_indirect_dma semaphore(%arg14 : memref<!tpu.dma_semaphore, #tpu.memory_space<semaphore_mem>>) src(%dma_wait3A_105 : memref<50000x32xf32, #tpu.memory_space<hbm>>) dst(%dma_wait3A_100 : memref<128x32xf32, #tpu.memory_space<vmem>>)
          %dma_wait3A_106 = arith.constant 1 : i32
          %dma_wait3A_107 = arith.constant 0 : i32
          %dma_wait3A_108 = arith.constant 0 : i32
          %dma_wait3A_109 = tpu.memref_slice %arg12[%dma_wait3A_106, %dma_wait3A_107, %dma_wait3A_108] : memref<5x128x32xf32, #tpu.memory_space<vmem>> -> memref<1x128x32xf32, #tpu.memory_space<vmem>>
          %dma_wait3A_110 = tpu.memref_squeeze %dma_wait3A_109 : memref<1x128x32xf32, #tpu.memory_space<vmem>> -> memref<128x32xf32, #tpu.memory_space<vmem>>
          %dma_wait3A_111 = arith.constant 128 : i32
          %dma_wait3A_112 = tpu.memref_slice %arg8[%dma_wait3A_111] : memref<1280xi32, #tpu.memory_space<vmem>> -> memref<128xi32, #tpu.memory_space<vmem>>
          %dma_wait3A_113 = arith.constant 0 : i32
          %dma_wait3A_114 = arith.constant 0 : i32
          %dma_wait3A_115 = tpu.memref_slice %arg2[%dma_wait3A_113, %dma_wait3A_114] : memref<50000x32xf32, #tpu.memory_space<hbm>> -> memref<50000x32xf32, #tpu.memory_space<hbm>>
          tpu.wait_indirect_dma semaphore(%arg14 : memref<!tpu.dma_semaphore, #tpu.memory_space<semaphore_mem>>) src(%dma_wait3A_115 : memref<50000x32xf32, #tpu.memory_space<hbm>>) dst(%dma_wait3A_110 : memref<128x32xf32, #tpu.memory_space<vmem>>)
          %dma_wait3A_116 = arith.constant 2 : i32
          %dma_wait3A_117 = arith.constant 0 : i32
          %dma_wait3A_118 = arith.constant 0 : i32
          %dma_wait3A_119 = tpu.memref_slice %arg12[%dma_wait3A_116, %dma_wait3A_117, %dma_wait3A_118] : memref<5x128x32xf32, #tpu.memory_space<vmem>> -> memref<1x128x32xf32, #tpu.memory_space<vmem>>
          %dma_wait3A_120 = tpu.memref_squeeze %dma_wait3A_119 : memref<1x128x32xf32, #tpu.memory_space<vmem>> -> memref<128x32xf32, #tpu.memory_space<vmem>>
          %dma_wait3A_121 = arith.constant 256 : i32
          %dma_wait3A_122 = tpu.memref_slice %arg8[%dma_wait3A_121] : memref<1280xi32, #tpu.memory_space<vmem>> -> memref<128xi32, #tpu.memory_space<vmem>>
          %dma_wait3A_123 = arith.constant 0 : i32
          %dma_wait3A_124 = arith.constant 0 : i32
          %dma_wait3A_125 = tpu.memref_slice %arg2[%dma_wait3A_123, %dma_wait3A_124] : memref<50000x32xf32, #tpu.memory_space<hbm>> -> memref<50000x32xf32, #tpu.memory_space<hbm>>
          tpu.wait_indirect_dma semaphore(%arg14 : memref<!tpu.dma_semaphore, #tpu.memory_space<semaphore_mem>>) src(%dma_wait3A_125 : memref<50000x32xf32, #tpu.memory_space<hbm>>) dst(%dma_wait3A_120 : memref<128x32xf32, #tpu.memory_space<vmem>>)
          %dma_wait3A_126 = arith.constant 3 : i32
          %dma_wait3A_127 = arith.constant 0 : i32
          %dma_wait3A_128 = arith.constant 0 : i32
          %dma_wait3A_129 = tpu.memref_slice %arg12[%dma_wait3A_126, %dma_wait3A_127, %dma_wait3A_128] : memref<5x128x32xf32, #tpu.memory_space<vmem>> -> memref<1x128x32xf32, #tpu.memory_space<vmem>>
          %dma_wait3A_130 = tpu.memref_squeeze %dma_wait3A_129 : memref<1x128x32xf32, #tpu.memory_space<vmem>> -> memref<128x32xf32, #tpu.memory_space<vmem>>
          %dma_wait3A_131 = arith.constant 384 : i32
          %dma_wait3A_132 = tpu.memref_slice %arg8[%dma_wait3A_131] : memref<1280xi32, #tpu.memory_space<vmem>> -> memref<128xi32, #tpu.memory_space<vmem>>
          %dma_wait3A_133 = arith.constant 0 : i32
          %dma_wait3A_134 = arith.constant 0 : i32
          %dma_wait3A_135 = tpu.memref_slice %arg2[%dma_wait3A_133, %dma_wait3A_134] : memref<50000x32xf32, #tpu.memory_space<hbm>> -> memref<50000x32xf32, #tpu.memory_space<hbm>>
          tpu.wait_indirect_dma semaphore(%arg14 : memref<!tpu.dma_semaphore, #tpu.memory_space<semaphore_mem>>) src(%dma_wait3A_135 : memref<50000x32xf32, #tpu.memory_space<hbm>>) dst(%dma_wait3A_130 : memref<128x32xf32, #tpu.memory_space<vmem>>)
          %dma_wait3A_136 = arith.constant 4 : i32
          %dma_wait3A_137 = arith.constant 0 : i32
          %dma_wait3A_138 = arith.constant 0 : i32
          %dma_wait3A_139 = tpu.memref_slice %arg12[%dma_wait3A_136, %dma_wait3A_137, %dma_wait3A_138] : memref<5x128x32xf32, #tpu.memory_space<vmem>> -> memref<1x128x32xf32, #tpu.memory_space<vmem>>
          %dma_wait3A_140 = tpu.memref_squeeze %dma_wait3A_139 : memref<1x128x32xf32, #tpu.memory_space<vmem>> -> memref<128x32xf32, #tpu.memory_space<vmem>>
          %dma_wait3A_141 = arith.constant 512 : i32
          %dma_wait3A_142 = tpu.memref_slice %arg8[%dma_wait3A_141] : memref<1280xi32, #tpu.memory_space<vmem>> -> memref<128xi32, #tpu.memory_space<vmem>>
          %dma_wait3A_143 = arith.constant 0 : i32
          %dma_wait3A_144 = arith.constant 0 : i32
          %dma_wait3A_145 = tpu.memref_slice %arg2[%dma_wait3A_143, %dma_wait3A_144] : memref<50000x32xf32, #tpu.memory_space<hbm>> -> memref<50000x32xf32, #tpu.memory_space<hbm>>
          tpu.wait_indirect_dma semaphore(%arg14 : memref<!tpu.dma_semaphore, #tpu.memory_space<semaphore_mem>>) src(%dma_wait3A_145 : memref<50000x32xf32, #tpu.memory_space<hbm>>) dst(%dma_wait3A_140 : memref<128x32xf32, #tpu.memory_space<vmem>>)
          %dma_start3A_146 = arith.constant 0 : i32
          %dma_start3A_147 = arith.constant 0 : i32
          %dma_start3A_148 = arith.constant 0 : i32
          %dma_start3A_149 = arith.constant 0 : i32
          %dma_start3A_150 = tpu.memref_slice %arg12[%dma_start3A_146, %dma_start3A_148, %dma_start3A_149] : memref<5x128x32xf32, #tpu.memory_space<vmem>> -> memref<1x128x32xf32, #tpu.memory_space<vmem>>
          %dma_start3A_151 = tpu.memref_squeeze %dma_start3A_150 : memref<1x128x32xf32, #tpu.memory_space<vmem>> -> memref<128x32xf32, #tpu.memory_space<vmem>>
          %dma_start3A_152 = arith.constant 0 : i32
          %dma_start3A_153 = tpu.memref_slice %arg11[%dma_start3A_147, %dma_start3A_152] : memref<10x128xi32, #tpu.memory_space<vmem>> -> memref<1x128xi32, #tpu.memory_space<vmem>>
          %dma_start3A_154 = tpu.memref_squeeze %dma_start3A_153 : memref<1x128xi32, #tpu.memory_space<vmem>> -> memref<128xi32, #tpu.memory_space<vmem>>
          %dma_start3A_155 = arith.constant 0 : i32
          %dma_start3A_156 = arith.constant 0 : i32
          %dma_start3A_157 = tpu.memref_slice %arg13[%dma_start3A_155, %dma_start3A_156] : memref<50176x32xf32, #tpu.memory_space<vmem_shared>> -> memref<50176x32xf32, #tpu.memory_space<vmem_shared>>
          tpu.enqueue_indirect_dma source(%dma_start3A_151 : memref<128x32xf32, #tpu.memory_space<vmem>>) target(%dma_start3A_157 : memref<50176x32xf32, #tpu.memory_space<vmem_shared>>) offsets(%dma_start3A_154 : memref<128xi32, #tpu.memory_space<vmem>>) semaphore(%arg15 : memref<!tpu.dma_semaphore, #tpu.memory_space<semaphore_mem>>) {add = true}
          %dma_start3A_158 = arith.constant 1 : i32
          %dma_start3A_159 = arith.constant 1 : i32
          %dma_start3A_160 = arith.constant 0 : i32
          %dma_start3A_161 = arith.constant 0 : i32
          %dma_start3A_162 = tpu.memref_slice %arg12[%dma_start3A_158, %dma_start3A_160, %dma_start3A_161] : memref<5x128x32xf32, #tpu.memory_space<vmem>> -> memref<1x128x32xf32, #tpu.memory_space<vmem>>
          %dma_start3A_163 = tpu.memref_squeeze %dma_start3A_162 : memref<1x128x32xf32, #tpu.memory_space<vmem>> -> memref<128x32xf32, #tpu.memory_space<vmem>>
          %dma_start3A_164 = arith.constant 0 : i32
          %dma_start3A_165 = tpu.memref_slice %arg11[%dma_start3A_159, %dma_start3A_164] : memref<10x128xi32, #tpu.memory_space<vmem>> -> memref<1x128xi32, #tpu.memory_space<vmem>>
          %dma_start3A_166 = tpu.memref_squeeze %dma_start3A_165 : memref<1x128xi32, #tpu.memory_space<vmem>> -> memref<128xi32, #tpu.memory_space<vmem>>
          %dma_start3A_167 = arith.constant 0 : i32
          %dma_start3A_168 = arith.constant 0 : i32
          %dma_start3A_169 = tpu.memref_slice %arg13[%dma_start3A_167, %dma_start3A_168] : memref<50176x32xf32, #tpu.memory_space<vmem_shared>> -> memref<50176x32xf32, #tpu.memory_space<vmem_shared>>
          tpu.enqueue_indirect_dma source(%dma_start3A_163 : memref<128x32xf32, #tpu.memory_space<vmem>>) target(%dma_start3A_169 : memref<50176x32xf32, #tpu.memory_space<vmem_shared>>) offsets(%dma_start3A_166 : memref<128xi32, #tpu.memory_space<vmem>>) semaphore(%arg15 : memref<!tpu.dma_semaphore, #tpu.memory_space<semaphore_mem>>) {add = true}
          %dma_start3A_170 = arith.constant 2 : i32
          %dma_start3A_171 = arith.constant 2 : i32
          %dma_start3A_172 = arith.constant 0 : i32
          %dma_start3A_173 = arith.constant 0 : i32
          %dma_start3A_174 = tpu.memref_slice %arg12[%dma_start3A_170, %dma_start3A_172, %dma_start3A_173] : memref<5x128x32xf32, #tpu.memory_space<vmem>> -> memref<1x128x32xf32, #tpu.memory_space<vmem>>
          %dma_start3A_175 = tpu.memref_squeeze %dma_start3A_174 : memref<1x128x32xf32, #tpu.memory_space<vmem>> -> memref<128x32xf32, #tpu.memory_space<vmem>>
          %dma_start3A_176 = arith.constant 0 : i32
          %dma_start3A_177 = tpu.memref_slice %arg11[%dma_start3A_171, %dma_start3A_176] : memref<10x128xi32, #tpu.memory_space<vmem>> -> memref<1x128xi32, #tpu.memory_space<vmem>>
          %dma_start3A_178 = tpu.memref_squeeze %dma_start3A_177 : memref<1x128xi32, #tpu.memory_space<vmem>> -> memref<128xi32, #tpu.memory_space<vmem>>
          %dma_start3A_179 = arith.constant 0 : i32
          %dma_start3A_180 = arith.constant 0 : i32
          %dma_start3A_181 = tpu.memref_slice %arg13[%dma_start3A_179, %dma_start3A_180] : memref<50176x32xf32, #tpu.memory_space<vmem_shared>> -> memref<50176x32xf32, #tpu.memory_space<vmem_shared>>
          tpu.enqueue_indirect_dma source(%dma_start3A_175 : memref<128x32xf32, #tpu.memory_space<vmem>>) target(%dma_start3A_181 : memref<50176x32xf32, #tpu.memory_space<vmem_shared>>) offsets(%dma_start3A_178 : memref<128xi32, #tpu.memory_space<vmem>>) semaphore(%arg15 : memref<!tpu.dma_semaphore, #tpu.memory_space<semaphore_mem>>) {add = true}
          %dma_start3A_182 = arith.constant 3 : i32
          %dma_start3A_183 = arith.constant 3 : i32
          %dma_start3A_184 = arith.constant 0 : i32
          %dma_start3A_185 = arith.constant 0 : i32
          %dma_start3A_186 = tpu.memref_slice %arg12[%dma_start3A_182, %dma_start3A_184, %dma_start3A_185] : memref<5x128x32xf32, #tpu.memory_space<vmem>> -> memref<1x128x32xf32, #tpu.memory_space<vmem>>
          %dma_start3A_187 = tpu.memref_squeeze %dma_start3A_186 : memref<1x128x32xf32, #tpu.memory_space<vmem>> -> memref<128x32xf32, #tpu.memory_space<vmem>>
          %dma_start3A_188 = arith.constant 0 : i32
          %dma_start3A_189 = tpu.memref_slice %arg11[%dma_start3A_183, %dma_start3A_188] : memref<10x128xi32, #tpu.memory_space<vmem>> -> memref<1x128xi32, #tpu.memory_space<vmem>>
          %dma_start3A_190 = tpu.memref_squeeze %dma_start3A_189 : memref<1x128xi32, #tpu.memory_space<vmem>> -> memref<128xi32, #tpu.memory_space<vmem>>
          %dma_start3A_191 = arith.constant 0 : i32
          %dma_start3A_192 = arith.constant 0 : i32
          %dma_start3A_193 = tpu.memref_slice %arg13[%dma_start3A_191, %dma_start3A_192] : memref<50176x32xf32, #tpu.memory_space<vmem_shared>> -> memref<50176x32xf32, #tpu.memory_space<vmem_shared>>
          tpu.enqueue_indirect_dma source(%dma_start3A_187 : memref<128x32xf32, #tpu.memory_space<vmem>>) target(%dma_start3A_193 : memref<50176x32xf32, #tpu.memory_space<vmem_shared>>) offsets(%dma_start3A_190 : memref<128xi32, #tpu.memory_space<vmem>>) semaphore(%arg15 : memref<!tpu.dma_semaphore, #tpu.memory_space<semaphore_mem>>) {add = true}
          %dma_start3A_194 = arith.constant 4 : i32
          %dma_start3A_195 = arith.constant 4 : i32
          %dma_start3A_196 = arith.constant 0 : i32
          %dma_start3A_197 = arith.constant 0 : i32
          %dma_start3A_198 = tpu.memref_slice %arg12[%dma_start3A_194, %dma_start3A_196, %dma_start3A_197] : memref<5x128x32xf32, #tpu.memory_space<vmem>> -> memref<1x128x32xf32, #tpu.memory_space<vmem>>
          %dma_start3A_199 = tpu.memref_squeeze %dma_start3A_198 : memref<1x128x32xf32, #tpu.memory_space<vmem>> -> memref<128x32xf32, #tpu.memory_space<vmem>>
          %dma_start3A_200 = arith.constant 0 : i32
          %dma_start3A_201 = tpu.memref_slice %arg11[%dma_start3A_195, %dma_start3A_200] : memref<10x128xi32, #tpu.memory_space<vmem>> -> memref<1x128xi32, #tpu.memory_space<vmem>>
          %dma_start3A_202 = tpu.memref_squeeze %dma_start3A_201 : memref<1x128xi32, #tpu.memory_space<vmem>> -> memref<128xi32, #tpu.memory_space<vmem>>
          %dma_start3A_203 = arith.constant 0 : i32
          %dma_start3A_204 = arith.constant 0 : i32
          %dma_start3A_205 = tpu.memref_slice %arg13[%dma_start3A_203, %dma_start3A_204] : memref<50176x32xf32, #tpu.memory_space<vmem_shared>> -> memref<50176x32xf32, #tpu.memory_space<vmem_shared>>
          tpu.enqueue_indirect_dma source(%dma_start3A_199 : memref<128x32xf32, #tpu.memory_space<vmem>>) target(%dma_start3A_205 : memref<50176x32xf32, #tpu.memory_space<vmem_shared>>) offsets(%dma_start3A_202 : memref<128xi32, #tpu.memory_space<vmem>>) semaphore(%arg15 : memref<!tpu.dma_semaphore, #tpu.memory_space<semaphore_mem>>) {add = true}
          %dma_wait3A_206 = arith.constant 0 : i32
          %dma_wait3A_207 = arith.constant 0 : i32
          %dma_wait3A_208 = arith.constant 0 : i32
          %dma_wait3A_209 = arith.constant 0 : i32
          %dma_wait3A_210 = tpu.memref_slice %arg12[%dma_wait3A_206, %dma_wait3A_208, %dma_wait3A_209] : memref<5x128x32xf32, #tpu.memory_space<vmem>> -> memref<1x128x32xf32, #tpu.memory_space<vmem>>
          %dma_wait3A_211 = tpu.memref_squeeze %dma_wait3A_210 : memref<1x128x32xf32, #tpu.memory_space<vmem>> -> memref<128x32xf32, #tpu.memory_space<vmem>>
          %dma_wait3A_212 = arith.constant 0 : i32
          %dma_wait3A_213 = tpu.memref_slice %arg11[%dma_wait3A_207, %dma_wait3A_212] : memref<10x128xi32, #tpu.memory_space<vmem>> -> memref<1x128xi32, #tpu.memory_space<vmem>>
          %dma_wait3A_214 = tpu.memref_squeeze %dma_wait3A_213 : memref<1x128xi32, #tpu.memory_space<vmem>> -> memref<128xi32, #tpu.memory_space<vmem>>
          %dma_wait3A_215 = arith.constant 0 : i32
          %dma_wait3A_216 = arith.constant 0 : i32
          %dma_wait3A_217 = tpu.memref_slice %arg13[%dma_wait3A_215, %dma_wait3A_216] : memref<50176x32xf32, #tpu.memory_space<vmem_shared>> -> memref<50176x32xf32, #tpu.memory_space<vmem_shared>>
          tpu.wait_indirect_dma semaphore(%arg15 : memref<!tpu.dma_semaphore, #tpu.memory_space<semaphore_mem>>) src(%dma_wait3A_211 : memref<128x32xf32, #tpu.memory_space<vmem>>) dst(%dma_wait3A_217 : memref<50176x32xf32, #tpu.memory_space<vmem_shared>>)
          %dma_wait3A_218 = arith.constant 1 : i32
          %dma_wait3A_219 = arith.constant 1 : i32
          %dma_wait3A_220 = arith.constant 0 : i32
          %dma_wait3A_221 = arith.constant 0 : i32
          %dma_wait3A_222 = tpu.memref_slice %arg12[%dma_wait3A_218, %dma_wait3A_220, %dma_wait3A_221] : memref<5x128x32xf32, #tpu.memory_space<vmem>> -> memref<1x128x32xf32, #tpu.memory_space<vmem>>
          %dma_wait3A_223 = tpu.memref_squeeze %dma_wait3A_222 : memref<1x128x32xf32, #tpu.memory_space<vmem>> -> memref<128x32xf32, #tpu.memory_space<vmem>>
          %dma_wait3A_224 = arith.constant 0 : i32
          %dma_wait3A_225 = tpu.memref_slice %arg11[%dma_wait3A_219, %dma_wait3A_224] : memref<10x128xi32, #tpu.memory_space<vmem>> -> memref<1x128xi32, #tpu.memory_space<vmem>>
          %dma_wait3A_226 = tpu.memref_squeeze %dma_wait3A_225 : memref<1x128xi32, #tpu.memory_space<vmem>> -> memref<128xi32, #tpu.memory_space<vmem>>
          %dma_wait3A_227 = arith.constant 0 : i32
          %dma_wait3A_228 = arith.constant 0 : i32
          %dma_wait3A_229 = tpu.memref_slice %arg13[%dma_wait3A_227, %dma_wait3A_228] : memref<50176x32xf32, #tpu.memory_space<vmem_shared>> -> memref<50176x32xf32, #tpu.memory_space<vmem_shared>>
          tpu.wait_indirect_dma semaphore(%arg15 : memref<!tpu.dma_semaphore, #tpu.memory_space<semaphore_mem>>) src(%dma_wait3A_223 : memref<128x32xf32, #tpu.memory_space<vmem>>) dst(%dma_wait3A_229 : memref<50176x32xf32, #tpu.memory_space<vmem_shared>>)
          %dma_wait3A_230 = arith.constant 2 : i32
          %dma_wait3A_231 = arith.constant 2 : i32
          %dma_wait3A_232 = arith.constant 0 : i32
          %dma_wait3A_233 = arith.constant 0 : i32
          %dma_wait3A_234 = tpu.memref_slice %arg12[%dma_wait3A_230, %dma_wait3A_232, %dma_wait3A_233] : memref<5x128x32xf32, #tpu.memory_space<vmem>> -> memref<1x128x32xf32, #tpu.memory_space<vmem>>
          %dma_wait3A_235 = tpu.memref_squeeze %dma_wait3A_234 : memref<1x128x32xf32, #tpu.memory_space<vmem>> -> memref<128x32xf32, #tpu.memory_space<vmem>>
          %dma_wait3A_236 = arith.constant 0 : i32
          %dma_wait3A_237 = tpu.memref_slice %arg11[%dma_wait3A_231, %dma_wait3A_236] : memref<10x128xi32, #tpu.memory_space<vmem>> -> memref<1x128xi32, #tpu.memory_space<vmem>>
          %dma_wait3A_238 = tpu.memref_squeeze %dma_wait3A_237 : memref<1x128xi32, #tpu.memory_space<vmem>> -> memref<128xi32, #tpu.memory_space<vmem>>
          %dma_wait3A_239 = arith.constant 0 : i32
          %dma_wait3A_240 = arith.constant 0 : i32
          %dma_wait3A_241 = tpu.memref_slice %arg13[%dma_wait3A_239, %dma_wait3A_240] : memref<50176x32xf32, #tpu.memory_space<vmem_shared>> -> memref<50176x32xf32, #tpu.memory_space<vmem_shared>>
          tpu.wait_indirect_dma semaphore(%arg15 : memref<!tpu.dma_semaphore, #tpu.memory_space<semaphore_mem>>) src(%dma_wait3A_235 : memref<128x32xf32, #tpu.memory_space<vmem>>) dst(%dma_wait3A_241 : memref<50176x32xf32, #tpu.memory_space<vmem_shared>>)
          %dma_wait3A_242 = arith.constant 3 : i32
          %dma_wait3A_243 = arith.constant 3 : i32
          %dma_wait3A_244 = arith.constant 0 : i32
          %dma_wait3A_245 = arith.constant 0 : i32
          %dma_wait3A_246 = tpu.memref_slice %arg12[%dma_wait3A_242, %dma_wait3A_244, %dma_wait3A_245] : memref<5x128x32xf32, #tpu.memory_space<vmem>> -> memref<1x128x32xf32, #tpu.memory_space<vmem>>
          %dma_wait3A_247 = tpu.memref_squeeze %dma_wait3A_246 : memref<1x128x32xf32, #tpu.memory_space<vmem>> -> memref<128x32xf32, #tpu.memory_space<vmem>>
          %dma_wait3A_248 = arith.constant 0 : i32
          %dma_wait3A_249 = tpu.memref_slice %arg11[%dma_wait3A_243, %dma_wait3A_248] : memref<10x128xi32, #tpu.memory_space<vmem>> -> memref<1x128xi32, #tpu.memory_space<vmem>>
          %dma_wait3A_250 = tpu.memref_squeeze %dma_wait3A_249 : memref<1x128xi32, #tpu.memory_space<vmem>> -> memref<128xi32, #tpu.memory_space<vmem>>
          %dma_wait3A_251 = arith.constant 0 : i32
          %dma_wait3A_252 = arith.constant 0 : i32
          %dma_wait3A_253 = tpu.memref_slice %arg13[%dma_wait3A_251, %dma_wait3A_252] : memref<50176x32xf32, #tpu.memory_space<vmem_shared>> -> memref<50176x32xf32, #tpu.memory_space<vmem_shared>>
          tpu.wait_indirect_dma semaphore(%arg15 : memref<!tpu.dma_semaphore, #tpu.memory_space<semaphore_mem>>) src(%dma_wait3A_247 : memref<128x32xf32, #tpu.memory_space<vmem>>) dst(%dma_wait3A_253 : memref<50176x32xf32, #tpu.memory_space<vmem_shared>>)
          %dma_wait3A_254 = arith.constant 4 : i32
          %dma_wait3A_255 = arith.constant 4 : i32
          %dma_wait3A_256 = arith.constant 0 : i32
          %dma_wait3A_257 = arith.constant 0 : i32
          %dma_wait3A_258 = tpu.memref_slice %arg12[%dma_wait3A_254, %dma_wait3A_256, %dma_wait3A_257] : memref<5x128x32xf32, #tpu.memory_space<vmem>> -> memref<1x128x32xf32, #tpu.memory_space<vmem>>
          %dma_wait3A_259 = tpu.memref_squeeze %dma_wait3A_258 : memref<1x128x32xf32, #tpu.memory_space<vmem>> -> memref<128x32xf32, #tpu.memory_space<vmem>>
          %dma_wait3A_260 = arith.constant 0 : i32
          %dma_wait3A_261 = tpu.memref_slice %arg11[%dma_wait3A_255, %dma_wait3A_260] : memref<10x128xi32, #tpu.memory_space<vmem>> -> memref<1x128xi32, #tpu.memory_space<vmem>>
          %dma_wait3A_262 = tpu.memref_squeeze %dma_wait3A_261 : memref<1x128xi32, #tpu.memory_space<vmem>> -> memref<128xi32, #tpu.memory_space<vmem>>
          %dma_wait3A_263 = arith.constant 0 : i32
          %dma_wait3A_264 = arith.constant 0 : i32
          %dma_wait3A_265 = tpu.memref_slice %arg13[%dma_wait3A_263, %dma_wait3A_264] : memref<50176x32xf32, #tpu.memory_space<vmem_shared>> -> memref<50176x32xf32, #tpu.memory_space<vmem_shared>>
          tpu.wait_indirect_dma semaphore(%arg15 : memref<!tpu.dma_semaphore, #tpu.memory_space<semaphore_mem>>) src(%dma_wait3A_259 : memref<128x32xf32, #tpu.memory_space<vmem>>) dst(%dma_wait3A_265 : memref<50176x32xf32, #tpu.memory_space<vmem_shared>>)
          %dma_start3A_266 = arith.constant 0 : i32
          %dma_start3A_267 = arith.constant 0 : i32
          %dma_start3A_268 = arith.constant 0 : i32
          %dma_start3A_269 = tpu.memref_slice %arg12[%dma_start3A_266, %dma_start3A_267, %dma_start3A_268] : memref<5x128x32xf32, #tpu.memory_space<vmem>> -> memref<1x128x32xf32, #tpu.memory_space<vmem>>
          %dma_start3A_270 = tpu.memref_squeeze %dma_start3A_269 : memref<1x128x32xf32, #tpu.memory_space<vmem>> -> memref<128x32xf32, #tpu.memory_space<vmem>>
          %dma_start3A_271 = arith.constant 640 : i32
          %dma_start3A_272 = tpu.memref_slice %arg8[%dma_start3A_271] : memref<1280xi32, #tpu.memory_space<vmem>> -> memref<128xi32, #tpu.memory_space<vmem>>
          %dma_start3A_273 = arith.constant 0 : i32
          %dma_start3A_274 = arith.constant 0 : i32
          %dma_start3A_275 = tpu.memref_slice %arg2[%dma_start3A_273, %dma_start3A_274] : memref<50000x32xf32, #tpu.memory_space<hbm>> -> memref<50000x32xf32, #tpu.memory_space<hbm>>
          tpu.enqueue_indirect_dma source(%dma_start3A_275 : memref<50000x32xf32, #tpu.memory_space<hbm>>) target(%dma_start3A_270 : memref<128x32xf32, #tpu.memory_space<vmem>>) offsets(%dma_start3A_272 : memref<128xi32, #tpu.memory_space<vmem>>) semaphore(%arg14 : memref<!tpu.dma_semaphore, #tpu.memory_space<semaphore_mem>>)
          %dma_start3A_276 = arith.constant 1 : i32
          %dma_start3A_277 = arith.constant 0 : i32
          %dma_start3A_278 = arith.constant 0 : i32
          %dma_start3A_279 = tpu.memref_slice %arg12[%dma_start3A_276, %dma_start3A_277, %dma_start3A_278] : memref<5x128x32xf32, #tpu.memory_space<vmem>> -> memref<1x128x32xf32, #tpu.memory_space<vmem>>
          %dma_start3A_280 = tpu.memref_squeeze %dma_start3A_279 : memref<1x128x32xf32, #tpu.memory_space<vmem>> -> memref<128x32xf32, #tpu.memory_space<vmem>>
          %dma_start3A_281 = arith.constant 768 : i32
          %dma_start3A_282 = tpu.memref_slice %arg8[%dma_start3A_281] : memref<1280xi32, #tpu.memory_space<vmem>> -> memref<128xi32, #tpu.memory_space<vmem>>
          %dma_start3A_283 = arith.constant 0 : i32
          %dma_start3A_284 = arith.constant 0 : i32
          %dma_start3A_285 = tpu.memref_slice %arg2[%dma_start3A_283, %dma_start3A_284] : memref<50000x32xf32, #tpu.memory_space<hbm>> -> memref<50000x32xf32, #tpu.memory_space<hbm>>
          tpu.enqueue_indirect_dma source(%dma_start3A_285 : memref<50000x32xf32, #tpu.memory_space<hbm>>) target(%dma_start3A_280 : memref<128x32xf32, #tpu.memory_space<vmem>>) offsets(%dma_start3A_282 : memref<128xi32, #tpu.memory_space<vmem>>) semaphore(%arg14 : memref<!tpu.dma_semaphore, #tpu.memory_space<semaphore_mem>>)
          %dma_start3A_286 = arith.constant 2 : i32
          %dma_start3A_287 = arith.constant 0 : i32
          %dma_start3A_288 = arith.constant 0 : i32
          %dma_start3A_289 = tpu.memref_slice %arg12[%dma_start3A_286, %dma_start3A_287, %dma_start3A_288] : memref<5x128x32xf32, #tpu.memory_space<vmem>> -> memref<1x128x32xf32, #tpu.memory_space<vmem>>
          %dma_start3A_290 = tpu.memref_squeeze %dma_start3A_289 : memref<1x128x32xf32, #tpu.memory_space<vmem>> -> memref<128x32xf32, #tpu.memory_space<vmem>>
          %dma_start3A_291 = arith.constant 896 : i32
          %dma_start3A_292 = tpu.memref_slice %arg8[%dma_start3A_291] : memref<1280xi32, #tpu.memory_space<vmem>> -> memref<128xi32, #tpu.memory_space<vmem>>
          %dma_start3A_293 = arith.constant 0 : i32
          %dma_start3A_294 = arith.constant 0 : i32
          %dma_start3A_295 = tpu.memref_slice %arg2[%dma_start3A_293, %dma_start3A_294] : memref<50000x32xf32, #tpu.memory_space<hbm>> -> memref<50000x32xf32, #tpu.memory_space<hbm>>
          tpu.enqueue_indirect_dma source(%dma_start3A_295 : memref<50000x32xf32, #tpu.memory_space<hbm>>) target(%dma_start3A_290 : memref<128x32xf32, #tpu.memory_space<vmem>>) offsets(%dma_start3A_292 : memref<128xi32, #tpu.memory_space<vmem>>) semaphore(%arg14 : memref<!tpu.dma_semaphore, #tpu.memory_space<semaphore_mem>>)
          %dma_start3A_296 = arith.constant 3 : i32
          %dma_start3A_297 = arith.constant 0 : i32
          %dma_start3A_298 = arith.constant 0 : i32
          %dma_start3A_299 = tpu.memref_slice %arg12[%dma_start3A_296, %dma_start3A_297, %dma_start3A_298] : memref<5x128x32xf32, #tpu.memory_space<vmem>> -> memref<1x128x32xf32, #tpu.memory_space<vmem>>
          %dma_start3A_300 = tpu.memref_squeeze %dma_start3A_299 : memref<1x128x32xf32, #tpu.memory_space<vmem>> -> memref<128x32xf32, #tpu.memory_space<vmem>>
          %dma_start3A_301 = arith.constant 1024 : i32
          %dma_start3A_302 = tpu.memref_slice %arg8[%dma_start3A_301] : memref<1280xi32, #tpu.memory_space<vmem>> -> memref<128xi32, #tpu.memory_space<vmem>>
          %dma_start3A_303 = arith.constant 0 : i32
          %dma_start3A_304 = arith.constant 0 : i32
          %dma_start3A_305 = tpu.memref_slice %arg2[%dma_start3A_303, %dma_start3A_304] : memref<50000x32xf32, #tpu.memory_space<hbm>> -> memref<50000x32xf32, #tpu.memory_space<hbm>>
          tpu.enqueue_indirect_dma source(%dma_start3A_305 : memref<50000x32xf32, #tpu.memory_space<hbm>>) target(%dma_start3A_300 : memref<128x32xf32, #tpu.memory_space<vmem>>) offsets(%dma_start3A_302 : memref<128xi32, #tpu.memory_space<vmem>>) semaphore(%arg14 : memref<!tpu.dma_semaphore, #tpu.memory_space<semaphore_mem>>)
          %dma_start3A_306 = arith.constant 4 : i32
          %dma_start3A_307 = arith.constant 0 : i32
          %dma_start3A_308 = arith.constant 0 : i32
          %dma_start3A_309 = tpu.memref_slice %arg12[%dma_start3A_306, %dma_start3A_307, %dma_start3A_308] : memref<5x128x32xf32, #tpu.memory_space<vmem>> -> memref<1x128x32xf32, #tpu.memory_space<vmem>>
          %dma_start3A_310 = tpu.memref_squeeze %dma_start3A_309 : memref<1x128x32xf32, #tpu.memory_space<vmem>> -> memref<128x32xf32, #tpu.memory_space<vmem>>
          %dma_start3A_311 = arith.constant 1152 : i32
          %dma_start3A_312 = tpu.memref_slice %arg8[%dma_start3A_311] : memref<1280xi32, #tpu.memory_space<vmem>> -> memref<128xi32, #tpu.memory_space<vmem>>
          %dma_start3A_313 = arith.constant 0 : i32
          %dma_start3A_314 = arith.constant 0 : i32
          %dma_start3A_315 = tpu.memref_slice %arg2[%dma_start3A_313, %dma_start3A_314] : memref<50000x32xf32, #tpu.memory_space<hbm>> -> memref<50000x32xf32, #tpu.memory_space<hbm>>
          tpu.enqueue_indirect_dma source(%dma_start3A_315 : memref<50000x32xf32, #tpu.memory_space<hbm>>) target(%dma_start3A_310 : memref<128x32xf32, #tpu.memory_space<vmem>>) offsets(%dma_start3A_312 : memref<128xi32, #tpu.memory_space<vmem>>) semaphore(%arg14 : memref<!tpu.dma_semaphore, #tpu.memory_space<semaphore_mem>>)
          %dma_wait3A_316 = arith.constant 0 : i32
          %dma_wait3A_317 = arith.constant 0 : i32
          %dma_wait3A_318 = arith.constant 0 : i32
          %dma_wait3A_319 = tpu.memref_slice %arg12[%dma_wait3A_316, %dma_wait3A_317, %dma_wait3A_318] : memref<5x128x32xf32, #tpu.memory_space<vmem>> -> memref<1x128x32xf32, #tpu.memory_space<vmem>>
          %dma_wait3A_320 = tpu.memref_squeeze %dma_wait3A_319 : memref<1x128x32xf32, #tpu.memory_space<vmem>> -> memref<128x32xf32, #tpu.memory_space<vmem>>
          %dma_wait3A_321 = arith.constant 640 : i32
          %dma_wait3A_322 = tpu.memref_slice %arg8[%dma_wait3A_321] : memref<1280xi32, #tpu.memory_space<vmem>> -> memref<128xi32, #tpu.memory_space<vmem>>
          %dma_wait3A_323 = arith.constant 0 : i32
          %dma_wait3A_324 = arith.constant 0 : i32
          %dma_wait3A_325 = tpu.memref_slice %arg2[%dma_wait3A_323, %dma_wait3A_324] : memref<50000x32xf32, #tpu.memory_space<hbm>> -> memref<50000x32xf32, #tpu.memory_space<hbm>>
          tpu.wait_indirect_dma semaphore(%arg14 : memref<!tpu.dma_semaphore, #tpu.memory_space<semaphore_mem>>) src(%dma_wait3A_325 : memref<50000x32xf32, #tpu.memory_space<hbm>>) dst(%dma_wait3A_320 : memref<128x32xf32, #tpu.memory_space<vmem>>)
          %dma_wait3A_326 = arith.constant 1 : i32
          %dma_wait3A_327 = arith.constant 0 : i32
          %dma_wait3A_328 = arith.constant 0 : i32
          %dma_wait3A_329 = tpu.memref_slice %arg12[%dma_wait3A_326, %dma_wait3A_327, %dma_wait3A_328] : memref<5x128x32xf32, #tpu.memory_space<vmem>> -> memref<1x128x32xf32, #tpu.memory_space<vmem>>
          %dma_wait3A_330 = tpu.memref_squeeze %dma_wait3A_329 : memref<1x128x32xf32, #tpu.memory_space<vmem>> -> memref<128x32xf32, #tpu.memory_space<vmem>>
          %dma_wait3A_331 = arith.constant 768 : i32
          %dma_wait3A_332 = tpu.memref_slice %arg8[%dma_wait3A_331] : memref<1280xi32, #tpu.memory_space<vmem>> -> memref<128xi32, #tpu.memory_space<vmem>>
          %dma_wait3A_333 = arith.constant 0 : i32
          %dma_wait3A_334 = arith.constant 0 : i32
          %dma_wait3A_335 = tpu.memref_slice %arg2[%dma_wait3A_333, %dma_wait3A_334] : memref<50000x32xf32, #tpu.memory_space<hbm>> -> memref<50000x32xf32, #tpu.memory_space<hbm>>
          tpu.wait_indirect_dma semaphore(%arg14 : memref<!tpu.dma_semaphore, #tpu.memory_space<semaphore_mem>>) src(%dma_wait3A_335 : memref<50000x32xf32, #tpu.memory_space<hbm>>) dst(%dma_wait3A_330 : memref<128x32xf32, #tpu.memory_space<vmem>>)
          %dma_wait3A_336 = arith.constant 2 : i32
          %dma_wait3A_337 = arith.constant 0 : i32
          %dma_wait3A_338 = arith.constant 0 : i32
          %dma_wait3A_339 = tpu.memref_slice %arg12[%dma_wait3A_336, %dma_wait3A_337, %dma_wait3A_338] : memref<5x128x32xf32, #tpu.memory_space<vmem>> -> memref<1x128x32xf32, #tpu.memory_space<vmem>>
          %dma_wait3A_340 = tpu.memref_squeeze %dma_wait3A_339 : memref<1x128x32xf32, #tpu.memory_space<vmem>> -> memref<128x32xf32, #tpu.memory_space<vmem>>
          %dma_wait3A_341 = arith.constant 896 : i32
          %dma_wait3A_342 = tpu.memref_slice %arg8[%dma_wait3A_341] : memref<1280xi32, #tpu.memory_space<vmem>> -> memref<128xi32, #tpu.memory_space<vmem>>
          %dma_wait3A_343 = arith.constant 0 : i32
          %dma_wait3A_344 = arith.constant 0 : i32
          %dma_wait3A_345 = tpu.memref_slice %arg2[%dma_wait3A_343, %dma_wait3A_344] : memref<50000x32xf32, #tpu.memory_space<hbm>> -> memref<50000x32xf32, #tpu.memory_space<hbm>>
          tpu.wait_indirect_dma semaphore(%arg14 : memref<!tpu.dma_semaphore, #tpu.memory_space<semaphore_mem>>) src(%dma_wait3A_345 : memref<50000x32xf32, #tpu.memory_space<hbm>>) dst(%dma_wait3A_340 : memref<128x32xf32, #tpu.memory_space<vmem>>)
          %dma_wait3A_346 = arith.constant 3 : i32
          %dma_wait3A_347 = arith.constant 0 : i32
          %dma_wait3A_348 = arith.constant 0 : i32
          %dma_wait3A_349 = tpu.memref_slice %arg12[%dma_wait3A_346, %dma_wait3A_347, %dma_wait3A_348] : memref<5x128x32xf32, #tpu.memory_space<vmem>> -> memref<1x128x32xf32, #tpu.memory_space<vmem>>
          %dma_wait3A_350 = tpu.memref_squeeze %dma_wait3A_349 : memref<1x128x32xf32, #tpu.memory_space<vmem>> -> memref<128x32xf32, #tpu.memory_space<vmem>>
          %dma_wait3A_351 = arith.constant 1024 : i32
          %dma_wait3A_352 = tpu.memref_slice %arg8[%dma_wait3A_351] : memref<1280xi32, #tpu.memory_space<vmem>> -> memref<128xi32, #tpu.memory_space<vmem>>
          %dma_wait3A_353 = arith.constant 0 : i32
          %dma_wait3A_354 = arith.constant 0 : i32
          %dma_wait3A_355 = tpu.memref_slice %arg2[%dma_wait3A_353, %dma_wait3A_354] : memref<50000x32xf32, #tpu.memory_space<hbm>> -> memref<50000x32xf32, #tpu.memory_space<hbm>>
          tpu.wait_indirect_dma semaphore(%arg14 : memref<!tpu.dma_semaphore, #tpu.memory_space<semaphore_mem>>) src(%dma_wait3A_355 : memref<50000x32xf32, #tpu.memory_space<hbm>>) dst(%dma_wait3A_350 : memref<128x32xf32, #tpu.memory_space<vmem>>)
          %dma_wait3A_356 = arith.constant 4 : i32
          %dma_wait3A_357 = arith.constant 0 : i32
          %dma_wait3A_358 = arith.constant 0 : i32
          %dma_wait3A_359 = tpu.memref_slice %arg12[%dma_wait3A_356, %dma_wait3A_357, %dma_wait3A_358] : memref<5x128x32xf32, #tpu.memory_space<vmem>> -> memref<1x128x32xf32, #tpu.memory_space<vmem>>
          %dma_wait3A_360 = tpu.memref_squeeze %dma_wait3A_359 : memref<1x128x32xf32, #tpu.memory_space<vmem>> -> memref<128x32xf32, #tpu.memory_space<vmem>>
          %dma_wait3A_361 = arith.constant 1152 : i32
          %dma_wait3A_362 = tpu.memref_slice %arg8[%dma_wait3A_361] : memref<1280xi32, #tpu.memory_space<vmem>> -> memref<128xi32, #tpu.memory_space<vmem>>
          %dma_wait3A_363 = arith.constant 0 : i32
          %dma_wait3A_364 = arith.constant 0 : i32
          %dma_wait3A_365 = tpu.memref_slice %arg2[%dma_wait3A_363, %dma_wait3A_364] : memref<50000x32xf32, #tpu.memory_space<hbm>> -> memref<50000x32xf32, #tpu.memory_space<hbm>>
          tpu.wait_indirect_dma semaphore(%arg14 : memref<!tpu.dma_semaphore, #tpu.memory_space<semaphore_mem>>) src(%dma_wait3A_365 : memref<50000x32xf32, #tpu.memory_space<hbm>>) dst(%dma_wait3A_360 : memref<128x32xf32, #tpu.memory_space<vmem>>)
          %dma_start3A_366 = arith.constant 0 : i32
          %dma_start3A_367 = arith.constant 5 : i32
          %dma_start3A_368 = arith.constant 0 : i32
          %dma_start3A_369 = arith.constant 0 : i32
          %dma_start3A_370 = tpu.memref_slice %arg12[%dma_start3A_366, %dma_start3A_368, %dma_start3A_369] : memref<5x128x32xf32, #tpu.memory_space<vmem>> -> memref<1x128x32xf32, #tpu.memory_space<vmem>>
          %dma_start3A_371 = tpu.memref_squeeze %dma_start3A_370 : memref<1x128x32xf32, #tpu.memory_space<vmem>> -> memref<128x32xf32, #tpu.memory_space<vmem>>
          %dma_start3A_372 = arith.constant 0 : i32
          %dma_start3A_373 = tpu.memref_slice %arg11[%dma_start3A_367, %dma_start3A_372] : memref<10x128xi32, #tpu.memory_space<vmem>> -> memref<1x128xi32, #tpu.memory_space<vmem>>
          %dma_start3A_374 = tpu.memref_squeeze %dma_start3A_373 : memref<1x128xi32, #tpu.memory_space<vmem>> -> memref<128xi32, #tpu.memory_space<vmem>>
          %dma_start3A_375 = arith.constant 0 : i32
          %dma_start3A_376 = arith.constant 0 : i32
          %dma_start3A_377 = tpu.memref_slice %arg13[%dma_start3A_375, %dma_start3A_376] : memref<50176x32xf32, #tpu.memory_space<vmem_shared>> -> memref<50176x32xf32, #tpu.memory_space<vmem_shared>>
          tpu.enqueue_indirect_dma source(%dma_start3A_371 : memref<128x32xf32, #tpu.memory_space<vmem>>) target(%dma_start3A_377 : memref<50176x32xf32, #tpu.memory_space<vmem_shared>>) offsets(%dma_start3A_374 : memref<128xi32, #tpu.memory_space<vmem>>) semaphore(%arg15 : memref<!tpu.dma_semaphore, #tpu.memory_space<semaphore_mem>>) {add = true}
          %dma_start3A_378 = arith.constant 1 : i32
          %dma_start3A_379 = arith.constant 6 : i32
          %dma_start3A_380 = arith.constant 0 : i32
          %dma_start3A_381 = arith.constant 0 : i32
          %dma_start3A_382 = tpu.memref_slice %arg12[%dma_start3A_378, %dma_start3A_380, %dma_start3A_381] : memref<5x128x32xf32, #tpu.memory_space<vmem>> -> memref<1x128x32xf32, #tpu.memory_space<vmem>>
          %dma_start3A_383 = tpu.memref_squeeze %dma_start3A_382 : memref<1x128x32xf32, #tpu.memory_space<vmem>> -> memref<128x32xf32, #tpu.memory_space<vmem>>
          %dma_start3A_384 = arith.constant 0 : i32
          %dma_start3A_385 = tpu.memref_slice %arg11[%dma_start3A_379, %dma_start3A_384] : memref<10x128xi32, #tpu.memory_space<vmem>> -> memref<1x128xi32, #tpu.memory_space<vmem>>
          %dma_start3A_386 = tpu.memref_squeeze %dma_start3A_385 : memref<1x128xi32, #tpu.memory_space<vmem>> -> memref<128xi32, #tpu.memory_space<vmem>>
          %dma_start3A_387 = arith.constant 0 : i32
          %dma_start3A_388 = arith.constant 0 : i32
          %dma_start3A_389 = tpu.memref_slice %arg13[%dma_start3A_387, %dma_start3A_388] : memref<50176x32xf32, #tpu.memory_space<vmem_shared>> -> memref<50176x32xf32, #tpu.memory_space<vmem_shared>>
          tpu.enqueue_indirect_dma source(%dma_start3A_383 : memref<128x32xf32, #tpu.memory_space<vmem>>) target(%dma_start3A_389 : memref<50176x32xf32, #tpu.memory_space<vmem_shared>>) offsets(%dma_start3A_386 : memref<128xi32, #tpu.memory_space<vmem>>) semaphore(%arg15 : memref<!tpu.dma_semaphore, #tpu.memory_space<semaphore_mem>>) {add = true}
          %dma_start3A_390 = arith.constant 2 : i32
          %dma_start3A_391 = arith.constant 7 : i32
          %dma_start3A_392 = arith.constant 0 : i32
          %dma_start3A_393 = arith.constant 0 : i32
          %dma_start3A_394 = tpu.memref_slice %arg12[%dma_start3A_390, %dma_start3A_392, %dma_start3A_393] : memref<5x128x32xf32, #tpu.memory_space<vmem>> -> memref<1x128x32xf32, #tpu.memory_space<vmem>>
          %dma_start3A_395 = tpu.memref_squeeze %dma_start3A_394 : memref<1x128x32xf32, #tpu.memory_space<vmem>> -> memref<128x32xf32, #tpu.memory_space<vmem>>
          %dma_start3A_396 = arith.constant 0 : i32
          %dma_start3A_397 = tpu.memref_slice %arg11[%dma_start3A_391, %dma_start3A_396] : memref<10x128xi32, #tpu.memory_space<vmem>> -> memref<1x128xi32, #tpu.memory_space<vmem>>
          %dma_start3A_398 = tpu.memref_squeeze %dma_start3A_397 : memref<1x128xi32, #tpu.memory_space<vmem>> -> memref<128xi32, #tpu.memory_space<vmem>>
          %dma_start3A_399 = arith.constant 0 : i32
          %dma_start3A_400 = arith.constant 0 : i32
          %dma_start3A_401 = tpu.memref_slice %arg13[%dma_start3A_399, %dma_start3A_400] : memref<50176x32xf32, #tpu.memory_space<vmem_shared>> -> memref<50176x32xf32, #tpu.memory_space<vmem_shared>>
          tpu.enqueue_indirect_dma source(%dma_start3A_395 : memref<128x32xf32, #tpu.memory_space<vmem>>) target(%dma_start3A_401 : memref<50176x32xf32, #tpu.memory_space<vmem_shared>>) offsets(%dma_start3A_398 : memref<128xi32, #tpu.memory_space<vmem>>) semaphore(%arg15 : memref<!tpu.dma_semaphore, #tpu.memory_space<semaphore_mem>>) {add = true}
          %dma_start3A_402 = arith.constant 3 : i32
          %dma_start3A_403 = arith.constant 8 : i32
          %dma_start3A_404 = arith.constant 0 : i32
          %dma_start3A_405 = arith.constant 0 : i32
          %dma_start3A_406 = tpu.memref_slice %arg12[%dma_start3A_402, %dma_start3A_404, %dma_start3A_405] : memref<5x128x32xf32, #tpu.memory_space<vmem>> -> memref<1x128x32xf32, #tpu.memory_space<vmem>>
          %dma_start3A_407 = tpu.memref_squeeze %dma_start3A_406 : memref<1x128x32xf32, #tpu.memory_space<vmem>> -> memref<128x32xf32, #tpu.memory_space<vmem>>
          %dma_start3A_408 = arith.constant 0 : i32
          %dma_start3A_409 = tpu.memref_slice %arg11[%dma_start3A_403, %dma_start3A_408] : memref<10x128xi32, #tpu.memory_space<vmem>> -> memref<1x128xi32, #tpu.memory_space<vmem>>
          %dma_start3A_410 = tpu.memref_squeeze %dma_start3A_409 : memref<1x128xi32, #tpu.memory_space<vmem>> -> memref<128xi32, #tpu.memory_space<vmem>>
          %dma_start3A_411 = arith.constant 0 : i32
          %dma_start3A_412 = arith.constant 0 : i32
          %dma_start3A_413 = tpu.memref_slice %arg13[%dma_start3A_411, %dma_start3A_412] : memref<50176x32xf32, #tpu.memory_space<vmem_shared>> -> memref<50176x32xf32, #tpu.memory_space<vmem_shared>>
          tpu.enqueue_indirect_dma source(%dma_start3A_407 : memref<128x32xf32, #tpu.memory_space<vmem>>) target(%dma_start3A_413 : memref<50176x32xf32, #tpu.memory_space<vmem_shared>>) offsets(%dma_start3A_410 : memref<128xi32, #tpu.memory_space<vmem>>) semaphore(%arg15 : memref<!tpu.dma_semaphore, #tpu.memory_space<semaphore_mem>>) {add = true}
          %dma_start3A_414 = arith.constant 4 : i32
          %dma_start3A_415 = arith.constant 9 : i32
          %dma_start3A_416 = arith.constant 0 : i32
          %dma_start3A_417 = arith.constant 0 : i32
          %dma_start3A_418 = tpu.memref_slice %arg12[%dma_start3A_414, %dma_start3A_416, %dma_start3A_417] : memref<5x128x32xf32, #tpu.memory_space<vmem>> -> memref<1x128x32xf32, #tpu.memory_space<vmem>>
          %dma_start3A_419 = tpu.memref_squeeze %dma_start3A_418 : memref<1x128x32xf32, #tpu.memory_space<vmem>> -> memref<128x32xf32, #tpu.memory_space<vmem>>
          %dma_start3A_420 = arith.constant 0 : i32
          %dma_start3A_421 = tpu.memref_slice %arg11[%dma_start3A_415, %dma_start3A_420] : memref<10x128xi32, #tpu.memory_space<vmem>> -> memref<1x128xi32, #tpu.memory_space<vmem>>
          %dma_start3A_422 = tpu.memref_squeeze %dma_start3A_421 : memref<1x128xi32, #tpu.memory_space<vmem>> -> memref<128xi32, #tpu.memory_space<vmem>>
          %dma_start3A_423 = arith.constant 0 : i32
          %dma_start3A_424 = arith.constant 0 : i32
          %dma_start3A_425 = tpu.memref_slice %arg13[%dma_start3A_423, %dma_start3A_424] : memref<50176x32xf32, #tpu.memory_space<vmem_shared>> -> memref<50176x32xf32, #tpu.memory_space<vmem_shared>>
          tpu.enqueue_indirect_dma source(%dma_start3A_419 : memref<128x32xf32, #tpu.memory_space<vmem>>) target(%dma_start3A_425 : memref<50176x32xf32, #tpu.memory_space<vmem_shared>>) offsets(%dma_start3A_422 : memref<128xi32, #tpu.memory_space<vmem>>) semaphore(%arg15 : memref<!tpu.dma_semaphore, #tpu.memory_space<semaphore_mem>>) {add = true}
          %dma_wait3A_426 = arith.constant 0 : i32
          %dma_wait3A_427 = arith.constant 5 : i32
          %dma_wait3A_428 = arith.constant 0 : i32
          %dma_wait3A_429 = arith.constant 0 : i32
          %dma_wait3A_430 = tpu.memref_slice %arg12[%dma_wait3A_426, %dma_wait3A_428, %dma_wait3A_429] : memref<5x128x32xf32, #tpu.memory_space<vmem>> -> memref<1x128x32xf32, #tpu.memory_space<vmem>>
          %dma_wait3A_431 = tpu.memref_squeeze %dma_wait3A_430 : memref<1x128x32xf32, #tpu.memory_space<vmem>> -> memref<128x32xf32, #tpu.memory_space<vmem>>
          %dma_wait3A_432 = arith.constant 0 : i32
          %dma_wait3A_433 = tpu.memref_slice %arg11[%dma_wait3A_427, %dma_wait3A_432] : memref<10x128xi32, #tpu.memory_space<vmem>> -> memref<1x128xi32, #tpu.memory_space<vmem>>
          %dma_wait3A_434 = tpu.memref_squeeze %dma_wait3A_433 : memref<1x128xi32, #tpu.memory_space<vmem>> -> memref<128xi32, #tpu.memory_space<vmem>>
          %dma_wait3A_435 = arith.constant 0 : i32
          %dma_wait3A_436 = arith.constant 0 : i32
          %dma_wait3A_437 = tpu.memref_slice %arg13[%dma_wait3A_435, %dma_wait3A_436] : memref<50176x32xf32, #tpu.memory_space<vmem_shared>> -> memref<50176x32xf32, #tpu.memory_space<vmem_shared>>
          tpu.wait_indirect_dma semaphore(%arg15 : memref<!tpu.dma_semaphore, #tpu.memory_space<semaphore_mem>>) src(%dma_wait3A_431 : memref<128x32xf32, #tpu.memory_space<vmem>>) dst(%dma_wait3A_437 : memref<50176x32xf32, #tpu.memory_space<vmem_shared>>)
          %dma_wait3A_438 = arith.constant 1 : i32
          %dma_wait3A_439 = arith.constant 6 : i32
          %dma_wait3A_440 = arith.constant 0 : i32
          %dma_wait3A_441 = arith.constant 0 : i32
          %dma_wait3A_442 = tpu.memref_slice %arg12[%dma_wait3A_438, %dma_wait3A_440, %dma_wait3A_441] : memref<5x128x32xf32, #tpu.memory_space<vmem>> -> memref<1x128x32xf32, #tpu.memory_space<vmem>>
          %dma_wait3A_443 = tpu.memref_squeeze %dma_wait3A_442 : memref<1x128x32xf32, #tpu.memory_space<vmem>> -> memref<128x32xf32, #tpu.memory_space<vmem>>
          %dma_wait3A_444 = arith.constant 0 : i32
          %dma_wait3A_445 = tpu.memref_slice %arg11[%dma_wait3A_439, %dma_wait3A_444] : memref<10x128xi32, #tpu.memory_space<vmem>> -> memref<1x128xi32, #tpu.memory_space<vmem>>
          %dma_wait3A_446 = tpu.memref_squeeze %dma_wait3A_445 : memref<1x128xi32, #tpu.memory_space<vmem>> -> memref<128xi32, #tpu.memory_space<vmem>>
          %dma_wait3A_447 = arith.constant 0 : i32
          %dma_wait3A_448 = arith.constant 0 : i32
          %dma_wait3A_449 = tpu.memref_slice %arg13[%dma_wait3A_447, %dma_wait3A_448] : memref<50176x32xf32, #tpu.memory_space<vmem_shared>> -> memref<50176x32xf32, #tpu.memory_space<vmem_shared>>
          tpu.wait_indirect_dma semaphore(%arg15 : memref<!tpu.dma_semaphore, #tpu.memory_space<semaphore_mem>>) src(%dma_wait3A_443 : memref<128x32xf32, #tpu.memory_space<vmem>>) dst(%dma_wait3A_449 : memref<50176x32xf32, #tpu.memory_space<vmem_shared>>)
          %dma_wait3A_450 = arith.constant 2 : i32
          %dma_wait3A_451 = arith.constant 7 : i32
          %dma_wait3A_452 = arith.constant 0 : i32
          %dma_wait3A_453 = arith.constant 0 : i32
          %dma_wait3A_454 = tpu.memref_slice %arg12[%dma_wait3A_450, %dma_wait3A_452, %dma_wait3A_453] : memref<5x128x32xf32, #tpu.memory_space<vmem>> -> memref<1x128x32xf32, #tpu.memory_space<vmem>>
          %dma_wait3A_455 = tpu.memref_squeeze %dma_wait3A_454 : memref<1x128x32xf32, #tpu.memory_space<vmem>> -> memref<128x32xf32, #tpu.memory_space<vmem>>
          %dma_wait3A_456 = arith.constant 0 : i32
          %dma_wait3A_457 = tpu.memref_slice %arg11[%dma_wait3A_451, %dma_wait3A_456] : memref<10x128xi32, #tpu.memory_space<vmem>> -> memref<1x128xi32, #tpu.memory_space<vmem>>
          %dma_wait3A_458 = tpu.memref_squeeze %dma_wait3A_457 : memref<1x128xi32, #tpu.memory_space<vmem>> -> memref<128xi32, #tpu.memory_space<vmem>>
          %dma_wait3A_459 = arith.constant 0 : i32
          %dma_wait3A_460 = arith.constant 0 : i32
          %dma_wait3A_461 = tpu.memref_slice %arg13[%dma_wait3A_459, %dma_wait3A_460] : memref<50176x32xf32, #tpu.memory_space<vmem_shared>> -> memref<50176x32xf32, #tpu.memory_space<vmem_shared>>
          tpu.wait_indirect_dma semaphore(%arg15 : memref<!tpu.dma_semaphore, #tpu.memory_space<semaphore_mem>>) src(%dma_wait3A_455 : memref<128x32xf32, #tpu.memory_space<vmem>>) dst(%dma_wait3A_461 : memref<50176x32xf32, #tpu.memory_space<vmem_shared>>)
          %dma_wait3A_462 = arith.constant 3 : i32
          %dma_wait3A_463 = arith.constant 8 : i32
          %dma_wait3A_464 = arith.constant 0 : i32
          %dma_wait3A_465 = arith.constant 0 : i32
          %dma_wait3A_466 = tpu.memref_slice %arg12[%dma_wait3A_462, %dma_wait3A_464, %dma_wait3A_465] : memref<5x128x32xf32, #tpu.memory_space<vmem>> -> memref<1x128x32xf32, #tpu.memory_space<vmem>>
          %dma_wait3A_467 = tpu.memref_squeeze %dma_wait3A_466 : memref<1x128x32xf32, #tpu.memory_space<vmem>> -> memref<128x32xf32, #tpu.memory_space<vmem>>
          %dma_wait3A_468 = arith.constant 0 : i32
          %dma_wait3A_469 = tpu.memref_slice %arg11[%dma_wait3A_463, %dma_wait3A_468] : memref<10x128xi32, #tpu.memory_space<vmem>> -> memref<1x128xi32, #tpu.memory_space<vmem>>
          %dma_wait3A_470 = tpu.memref_squeeze %dma_wait3A_469 : memref<1x128xi32, #tpu.memory_space<vmem>> -> memref<128xi32, #tpu.memory_space<vmem>>
          %dma_wait3A_471 = arith.constant 0 : i32
          %dma_wait3A_472 = arith.constant 0 : i32
          %dma_wait3A_473 = tpu.memref_slice %arg13[%dma_wait3A_471, %dma_wait3A_472] : memref<50176x32xf32, #tpu.memory_space<vmem_shared>> -> memref<50176x32xf32, #tpu.memory_space<vmem_shared>>
          tpu.wait_indirect_dma semaphore(%arg15 : memref<!tpu.dma_semaphore, #tpu.memory_space<semaphore_mem>>) src(%dma_wait3A_467 : memref<128x32xf32, #tpu.memory_space<vmem>>) dst(%dma_wait3A_473 : memref<50176x32xf32, #tpu.memory_space<vmem_shared>>)
          %dma_wait3A_474 = arith.constant 4 : i32
          %dma_wait3A_475 = arith.constant 9 : i32
          %dma_wait3A_476 = arith.constant 0 : i32
          %dma_wait3A_477 = arith.constant 0 : i32
          %dma_wait3A_478 = tpu.memref_slice %arg12[%dma_wait3A_474, %dma_wait3A_476, %dma_wait3A_477] : memref<5x128x32xf32, #tpu.memory_space<vmem>> -> memref<1x128x32xf32, #tpu.memory_space<vmem>>
          %dma_wait3A_479 = tpu.memref_squeeze %dma_wait3A_478 : memref<1x128x32xf32, #tpu.memory_space<vmem>> -> memref<128x32xf32, #tpu.memory_space<vmem>>
          %dma_wait3A_480 = arith.constant 0 : i32
          %dma_wait3A_481 = tpu.memref_slice %arg11[%dma_wait3A_475, %dma_wait3A_480] : memref<10x128xi32, #tpu.memory_space<vmem>> -> memref<1x128xi32, #tpu.memory_space<vmem>>
          %dma_wait3A_482 = tpu.memref_squeeze %dma_wait3A_481 : memref<1x128xi32, #tpu.memory_space<vmem>> -> memref<128xi32, #tpu.memory_space<vmem>>
          %dma_wait3A_483 = arith.constant 0 : i32
          %dma_wait3A_484 = arith.constant 0 : i32
          %dma_wait3A_485 = tpu.memref_slice %arg13[%dma_wait3A_483, %dma_wait3A_484] : memref<50176x32xf32, #tpu.memory_space<vmem_shared>> -> memref<50176x32xf32, #tpu.memory_space<vmem_shared>>
          tpu.wait_indirect_dma semaphore(%arg15 : memref<!tpu.dma_semaphore, #tpu.memory_space<semaphore_mem>>) src(%dma_wait3A_479 : memref<128x32xf32, #tpu.memory_space<vmem>>) dst(%dma_wait3A_485 : memref<50176x32xf32, #tpu.memory_space<vmem_shared>>)
        } else {
        }
      }
      %scan3A_16 = arith.constant 20 : i32
      %barrier3A_17 = arith.constant 0 : index
      tpu.barrier barrier_id(%barrier3A_17)
      "tpu.region"() ({
        %run_scoped3A = tpu.sem_alloc : memref<!tpu.dma_semaphore, #tpu.memory_space<semaphore_mem>>
        %dma_start3A = arith.constant 0 : i32
        %dma_start3A_19 = tpu.memref_slice %arg7[%arg0, %add3A_11, %mul3A_2, %dma_start3A] : memref<2x3x50176x32xf32, #tpu.memory_space<hbm>> -> memref<1x1x3136x32xf32, #tpu.memory_space<hbm>>
        %dma_start3A_20 = tpu.memref_squeeze %dma_start3A_19 : memref<1x1x3136x32xf32, #tpu.memory_space<hbm>> -> memref<3136x32xf32, #tpu.memory_space<hbm>>
        %dma_start3A_21 = arith.constant 0 : i32
        %dma_start3A_22 = tpu.memref_slice %arg13[%mul3A_2, %dma_start3A_21] : memref<50176x32xf32, #tpu.memory_space<vmem_shared>> -> memref<3136x32xf32, #tpu.memory_space<vmem_shared>>
        tpu.enqueue_dma source(%dma_start3A_22 : memref<3136x32xf32, #tpu.memory_space<vmem_shared>>) target(%dma_start3A_20 : memref<3136x32xf32, #tpu.memory_space<hbm>>) target_semaphore(%run_scoped3A : memref<!tpu.dma_semaphore, #tpu.memory_space<semaphore_mem>>)
        %dma_wait3A = arith.constant 0 : i32
        %dma_wait3A_23 = tpu.memref_slice %arg7[%arg0, %add3A_11, %mul3A_2, %dma_wait3A] : memref<2x3x50176x32xf32, #tpu.memory_space<hbm>> -> memref<1x1x3136x32xf32, #tpu.memory_space<hbm>>
        %dma_wait3A_24 = tpu.memref_squeeze %dma_wait3A_23 : memref<1x1x3136x32xf32, #tpu.memory_space<hbm>> -> memref<3136x32xf32, #tpu.memory_space<hbm>>
        %dma_wait3A_25 = arith.constant 0 : i32
        %dma_wait3A_26 = tpu.memref_slice %arg13[%mul3A_2, %dma_wait3A_25] : memref<50176x32xf32, #tpu.memory_space<vmem_shared>> -> memref<3136x32xf32, #tpu.memory_space<vmem_shared>>
        tpu.wait_dma2 semaphore(%run_scoped3A : memref<!tpu.dma_semaphore, #tpu.memory_space<semaphore_mem>>) src(%dma_wait3A_26 : memref<3136x32xf32, #tpu.memory_space<vmem_shared>>) dst(%dma_wait3A_24 : memref<3136x32xf32, #tpu.memory_space<hbm>>)
        tpu.yield
      }) : () -> ()
      %barrier3A_18 = arith.constant 0 : index
      tpu.barrier barrier_id(%barrier3A_18)
    }
    %scan3A_6 = arith.constant 3 : i32
    return
  }
}

#map = affine_map<(d0, d1) -> (0)>
module attributes {stable_mosaic.version = 14 : i64} {
  func.func @_phase_a1(%arg0: i32, %arg1: i32, %arg2: memref<50000xf32, #tpu.memory_space<hbm>>, %arg3: memref<800000xi32, #tpu.memory_space<hbm>>, %arg4: memref<800000xi32, #tpu.memory_space<hbm>>, %arg5: memref<819200xf32, #tpu.memory_space<hbm>>, %arg6: memref<819200xf32, #tpu.memory_space<hbm>>, %arg7: memref<1280xi32, #tpu.memory_space<vmem>>, %arg8: memref<1280xi32, #tpu.memory_space<vmem>>, %arg9: memref<1280xf32, #tpu.memory_space<vmem>>, %arg10: memref<1280xf32, #tpu.memory_space<vmem>>, %arg11: memref<!tpu.dma_semaphore, #tpu.memory_space<semaphore_mem>>) attributes {dimension_semantics = [#tpu.dimension_semantics<core_parallel>, #tpu.dimension_semantics<subcore_parallel>], iteration_bounds = array<i64: 2, 16>, scalar_prefetch = 0 : i64, scratch_operands = 5 : i64, tpu.core_type = #tpu.core_type<sc_vector_subcore>, window_params = [{transform_indices = #map}, {transform_indices = #map}, {transform_indices = #map}, {transform_indices = #map}, {transform_indices = #map}]} {
    %mul3A = arith.constant 16 : i32
    %mul3A_0 = arith.muli %arg0, %mul3A : i32
    %add3A = arith.addi %mul3A_0, %arg1 : i32
    %scan3A = arith.constant 0 : i32
    %scan3A_1 = arith.constant 20 : i32
    %scan3A_2 = arith.addi %scan3A, %scan3A_1 : i32
    %scan3A_3 = arith.constant 1 : i32
    scf.for %scan3A_5 = %scan3A to %scan3A_2 step %scan3A_3  : i32 {
      %mul3A_6 = arith.constant 1 : i32
      %mul3A_7 = arith.muli %scan3A_5, %mul3A_6 : i32
      %add3A_8 = arith.constant 0 : i32
      %add3A_9 = arith.addi %add3A_8, %mul3A_7 : i32
      %mul3A_10 = arith.constant 32 : i32
      %mul3A_11 = arith.muli %add3A_9, %mul3A_10 : i32
      %add3A_12 = arith.addi %add3A, %mul3A_11 : i32
      %lt3A = arith.constant 625 : i32
      %lt3A_13 = arith.cmpi slt, %add3A_12, %lt3A : i32
      %convert_element_type3A = arith.extui %lt3A_13 : i1 to i32
      %cond3A = arith.constant 0 : i32
      %cond3A_14 = arith.cmpi ne, %convert_element_type3A, %cond3A : i32
      scf.if %cond3A_14 {
        %mul3A_15 = arith.constant 1280 : i32
        %mul3A_16 = arith.muli %add3A_12, %mul3A_15 : i32
        %dma_start3A = tpu.memref_slice %arg3[%mul3A_16] : memref<800000xi32, #tpu.memory_space<hbm>> -> memref<1280xi32, #tpu.memory_space<hbm>>
        %dma_start3A_17 = tpu.memref_slice %arg3[%mul3A_16] : memref<800000xi32, #tpu.memory_space<hbm>> -> memref<1280xi32, #tpu.memory_space<hbm>>
        tpu.enqueue_dma source(%dma_start3A_17 : memref<1280xi32, #tpu.memory_space<hbm>>) target(%arg7 : memref<1280xi32, #tpu.memory_space<vmem>>) target_semaphore(%arg11 : memref<!tpu.dma_semaphore, #tpu.memory_space<semaphore_mem>>)
        %dma_start3A_18 = tpu.memref_slice %arg4[%mul3A_16] : memref<800000xi32, #tpu.memory_space<hbm>> -> memref<1280xi32, #tpu.memory_space<hbm>>
        %dma_start3A_19 = tpu.memref_slice %arg4[%mul3A_16] : memref<800000xi32, #tpu.memory_space<hbm>> -> memref<1280xi32, #tpu.memory_space<hbm>>
        tpu.enqueue_dma source(%dma_start3A_19 : memref<1280xi32, #tpu.memory_space<hbm>>) target(%arg8 : memref<1280xi32, #tpu.memory_space<vmem>>) target_semaphore(%arg11 : memref<!tpu.dma_semaphore, #tpu.memory_space<semaphore_mem>>)
        %dma_wait3A = tpu.memref_slice %arg3[%mul3A_16] : memref<800000xi32, #tpu.memory_space<hbm>> -> memref<1280xi32, #tpu.memory_space<hbm>>
        %dma_wait3A_20 = tpu.memref_slice %arg3[%mul3A_16] : memref<800000xi32, #tpu.memory_space<hbm>> -> memref<1280xi32, #tpu.memory_space<hbm>>
        tpu.wait_dma2 semaphore(%arg11 : memref<!tpu.dma_semaphore, #tpu.memory_space<semaphore_mem>>) src(%dma_wait3A_20 : memref<1280xi32, #tpu.memory_space<hbm>>) dst(%arg7 : memref<1280xi32, #tpu.memory_space<vmem>>)
        %dma_wait3A_21 = tpu.memref_slice %arg4[%mul3A_16] : memref<800000xi32, #tpu.memory_space<hbm>> -> memref<1280xi32, #tpu.memory_space<hbm>>
        %dma_wait3A_22 = tpu.memref_slice %arg4[%mul3A_16] : memref<800000xi32, #tpu.memory_space<hbm>> -> memref<1280xi32, #tpu.memory_space<hbm>>
        tpu.wait_dma2 semaphore(%arg11 : memref<!tpu.dma_semaphore, #tpu.memory_space<semaphore_mem>>) src(%dma_wait3A_22 : memref<1280xi32, #tpu.memory_space<hbm>>) dst(%arg8 : memref<1280xi32, #tpu.memory_space<vmem>>)
        %dma_start3A_23 = arith.constant 0 : i32
        %dma_start3A_24 = tpu.memref_slice %arg9[%dma_start3A_23] : memref<1280xf32, #tpu.memory_space<vmem>> -> memref<128xf32, #tpu.memory_space<vmem>>
        %dma_start3A_25 = arith.constant 0 : i32
        %dma_start3A_26 = tpu.memref_slice %arg7[%dma_start3A_25] : memref<1280xi32, #tpu.memory_space<vmem>> -> memref<128xi32, #tpu.memory_space<vmem>>
        %dma_start3A_27 = arith.constant 0 : i32
        %dma_start3A_28 = tpu.memref_slice %arg2[%dma_start3A_27] : memref<50000xf32, #tpu.memory_space<hbm>> -> memref<50000xf32, #tpu.memory_space<hbm>>
        tpu.enqueue_indirect_dma source(%dma_start3A_28 : memref<50000xf32, #tpu.memory_space<hbm>>) target(%dma_start3A_24 : memref<128xf32, #tpu.memory_space<vmem>>) offsets(%dma_start3A_26 : memref<128xi32, #tpu.memory_space<vmem>>) semaphore(%arg11 : memref<!tpu.dma_semaphore, #tpu.memory_space<semaphore_mem>>)
        %dma_start3A_29 = arith.constant 0 : i32
        %dma_start3A_30 = tpu.memref_slice %arg10[%dma_start3A_29] : memref<1280xf32, #tpu.memory_space<vmem>> -> memref<128xf32, #tpu.memory_space<vmem>>
        %dma_start3A_31 = arith.constant 0 : i32
        %dma_start3A_32 = tpu.memref_slice %arg8[%dma_start3A_31] : memref<1280xi32, #tpu.memory_space<vmem>> -> memref<128xi32, #tpu.memory_space<vmem>>
        %dma_start3A_33 = arith.constant 0 : i32
        %dma_start3A_34 = tpu.memref_slice %arg2[%dma_start3A_33] : memref<50000xf32, #tpu.memory_space<hbm>> -> memref<50000xf32, #tpu.memory_space<hbm>>
        tpu.enqueue_indirect_dma source(%dma_start3A_34 : memref<50000xf32, #tpu.memory_space<hbm>>) target(%dma_start3A_30 : memref<128xf32, #tpu.memory_space<vmem>>) offsets(%dma_start3A_32 : memref<128xi32, #tpu.memory_space<vmem>>) semaphore(%arg11 : memref<!tpu.dma_semaphore, #tpu.memory_space<semaphore_mem>>)
        %dma_start3A_35 = arith.constant 128 : i32
        %dma_start3A_36 = tpu.memref_slice %arg9[%dma_start3A_35] : memref<1280xf32, #tpu.memory_space<vmem>> -> memref<128xf32, #tpu.memory_space<vmem>>
        %dma_start3A_37 = arith.constant 128 : i32
        %dma_start3A_38 = tpu.memref_slice %arg7[%dma_start3A_37] : memref<1280xi32, #tpu.memory_space<vmem>> -> memref<128xi32, #tpu.memory_space<vmem>>
        %dma_start3A_39 = arith.constant 0 : i32
        %dma_start3A_40 = tpu.memref_slice %arg2[%dma_start3A_39] : memref<50000xf32, #tpu.memory_space<hbm>> -> memref<50000xf32, #tpu.memory_space<hbm>>
        tpu.enqueue_indirect_dma source(%dma_start3A_40 : memref<50000xf32, #tpu.memory_space<hbm>>) target(%dma_start3A_36 : memref<128xf32, #tpu.memory_space<vmem>>) offsets(%dma_start3A_38 : memref<128xi32, #tpu.memory_space<vmem>>) semaphore(%arg11 : memref<!tpu.dma_semaphore, #tpu.memory_space<semaphore_mem>>)
        %dma_start3A_41 = arith.constant 128 : i32
        %dma_start3A_42 = tpu.memref_slice %arg10[%dma_start3A_41] : memref<1280xf32, #tpu.memory_space<vmem>> -> memref<128xf32, #tpu.memory_space<vmem>>
        %dma_start3A_43 = arith.constant 128 : i32
        %dma_start3A_44 = tpu.memref_slice %arg8[%dma_start3A_43] : memref<1280xi32, #tpu.memory_space<vmem>> -> memref<128xi32, #tpu.memory_space<vmem>>
        %dma_start3A_45 = arith.constant 0 : i32
        %dma_start3A_46 = tpu.memref_slice %arg2[%dma_start3A_45] : memref<50000xf32, #tpu.memory_space<hbm>> -> memref<50000xf32, #tpu.memory_space<hbm>>
        tpu.enqueue_indirect_dma source(%dma_start3A_46 : memref<50000xf32, #tpu.memory_space<hbm>>) target(%dma_start3A_42 : memref<128xf32, #tpu.memory_space<vmem>>) offsets(%dma_start3A_44 : memref<128xi32, #tpu.memory_space<vmem>>) semaphore(%arg11 : memref<!tpu.dma_semaphore, #tpu.memory_space<semaphore_mem>>)
        %dma_start3A_47 = arith.constant 256 : i32
        %dma_start3A_48 = tpu.memref_slice %arg9[%dma_start3A_47] : memref<1280xf32, #tpu.memory_space<vmem>> -> memref<128xf32, #tpu.memory_space<vmem>>
        %dma_start3A_49 = arith.constant 256 : i32
        %dma_start3A_50 = tpu.memref_slice %arg7[%dma_start3A_49] : memref<1280xi32, #tpu.memory_space<vmem>> -> memref<128xi32, #tpu.memory_space<vmem>>
        %dma_start3A_51 = arith.constant 0 : i32
        %dma_start3A_52 = tpu.memref_slice %arg2[%dma_start3A_51] : memref<50000xf32, #tpu.memory_space<hbm>> -> memref<50000xf32, #tpu.memory_space<hbm>>
        tpu.enqueue_indirect_dma source(%dma_start3A_52 : memref<50000xf32, #tpu.memory_space<hbm>>) target(%dma_start3A_48 : memref<128xf32, #tpu.memory_space<vmem>>) offsets(%dma_start3A_50 : memref<128xi32, #tpu.memory_space<vmem>>) semaphore(%arg11 : memref<!tpu.dma_semaphore, #tpu.memory_space<semaphore_mem>>)
        %dma_start3A_53 = arith.constant 256 : i32
        %dma_start3A_54 = tpu.memref_slice %arg10[%dma_start3A_53] : memref<1280xf32, #tpu.memory_space<vmem>> -> memref<128xf32, #tpu.memory_space<vmem>>
        %dma_start3A_55 = arith.constant 256 : i32
        %dma_start3A_56 = tpu.memref_slice %arg8[%dma_start3A_55] : memref<1280xi32, #tpu.memory_space<vmem>> -> memref<128xi32, #tpu.memory_space<vmem>>
        %dma_start3A_57 = arith.constant 0 : i32
        %dma_start3A_58 = tpu.memref_slice %arg2[%dma_start3A_57] : memref<50000xf32, #tpu.memory_space<hbm>> -> memref<50000xf32, #tpu.memory_space<hbm>>
        tpu.enqueue_indirect_dma source(%dma_start3A_58 : memref<50000xf32, #tpu.memory_space<hbm>>) target(%dma_start3A_54 : memref<128xf32, #tpu.memory_space<vmem>>) offsets(%dma_start3A_56 : memref<128xi32, #tpu.memory_space<vmem>>) semaphore(%arg11 : memref<!tpu.dma_semaphore, #tpu.memory_space<semaphore_mem>>)
        %dma_start3A_59 = arith.constant 384 : i32
        %dma_start3A_60 = tpu.memref_slice %arg9[%dma_start3A_59] : memref<1280xf32, #tpu.memory_space<vmem>> -> memref<128xf32, #tpu.memory_space<vmem>>
        %dma_start3A_61 = arith.constant 384 : i32
        %dma_start3A_62 = tpu.memref_slice %arg7[%dma_start3A_61] : memref<1280xi32, #tpu.memory_space<vmem>> -> memref<128xi32, #tpu.memory_space<vmem>>
        %dma_start3A_63 = arith.constant 0 : i32
        %dma_start3A_64 = tpu.memref_slice %arg2[%dma_start3A_63] : memref<50000xf32, #tpu.memory_space<hbm>> -> memref<50000xf32, #tpu.memory_space<hbm>>
        tpu.enqueue_indirect_dma source(%dma_start3A_64 : memref<50000xf32, #tpu.memory_space<hbm>>) target(%dma_start3A_60 : memref<128xf32, #tpu.memory_space<vmem>>) offsets(%dma_start3A_62 : memref<128xi32, #tpu.memory_space<vmem>>) semaphore(%arg11 : memref<!tpu.dma_semaphore, #tpu.memory_space<semaphore_mem>>)
        %dma_start3A_65 = arith.constant 384 : i32
        %dma_start3A_66 = tpu.memref_slice %arg10[%dma_start3A_65] : memref<1280xf32, #tpu.memory_space<vmem>> -> memref<128xf32, #tpu.memory_space<vmem>>
        %dma_start3A_67 = arith.constant 384 : i32
        %dma_start3A_68 = tpu.memref_slice %arg8[%dma_start3A_67] : memref<1280xi32, #tpu.memory_space<vmem>> -> memref<128xi32, #tpu.memory_space<vmem>>
        %dma_start3A_69 = arith.constant 0 : i32
        %dma_start3A_70 = tpu.memref_slice %arg2[%dma_start3A_69] : memref<50000xf32, #tpu.memory_space<hbm>> -> memref<50000xf32, #tpu.memory_space<hbm>>
        tpu.enqueue_indirect_dma source(%dma_start3A_70 : memref<50000xf32, #tpu.memory_space<hbm>>) target(%dma_start3A_66 : memref<128xf32, #tpu.memory_space<vmem>>) offsets(%dma_start3A_68 : memref<128xi32, #tpu.memory_space<vmem>>) semaphore(%arg11 : memref<!tpu.dma_semaphore, #tpu.memory_space<semaphore_mem>>)
        %dma_start3A_71 = arith.constant 512 : i32
        %dma_start3A_72 = tpu.memref_slice %arg9[%dma_start3A_71] : memref<1280xf32, #tpu.memory_space<vmem>> -> memref<128xf32, #tpu.memory_space<vmem>>
        %dma_start3A_73 = arith.constant 512 : i32
        %dma_start3A_74 = tpu.memref_slice %arg7[%dma_start3A_73] : memref<1280xi32, #tpu.memory_space<vmem>> -> memref<128xi32, #tpu.memory_space<vmem>>
        %dma_start3A_75 = arith.constant 0 : i32
        %dma_start3A_76 = tpu.memref_slice %arg2[%dma_start3A_75] : memref<50000xf32, #tpu.memory_space<hbm>> -> memref<50000xf32, #tpu.memory_space<hbm>>
        tpu.enqueue_indirect_dma source(%dma_start3A_76 : memref<50000xf32, #tpu.memory_space<hbm>>) target(%dma_start3A_72 : memref<128xf32, #tpu.memory_space<vmem>>) offsets(%dma_start3A_74 : memref<128xi32, #tpu.memory_space<vmem>>) semaphore(%arg11 : memref<!tpu.dma_semaphore, #tpu.memory_space<semaphore_mem>>)
        %dma_start3A_77 = arith.constant 512 : i32
        %dma_start3A_78 = tpu.memref_slice %arg10[%dma_start3A_77] : memref<1280xf32, #tpu.memory_space<vmem>> -> memref<128xf32, #tpu.memory_space<vmem>>
        %dma_start3A_79 = arith.constant 512 : i32
        %dma_start3A_80 = tpu.memref_slice %arg8[%dma_start3A_79] : memref<1280xi32, #tpu.memory_space<vmem>> -> memref<128xi32, #tpu.memory_space<vmem>>
        %dma_start3A_81 = arith.constant 0 : i32
        %dma_start3A_82 = tpu.memref_slice %arg2[%dma_start3A_81] : memref<50000xf32, #tpu.memory_space<hbm>> -> memref<50000xf32, #tpu.memory_space<hbm>>
        tpu.enqueue_indirect_dma source(%dma_start3A_82 : memref<50000xf32, #tpu.memory_space<hbm>>) target(%dma_start3A_78 : memref<128xf32, #tpu.memory_space<vmem>>) offsets(%dma_start3A_80 : memref<128xi32, #tpu.memory_space<vmem>>) semaphore(%arg11 : memref<!tpu.dma_semaphore, #tpu.memory_space<semaphore_mem>>)
        %dma_start3A_83 = arith.constant 640 : i32
        %dma_start3A_84 = tpu.memref_slice %arg9[%dma_start3A_83] : memref<1280xf32, #tpu.memory_space<vmem>> -> memref<128xf32, #tpu.memory_space<vmem>>
        %dma_start3A_85 = arith.constant 640 : i32
        %dma_start3A_86 = tpu.memref_slice %arg7[%dma_start3A_85] : memref<1280xi32, #tpu.memory_space<vmem>> -> memref<128xi32, #tpu.memory_space<vmem>>
        %dma_start3A_87 = arith.constant 0 : i32
        %dma_start3A_88 = tpu.memref_slice %arg2[%dma_start3A_87] : memref<50000xf32, #tpu.memory_space<hbm>> -> memref<50000xf32, #tpu.memory_space<hbm>>
        tpu.enqueue_indirect_dma source(%dma_start3A_88 : memref<50000xf32, #tpu.memory_space<hbm>>) target(%dma_start3A_84 : memref<128xf32, #tpu.memory_space<vmem>>) offsets(%dma_start3A_86 : memref<128xi32, #tpu.memory_space<vmem>>) semaphore(%arg11 : memref<!tpu.dma_semaphore, #tpu.memory_space<semaphore_mem>>)
        %dma_start3A_89 = arith.constant 640 : i32
        %dma_start3A_90 = tpu.memref_slice %arg10[%dma_start3A_89] : memref<1280xf32, #tpu.memory_space<vmem>> -> memref<128xf32, #tpu.memory_space<vmem>>
        %dma_start3A_91 = arith.constant 640 : i32
        %dma_start3A_92 = tpu.memref_slice %arg8[%dma_start3A_91] : memref<1280xi32, #tpu.memory_space<vmem>> -> memref<128xi32, #tpu.memory_space<vmem>>
        %dma_start3A_93 = arith.constant 0 : i32
        %dma_start3A_94 = tpu.memref_slice %arg2[%dma_start3A_93] : memref<50000xf32, #tpu.memory_space<hbm>> -> memref<50000xf32, #tpu.memory_space<hbm>>
        tpu.enqueue_indirect_dma source(%dma_start3A_94 : memref<50000xf32, #tpu.memory_space<hbm>>) target(%dma_start3A_90 : memref<128xf32, #tpu.memory_space<vmem>>) offsets(%dma_start3A_92 : memref<128xi32, #tpu.memory_space<vmem>>) semaphore(%arg11 : memref<!tpu.dma_semaphore, #tpu.memory_space<semaphore_mem>>)
        %dma_start3A_95 = arith.constant 768 : i32
        %dma_start3A_96 = tpu.memref_slice %arg9[%dma_start3A_95] : memref<1280xf32, #tpu.memory_space<vmem>> -> memref<128xf32, #tpu.memory_space<vmem>>
        %dma_start3A_97 = arith.constant 768 : i32
        %dma_start3A_98 = tpu.memref_slice %arg7[%dma_start3A_97] : memref<1280xi32, #tpu.memory_space<vmem>> -> memref<128xi32, #tpu.memory_space<vmem>>
        %dma_start3A_99 = arith.constant 0 : i32
        %dma_start3A_100 = tpu.memref_slice %arg2[%dma_start3A_99] : memref<50000xf32, #tpu.memory_space<hbm>> -> memref<50000xf32, #tpu.memory_space<hbm>>
        tpu.enqueue_indirect_dma source(%dma_start3A_100 : memref<50000xf32, #tpu.memory_space<hbm>>) target(%dma_start3A_96 : memref<128xf32, #tpu.memory_space<vmem>>) offsets(%dma_start3A_98 : memref<128xi32, #tpu.memory_space<vmem>>) semaphore(%arg11 : memref<!tpu.dma_semaphore, #tpu.memory_space<semaphore_mem>>)
        %dma_start3A_101 = arith.constant 768 : i32
        %dma_start3A_102 = tpu.memref_slice %arg10[%dma_start3A_101] : memref<1280xf32, #tpu.memory_space<vmem>> -> memref<128xf32, #tpu.memory_space<vmem>>
        %dma_start3A_103 = arith.constant 768 : i32
        %dma_start3A_104 = tpu.memref_slice %arg8[%dma_start3A_103] : memref<1280xi32, #tpu.memory_space<vmem>> -> memref<128xi32, #tpu.memory_space<vmem>>
        %dma_start3A_105 = arith.constant 0 : i32
        %dma_start3A_106 = tpu.memref_slice %arg2[%dma_start3A_105] : memref<50000xf32, #tpu.memory_space<hbm>> -> memref<50000xf32, #tpu.memory_space<hbm>>
        tpu.enqueue_indirect_dma source(%dma_start3A_106 : memref<50000xf32, #tpu.memory_space<hbm>>) target(%dma_start3A_102 : memref<128xf32, #tpu.memory_space<vmem>>) offsets(%dma_start3A_104 : memref<128xi32, #tpu.memory_space<vmem>>) semaphore(%arg11 : memref<!tpu.dma_semaphore, #tpu.memory_space<semaphore_mem>>)
        %dma_start3A_107 = arith.constant 896 : i32
        %dma_start3A_108 = tpu.memref_slice %arg9[%dma_start3A_107] : memref<1280xf32, #tpu.memory_space<vmem>> -> memref<128xf32, #tpu.memory_space<vmem>>
        %dma_start3A_109 = arith.constant 896 : i32
        %dma_start3A_110 = tpu.memref_slice %arg7[%dma_start3A_109] : memref<1280xi32, #tpu.memory_space<vmem>> -> memref<128xi32, #tpu.memory_space<vmem>>
        %dma_start3A_111 = arith.constant 0 : i32
        %dma_start3A_112 = tpu.memref_slice %arg2[%dma_start3A_111] : memref<50000xf32, #tpu.memory_space<hbm>> -> memref<50000xf32, #tpu.memory_space<hbm>>
        tpu.enqueue_indirect_dma source(%dma_start3A_112 : memref<50000xf32, #tpu.memory_space<hbm>>) target(%dma_start3A_108 : memref<128xf32, #tpu.memory_space<vmem>>) offsets(%dma_start3A_110 : memref<128xi32, #tpu.memory_space<vmem>>) semaphore(%arg11 : memref<!tpu.dma_semaphore, #tpu.memory_space<semaphore_mem>>)
        %dma_start3A_113 = arith.constant 896 : i32
        %dma_start3A_114 = tpu.memref_slice %arg10[%dma_start3A_113] : memref<1280xf32, #tpu.memory_space<vmem>> -> memref<128xf32, #tpu.memory_space<vmem>>
        %dma_start3A_115 = arith.constant 896 : i32
        %dma_start3A_116 = tpu.memref_slice %arg8[%dma_start3A_115] : memref<1280xi32, #tpu.memory_space<vmem>> -> memref<128xi32, #tpu.memory_space<vmem>>
        %dma_start3A_117 = arith.constant 0 : i32
        %dma_start3A_118 = tpu.memref_slice %arg2[%dma_start3A_117] : memref<50000xf32, #tpu.memory_space<hbm>> -> memref<50000xf32, #tpu.memory_space<hbm>>
        tpu.enqueue_indirect_dma source(%dma_start3A_118 : memref<50000xf32, #tpu.memory_space<hbm>>) target(%dma_start3A_114 : memref<128xf32, #tpu.memory_space<vmem>>) offsets(%dma_start3A_116 : memref<128xi32, #tpu.memory_space<vmem>>) semaphore(%arg11 : memref<!tpu.dma_semaphore, #tpu.memory_space<semaphore_mem>>)
        %dma_start3A_119 = arith.constant 1024 : i32
        %dma_start3A_120 = tpu.memref_slice %arg9[%dma_start3A_119] : memref<1280xf32, #tpu.memory_space<vmem>> -> memref<128xf32, #tpu.memory_space<vmem>>
        %dma_start3A_121 = arith.constant 1024 : i32
        %dma_start3A_122 = tpu.memref_slice %arg7[%dma_start3A_121] : memref<1280xi32, #tpu.memory_space<vmem>> -> memref<128xi32, #tpu.memory_space<vmem>>
        %dma_start3A_123 = arith.constant 0 : i32
        %dma_start3A_124 = tpu.memref_slice %arg2[%dma_start3A_123] : memref<50000xf32, #tpu.memory_space<hbm>> -> memref<50000xf32, #tpu.memory_space<hbm>>
        tpu.enqueue_indirect_dma source(%dma_start3A_124 : memref<50000xf32, #tpu.memory_space<hbm>>) target(%dma_start3A_120 : memref<128xf32, #tpu.memory_space<vmem>>) offsets(%dma_start3A_122 : memref<128xi32, #tpu.memory_space<vmem>>) semaphore(%arg11 : memref<!tpu.dma_semaphore, #tpu.memory_space<semaphore_mem>>)
        %dma_start3A_125 = arith.constant 1024 : i32
        %dma_start3A_126 = tpu.memref_slice %arg10[%dma_start3A_125] : memref<1280xf32, #tpu.memory_space<vmem>> -> memref<128xf32, #tpu.memory_space<vmem>>
        %dma_start3A_127 = arith.constant 1024 : i32
        %dma_start3A_128 = tpu.memref_slice %arg8[%dma_start3A_127] : memref<1280xi32, #tpu.memory_space<vmem>> -> memref<128xi32, #tpu.memory_space<vmem>>
        %dma_start3A_129 = arith.constant 0 : i32
        %dma_start3A_130 = tpu.memref_slice %arg2[%dma_start3A_129] : memref<50000xf32, #tpu.memory_space<hbm>> -> memref<50000xf32, #tpu.memory_space<hbm>>
        tpu.enqueue_indirect_dma source(%dma_start3A_130 : memref<50000xf32, #tpu.memory_space<hbm>>) target(%dma_start3A_126 : memref<128xf32, #tpu.memory_space<vmem>>) offsets(%dma_start3A_128 : memref<128xi32, #tpu.memory_space<vmem>>) semaphore(%arg11 : memref<!tpu.dma_semaphore, #tpu.memory_space<semaphore_mem>>)
        %dma_start3A_131 = arith.constant 1152 : i32
        %dma_start3A_132 = tpu.memref_slice %arg9[%dma_start3A_131] : memref<1280xf32, #tpu.memory_space<vmem>> -> memref<128xf32, #tpu.memory_space<vmem>>
        %dma_start3A_133 = arith.constant 1152 : i32
        %dma_start3A_134 = tpu.memref_slice %arg7[%dma_start3A_133] : memref<1280xi32, #tpu.memory_space<vmem>> -> memref<128xi32, #tpu.memory_space<vmem>>
        %dma_start3A_135 = arith.constant 0 : i32
        %dma_start3A_136 = tpu.memref_slice %arg2[%dma_start3A_135] : memref<50000xf32, #tpu.memory_space<hbm>> -> memref<50000xf32, #tpu.memory_space<hbm>>
        tpu.enqueue_indirect_dma source(%dma_start3A_136 : memref<50000xf32, #tpu.memory_space<hbm>>) target(%dma_start3A_132 : memref<128xf32, #tpu.memory_space<vmem>>) offsets(%dma_start3A_134 : memref<128xi32, #tpu.memory_space<vmem>>) semaphore(%arg11 : memref<!tpu.dma_semaphore, #tpu.memory_space<semaphore_mem>>)
        %dma_start3A_137 = arith.constant 1152 : i32
        %dma_start3A_138 = tpu.memref_slice %arg10[%dma_start3A_137] : memref<1280xf32, #tpu.memory_space<vmem>> -> memref<128xf32, #tpu.memory_space<vmem>>
        %dma_start3A_139 = arith.constant 1152 : i32
        %dma_start3A_140 = tpu.memref_slice %arg8[%dma_start3A_139] : memref<1280xi32, #tpu.memory_space<vmem>> -> memref<128xi32, #tpu.memory_space<vmem>>
        %dma_start3A_141 = arith.constant 0 : i32
        %dma_start3A_142 = tpu.memref_slice %arg2[%dma_start3A_141] : memref<50000xf32, #tpu.memory_space<hbm>> -> memref<50000xf32, #tpu.memory_space<hbm>>
        tpu.enqueue_indirect_dma source(%dma_start3A_142 : memref<50000xf32, #tpu.memory_space<hbm>>) target(%dma_start3A_138 : memref<128xf32, #tpu.memory_space<vmem>>) offsets(%dma_start3A_140 : memref<128xi32, #tpu.memory_space<vmem>>) semaphore(%arg11 : memref<!tpu.dma_semaphore, #tpu.memory_space<semaphore_mem>>)
        %dma_wait3A_143 = arith.constant 0 : i32
        %dma_wait3A_144 = tpu.memref_slice %arg9[%dma_wait3A_143] : memref<1280xf32, #tpu.memory_space<vmem>> -> memref<128xf32, #tpu.memory_space<vmem>>
        %dma_wait3A_145 = arith.constant 0 : i32
        %dma_wait3A_146 = tpu.memref_slice %arg7[%dma_wait3A_145] : memref<1280xi32, #tpu.memory_space<vmem>> -> memref<128xi32, #tpu.memory_space<vmem>>
        %dma_wait3A_147 = arith.constant 0 : i32
        %dma_wait3A_148 = tpu.memref_slice %arg2[%dma_wait3A_147] : memref<50000xf32, #tpu.memory_space<hbm>> -> memref<50000xf32, #tpu.memory_space<hbm>>
        tpu.wait_indirect_dma semaphore(%arg11 : memref<!tpu.dma_semaphore, #tpu.memory_space<semaphore_mem>>) src(%dma_wait3A_148 : memref<50000xf32, #tpu.memory_space<hbm>>) dst(%dma_wait3A_144 : memref<128xf32, #tpu.memory_space<vmem>>)
        %dma_wait3A_149 = arith.constant 0 : i32
        %dma_wait3A_150 = tpu.memref_slice %arg10[%dma_wait3A_149] : memref<1280xf32, #tpu.memory_space<vmem>> -> memref<128xf32, #tpu.memory_space<vmem>>
        %dma_wait3A_151 = arith.constant 0 : i32
        %dma_wait3A_152 = tpu.memref_slice %arg8[%dma_wait3A_151] : memref<1280xi32, #tpu.memory_space<vmem>> -> memref<128xi32, #tpu.memory_space<vmem>>
        %dma_wait3A_153 = arith.constant 0 : i32
        %dma_wait3A_154 = tpu.memref_slice %arg2[%dma_wait3A_153] : memref<50000xf32, #tpu.memory_space<hbm>> -> memref<50000xf32, #tpu.memory_space<hbm>>
        tpu.wait_indirect_dma semaphore(%arg11 : memref<!tpu.dma_semaphore, #tpu.memory_space<semaphore_mem>>) src(%dma_wait3A_154 : memref<50000xf32, #tpu.memory_space<hbm>>) dst(%dma_wait3A_150 : memref<128xf32, #tpu.memory_space<vmem>>)
        %dma_wait3A_155 = arith.constant 128 : i32
        %dma_wait3A_156 = tpu.memref_slice %arg9[%dma_wait3A_155] : memref<1280xf32, #tpu.memory_space<vmem>> -> memref<128xf32, #tpu.memory_space<vmem>>
        %dma_wait3A_157 = arith.constant 128 : i32
        %dma_wait3A_158 = tpu.memref_slice %arg7[%dma_wait3A_157] : memref<1280xi32, #tpu.memory_space<vmem>> -> memref<128xi32, #tpu.memory_space<vmem>>
        %dma_wait3A_159 = arith.constant 0 : i32
        %dma_wait3A_160 = tpu.memref_slice %arg2[%dma_wait3A_159] : memref<50000xf32, #tpu.memory_space<hbm>> -> memref<50000xf32, #tpu.memory_space<hbm>>
        tpu.wait_indirect_dma semaphore(%arg11 : memref<!tpu.dma_semaphore, #tpu.memory_space<semaphore_mem>>) src(%dma_wait3A_160 : memref<50000xf32, #tpu.memory_space<hbm>>) dst(%dma_wait3A_156 : memref<128xf32, #tpu.memory_space<vmem>>)
        %dma_wait3A_161 = arith.constant 128 : i32
        %dma_wait3A_162 = tpu.memref_slice %arg10[%dma_wait3A_161] : memref<1280xf32, #tpu.memory_space<vmem>> -> memref<128xf32, #tpu.memory_space<vmem>>
        %dma_wait3A_163 = arith.constant 128 : i32
        %dma_wait3A_164 = tpu.memref_slice %arg8[%dma_wait3A_163] : memref<1280xi32, #tpu.memory_space<vmem>> -> memref<128xi32, #tpu.memory_space<vmem>>
        %dma_wait3A_165 = arith.constant 0 : i32
        %dma_wait3A_166 = tpu.memref_slice %arg2[%dma_wait3A_165] : memref<50000xf32, #tpu.memory_space<hbm>> -> memref<50000xf32, #tpu.memory_space<hbm>>
        tpu.wait_indirect_dma semaphore(%arg11 : memref<!tpu.dma_semaphore, #tpu.memory_space<semaphore_mem>>) src(%dma_wait3A_166 : memref<50000xf32, #tpu.memory_space<hbm>>) dst(%dma_wait3A_162 : memref<128xf32, #tpu.memory_space<vmem>>)
        %dma_wait3A_167 = arith.constant 256 : i32
        %dma_wait3A_168 = tpu.memref_slice %arg9[%dma_wait3A_167] : memref<1280xf32, #tpu.memory_space<vmem>> -> memref<128xf32, #tpu.memory_space<vmem>>
        %dma_wait3A_169 = arith.constant 256 : i32
        %dma_wait3A_170 = tpu.memref_slice %arg7[%dma_wait3A_169] : memref<1280xi32, #tpu.memory_space<vmem>> -> memref<128xi32, #tpu.memory_space<vmem>>
        %dma_wait3A_171 = arith.constant 0 : i32
        %dma_wait3A_172 = tpu.memref_slice %arg2[%dma_wait3A_171] : memref<50000xf32, #tpu.memory_space<hbm>> -> memref<50000xf32, #tpu.memory_space<hbm>>
        tpu.wait_indirect_dma semaphore(%arg11 : memref<!tpu.dma_semaphore, #tpu.memory_space<semaphore_mem>>) src(%dma_wait3A_172 : memref<50000xf32, #tpu.memory_space<hbm>>) dst(%dma_wait3A_168 : memref<128xf32, #tpu.memory_space<vmem>>)
        %dma_wait3A_173 = arith.constant 256 : i32
        %dma_wait3A_174 = tpu.memref_slice %arg10[%dma_wait3A_173] : memref<1280xf32, #tpu.memory_space<vmem>> -> memref<128xf32, #tpu.memory_space<vmem>>
        %dma_wait3A_175 = arith.constant 256 : i32
        %dma_wait3A_176 = tpu.memref_slice %arg8[%dma_wait3A_175] : memref<1280xi32, #tpu.memory_space<vmem>> -> memref<128xi32, #tpu.memory_space<vmem>>
        %dma_wait3A_177 = arith.constant 0 : i32
        %dma_wait3A_178 = tpu.memref_slice %arg2[%dma_wait3A_177] : memref<50000xf32, #tpu.memory_space<hbm>> -> memref<50000xf32, #tpu.memory_space<hbm>>
        tpu.wait_indirect_dma semaphore(%arg11 : memref<!tpu.dma_semaphore, #tpu.memory_space<semaphore_mem>>) src(%dma_wait3A_178 : memref<50000xf32, #tpu.memory_space<hbm>>) dst(%dma_wait3A_174 : memref<128xf32, #tpu.memory_space<vmem>>)
        %dma_wait3A_179 = arith.constant 384 : i32
        %dma_wait3A_180 = tpu.memref_slice %arg9[%dma_wait3A_179] : memref<1280xf32, #tpu.memory_space<vmem>> -> memref<128xf32, #tpu.memory_space<vmem>>
        %dma_wait3A_181 = arith.constant 384 : i32
        %dma_wait3A_182 = tpu.memref_slice %arg7[%dma_wait3A_181] : memref<1280xi32, #tpu.memory_space<vmem>> -> memref<128xi32, #tpu.memory_space<vmem>>
        %dma_wait3A_183 = arith.constant 0 : i32
        %dma_wait3A_184 = tpu.memref_slice %arg2[%dma_wait3A_183] : memref<50000xf32, #tpu.memory_space<hbm>> -> memref<50000xf32, #tpu.memory_space<hbm>>
        tpu.wait_indirect_dma semaphore(%arg11 : memref<!tpu.dma_semaphore, #tpu.memory_space<semaphore_mem>>) src(%dma_wait3A_184 : memref<50000xf32, #tpu.memory_space<hbm>>) dst(%dma_wait3A_180 : memref<128xf32, #tpu.memory_space<vmem>>)
        %dma_wait3A_185 = arith.constant 384 : i32
        %dma_wait3A_186 = tpu.memref_slice %arg10[%dma_wait3A_185] : memref<1280xf32, #tpu.memory_space<vmem>> -> memref<128xf32, #tpu.memory_space<vmem>>
        %dma_wait3A_187 = arith.constant 384 : i32
        %dma_wait3A_188 = tpu.memref_slice %arg8[%dma_wait3A_187] : memref<1280xi32, #tpu.memory_space<vmem>> -> memref<128xi32, #tpu.memory_space<vmem>>
        %dma_wait3A_189 = arith.constant 0 : i32
        %dma_wait3A_190 = tpu.memref_slice %arg2[%dma_wait3A_189] : memref<50000xf32, #tpu.memory_space<hbm>> -> memref<50000xf32, #tpu.memory_space<hbm>>
        tpu.wait_indirect_dma semaphore(%arg11 : memref<!tpu.dma_semaphore, #tpu.memory_space<semaphore_mem>>) src(%dma_wait3A_190 : memref<50000xf32, #tpu.memory_space<hbm>>) dst(%dma_wait3A_186 : memref<128xf32, #tpu.memory_space<vmem>>)
        %dma_wait3A_191 = arith.constant 512 : i32
        %dma_wait3A_192 = tpu.memref_slice %arg9[%dma_wait3A_191] : memref<1280xf32, #tpu.memory_space<vmem>> -> memref<128xf32, #tpu.memory_space<vmem>>
        %dma_wait3A_193 = arith.constant 512 : i32
        %dma_wait3A_194 = tpu.memref_slice %arg7[%dma_wait3A_193] : memref<1280xi32, #tpu.memory_space<vmem>> -> memref<128xi32, #tpu.memory_space<vmem>>
        %dma_wait3A_195 = arith.constant 0 : i32
        %dma_wait3A_196 = tpu.memref_slice %arg2[%dma_wait3A_195] : memref<50000xf32, #tpu.memory_space<hbm>> -> memref<50000xf32, #tpu.memory_space<hbm>>
        tpu.wait_indirect_dma semaphore(%arg11 : memref<!tpu.dma_semaphore, #tpu.memory_space<semaphore_mem>>) src(%dma_wait3A_196 : memref<50000xf32, #tpu.memory_space<hbm>>) dst(%dma_wait3A_192 : memref<128xf32, #tpu.memory_space<vmem>>)
        %dma_wait3A_197 = arith.constant 512 : i32
        %dma_wait3A_198 = tpu.memref_slice %arg10[%dma_wait3A_197] : memref<1280xf32, #tpu.memory_space<vmem>> -> memref<128xf32, #tpu.memory_space<vmem>>
        %dma_wait3A_199 = arith.constant 512 : i32
        %dma_wait3A_200 = tpu.memref_slice %arg8[%dma_wait3A_199] : memref<1280xi32, #tpu.memory_space<vmem>> -> memref<128xi32, #tpu.memory_space<vmem>>
        %dma_wait3A_201 = arith.constant 0 : i32
        %dma_wait3A_202 = tpu.memref_slice %arg2[%dma_wait3A_201] : memref<50000xf32, #tpu.memory_space<hbm>> -> memref<50000xf32, #tpu.memory_space<hbm>>
        tpu.wait_indirect_dma semaphore(%arg11 : memref<!tpu.dma_semaphore, #tpu.memory_space<semaphore_mem>>) src(%dma_wait3A_202 : memref<50000xf32, #tpu.memory_space<hbm>>) dst(%dma_wait3A_198 : memref<128xf32, #tpu.memory_space<vmem>>)
        %dma_wait3A_203 = arith.constant 640 : i32
        %dma_wait3A_204 = tpu.memref_slice %arg9[%dma_wait3A_203] : memref<1280xf32, #tpu.memory_space<vmem>> -> memref<128xf32, #tpu.memory_space<vmem>>
        %dma_wait3A_205 = arith.constant 640 : i32
        %dma_wait3A_206 = tpu.memref_slice %arg7[%dma_wait3A_205] : memref<1280xi32, #tpu.memory_space<vmem>> -> memref<128xi32, #tpu.memory_space<vmem>>
        %dma_wait3A_207 = arith.constant 0 : i32
        %dma_wait3A_208 = tpu.memref_slice %arg2[%dma_wait3A_207] : memref<50000xf32, #tpu.memory_space<hbm>> -> memref<50000xf32, #tpu.memory_space<hbm>>
        tpu.wait_indirect_dma semaphore(%arg11 : memref<!tpu.dma_semaphore, #tpu.memory_space<semaphore_mem>>) src(%dma_wait3A_208 : memref<50000xf32, #tpu.memory_space<hbm>>) dst(%dma_wait3A_204 : memref<128xf32, #tpu.memory_space<vmem>>)
        %dma_wait3A_209 = arith.constant 640 : i32
        %dma_wait3A_210 = tpu.memref_slice %arg10[%dma_wait3A_209] : memref<1280xf32, #tpu.memory_space<vmem>> -> memref<128xf32, #tpu.memory_space<vmem>>
        %dma_wait3A_211 = arith.constant 640 : i32
        %dma_wait3A_212 = tpu.memref_slice %arg8[%dma_wait3A_211] : memref<1280xi32, #tpu.memory_space<vmem>> -> memref<128xi32, #tpu.memory_space<vmem>>
        %dma_wait3A_213 = arith.constant 0 : i32
        %dma_wait3A_214 = tpu.memref_slice %arg2[%dma_wait3A_213] : memref<50000xf32, #tpu.memory_space<hbm>> -> memref<50000xf32, #tpu.memory_space<hbm>>
        tpu.wait_indirect_dma semaphore(%arg11 : memref<!tpu.dma_semaphore, #tpu.memory_space<semaphore_mem>>) src(%dma_wait3A_214 : memref<50000xf32, #tpu.memory_space<hbm>>) dst(%dma_wait3A_210 : memref<128xf32, #tpu.memory_space<vmem>>)
        %dma_wait3A_215 = arith.constant 768 : i32
        %dma_wait3A_216 = tpu.memref_slice %arg9[%dma_wait3A_215] : memref<1280xf32, #tpu.memory_space<vmem>> -> memref<128xf32, #tpu.memory_space<vmem>>
        %dma_wait3A_217 = arith.constant 768 : i32
        %dma_wait3A_218 = tpu.memref_slice %arg7[%dma_wait3A_217] : memref<1280xi32, #tpu.memory_space<vmem>> -> memref<128xi32, #tpu.memory_space<vmem>>
        %dma_wait3A_219 = arith.constant 0 : i32
        %dma_wait3A_220 = tpu.memref_slice %arg2[%dma_wait3A_219] : memref<50000xf32, #tpu.memory_space<hbm>> -> memref<50000xf32, #tpu.memory_space<hbm>>
        tpu.wait_indirect_dma semaphore(%arg11 : memref<!tpu.dma_semaphore, #tpu.memory_space<semaphore_mem>>) src(%dma_wait3A_220 : memref<50000xf32, #tpu.memory_space<hbm>>) dst(%dma_wait3A_216 : memref<128xf32, #tpu.memory_space<vmem>>)
        %dma_wait3A_221 = arith.constant 768 : i32
        %dma_wait3A_222 = tpu.memref_slice %arg10[%dma_wait3A_221] : memref<1280xf32, #tpu.memory_space<vmem>> -> memref<128xf32, #tpu.memory_space<vmem>>
        %dma_wait3A_223 = arith.constant 768 : i32
        %dma_wait3A_224 = tpu.memref_slice %arg8[%dma_wait3A_223] : memref<1280xi32, #tpu.memory_space<vmem>> -> memref<128xi32, #tpu.memory_space<vmem>>
        %dma_wait3A_225 = arith.constant 0 : i32
        %dma_wait3A_226 = tpu.memref_slice %arg2[%dma_wait3A_225] : memref<50000xf32, #tpu.memory_space<hbm>> -> memref<50000xf32, #tpu.memory_space<hbm>>
        tpu.wait_indirect_dma semaphore(%arg11 : memref<!tpu.dma_semaphore, #tpu.memory_space<semaphore_mem>>) src(%dma_wait3A_226 : memref<50000xf32, #tpu.memory_space<hbm>>) dst(%dma_wait3A_222 : memref<128xf32, #tpu.memory_space<vmem>>)
        %dma_wait3A_227 = arith.constant 896 : i32
        %dma_wait3A_228 = tpu.memref_slice %arg9[%dma_wait3A_227] : memref<1280xf32, #tpu.memory_space<vmem>> -> memref<128xf32, #tpu.memory_space<vmem>>
        %dma_wait3A_229 = arith.constant 896 : i32
        %dma_wait3A_230 = tpu.memref_slice %arg7[%dma_wait3A_229] : memref<1280xi32, #tpu.memory_space<vmem>> -> memref<128xi32, #tpu.memory_space<vmem>>
        %dma_wait3A_231 = arith.constant 0 : i32
        %dma_wait3A_232 = tpu.memref_slice %arg2[%dma_wait3A_231] : memref<50000xf32, #tpu.memory_space<hbm>> -> memref<50000xf32, #tpu.memory_space<hbm>>
        tpu.wait_indirect_dma semaphore(%arg11 : memref<!tpu.dma_semaphore, #tpu.memory_space<semaphore_mem>>) src(%dma_wait3A_232 : memref<50000xf32, #tpu.memory_space<hbm>>) dst(%dma_wait3A_228 : memref<128xf32, #tpu.memory_space<vmem>>)
        %dma_wait3A_233 = arith.constant 896 : i32
        %dma_wait3A_234 = tpu.memref_slice %arg10[%dma_wait3A_233] : memref<1280xf32, #tpu.memory_space<vmem>> -> memref<128xf32, #tpu.memory_space<vmem>>
        %dma_wait3A_235 = arith.constant 896 : i32
        %dma_wait3A_236 = tpu.memref_slice %arg8[%dma_wait3A_235] : memref<1280xi32, #tpu.memory_space<vmem>> -> memref<128xi32, #tpu.memory_space<vmem>>
        %dma_wait3A_237 = arith.constant 0 : i32
        %dma_wait3A_238 = tpu.memref_slice %arg2[%dma_wait3A_237] : memref<50000xf32, #tpu.memory_space<hbm>> -> memref<50000xf32, #tpu.memory_space<hbm>>
        tpu.wait_indirect_dma semaphore(%arg11 : memref<!tpu.dma_semaphore, #tpu.memory_space<semaphore_mem>>) src(%dma_wait3A_238 : memref<50000xf32, #tpu.memory_space<hbm>>) dst(%dma_wait3A_234 : memref<128xf32, #tpu.memory_space<vmem>>)
        %dma_wait3A_239 = arith.constant 1024 : i32
        %dma_wait3A_240 = tpu.memref_slice %arg9[%dma_wait3A_239] : memref<1280xf32, #tpu.memory_space<vmem>> -> memref<128xf32, #tpu.memory_space<vmem>>
        %dma_wait3A_241 = arith.constant 1024 : i32
        %dma_wait3A_242 = tpu.memref_slice %arg7[%dma_wait3A_241] : memref<1280xi32, #tpu.memory_space<vmem>> -> memref<128xi32, #tpu.memory_space<vmem>>
        %dma_wait3A_243 = arith.constant 0 : i32
        %dma_wait3A_244 = tpu.memref_slice %arg2[%dma_wait3A_243] : memref<50000xf32, #tpu.memory_space<hbm>> -> memref<50000xf32, #tpu.memory_space<hbm>>
        tpu.wait_indirect_dma semaphore(%arg11 : memref<!tpu.dma_semaphore, #tpu.memory_space<semaphore_mem>>) src(%dma_wait3A_244 : memref<50000xf32, #tpu.memory_space<hbm>>) dst(%dma_wait3A_240 : memref<128xf32, #tpu.memory_space<vmem>>)
        %dma_wait3A_245 = arith.constant 1024 : i32
        %dma_wait3A_246 = tpu.memref_slice %arg10[%dma_wait3A_245] : memref<1280xf32, #tpu.memory_space<vmem>> -> memref<128xf32, #tpu.memory_space<vmem>>
        %dma_wait3A_247 = arith.constant 1024 : i32
        %dma_wait3A_248 = tpu.memref_slice %arg8[%dma_wait3A_247] : memref<1280xi32, #tpu.memory_space<vmem>> -> memref<128xi32, #tpu.memory_space<vmem>>
        %dma_wait3A_249 = arith.constant 0 : i32
        %dma_wait3A_250 = tpu.memref_slice %arg2[%dma_wait3A_249] : memref<50000xf32, #tpu.memory_space<hbm>> -> memref<50000xf32, #tpu.memory_space<hbm>>
        tpu.wait_indirect_dma semaphore(%arg11 : memref<!tpu.dma_semaphore, #tpu.memory_space<semaphore_mem>>) src(%dma_wait3A_250 : memref<50000xf32, #tpu.memory_space<hbm>>) dst(%dma_wait3A_246 : memref<128xf32, #tpu.memory_space<vmem>>)
        %dma_wait3A_251 = arith.constant 1152 : i32
        %dma_wait3A_252 = tpu.memref_slice %arg9[%dma_wait3A_251] : memref<1280xf32, #tpu.memory_space<vmem>> -> memref<128xf32, #tpu.memory_space<vmem>>
        %dma_wait3A_253 = arith.constant 1152 : i32
        %dma_wait3A_254 = tpu.memref_slice %arg7[%dma_wait3A_253] : memref<1280xi32, #tpu.memory_space<vmem>> -> memref<128xi32, #tpu.memory_space<vmem>>
        %dma_wait3A_255 = arith.constant 0 : i32
        %dma_wait3A_256 = tpu.memref_slice %arg2[%dma_wait3A_255] : memref<50000xf32, #tpu.memory_space<hbm>> -> memref<50000xf32, #tpu.memory_space<hbm>>
        tpu.wait_indirect_dma semaphore(%arg11 : memref<!tpu.dma_semaphore, #tpu.memory_space<semaphore_mem>>) src(%dma_wait3A_256 : memref<50000xf32, #tpu.memory_space<hbm>>) dst(%dma_wait3A_252 : memref<128xf32, #tpu.memory_space<vmem>>)
        %dma_wait3A_257 = arith.constant 1152 : i32
        %dma_wait3A_258 = tpu.memref_slice %arg10[%dma_wait3A_257] : memref<1280xf32, #tpu.memory_space<vmem>> -> memref<128xf32, #tpu.memory_space<vmem>>
        %dma_wait3A_259 = arith.constant 1152 : i32
        %dma_wait3A_260 = tpu.memref_slice %arg8[%dma_wait3A_259] : memref<1280xi32, #tpu.memory_space<vmem>> -> memref<128xi32, #tpu.memory_space<vmem>>
        %dma_wait3A_261 = arith.constant 0 : i32
        %dma_wait3A_262 = tpu.memref_slice %arg2[%dma_wait3A_261] : memref<50000xf32, #tpu.memory_space<hbm>> -> memref<50000xf32, #tpu.memory_space<hbm>>
        tpu.wait_indirect_dma semaphore(%arg11 : memref<!tpu.dma_semaphore, #tpu.memory_space<semaphore_mem>>) src(%dma_wait3A_262 : memref<50000xf32, #tpu.memory_space<hbm>>) dst(%dma_wait3A_258 : memref<128xf32, #tpu.memory_space<vmem>>)
        %dma_start3A_263 = tpu.memref_slice %arg5[%mul3A_16] : memref<819200xf32, #tpu.memory_space<hbm>> -> memref<1280xf32, #tpu.memory_space<hbm>>
        %dma_start3A_264 = tpu.memref_slice %arg5[%mul3A_16] : memref<819200xf32, #tpu.memory_space<hbm>> -> memref<1280xf32, #tpu.memory_space<hbm>>
        tpu.enqueue_dma source(%arg9 : memref<1280xf32, #tpu.memory_space<vmem>>) target(%dma_start3A_264 : memref<1280xf32, #tpu.memory_space<hbm>>) target_semaphore(%arg11 : memref<!tpu.dma_semaphore, #tpu.memory_space<semaphore_mem>>)
        %dma_start3A_265 = tpu.memref_slice %arg6[%mul3A_16] : memref<819200xf32, #tpu.memory_space<hbm>> -> memref<1280xf32, #tpu.memory_space<hbm>>
        %dma_start3A_266 = tpu.memref_slice %arg6[%mul3A_16] : memref<819200xf32, #tpu.memory_space<hbm>> -> memref<1280xf32, #tpu.memory_space<hbm>>
        tpu.enqueue_dma source(%arg10 : memref<1280xf32, #tpu.memory_space<vmem>>) target(%dma_start3A_266 : memref<1280xf32, #tpu.memory_space<hbm>>) target_semaphore(%arg11 : memref<!tpu.dma_semaphore, #tpu.memory_space<semaphore_mem>>)
        %dma_wait3A_267 = tpu.memref_slice %arg5[%mul3A_16] : memref<819200xf32, #tpu.memory_space<hbm>> -> memref<1280xf32, #tpu.memory_space<hbm>>
        %dma_wait3A_268 = tpu.memref_slice %arg5[%mul3A_16] : memref<819200xf32, #tpu.memory_space<hbm>> -> memref<1280xf32, #tpu.memory_space<hbm>>
        tpu.wait_dma2 semaphore(%arg11 : memref<!tpu.dma_semaphore, #tpu.memory_space<semaphore_mem>>) src(%arg9 : memref<1280xf32, #tpu.memory_space<vmem>>) dst(%dma_wait3A_268 : memref<1280xf32, #tpu.memory_space<hbm>>)
        %dma_wait3A_269 = tpu.memref_slice %arg6[%mul3A_16] : memref<819200xf32, #tpu.memory_space<hbm>> -> memref<1280xf32, #tpu.memory_space<hbm>>
        %dma_wait3A_270 = tpu.memref_slice %arg6[%mul3A_16] : memref<819200xf32, #tpu.memory_space<hbm>> -> memref<1280xf32, #tpu.memory_space<hbm>>
        tpu.wait_dma2 semaphore(%arg11 : memref<!tpu.dma_semaphore, #tpu.memory_space<semaphore_mem>>) src(%arg10 : memref<1280xf32, #tpu.memory_space<vmem>>) dst(%dma_wait3A_270 : memref<1280xf32, #tpu.memory_space<hbm>>)
      } else {
      }
    }
    %scan3A_4 = arith.constant 20 : i32
    return
  }
}

#map = affine_map<(d0, d1) -> (0)>
#map1 = affine_map<(d0, d1) -> (0, 0)>
module attributes {stable_mosaic.version = 14 : i64} {
  func.func @_phase_a3(%arg0: i32, %arg1: i32, %arg2: memref<800000xi32, #tpu.memory_space<hbm>>, %arg3: memref<819200xi32, #tpu.memory_space<hbm>>, %arg4: memref<819200xf32, #tpu.memory_space<hbm>>, %arg5: memref<1280xf32, #tpu.memory_space<hbm>>, %arg6: memref<9600xf32, #tpu.memory_space<hbm>>, %arg7: memref<2x153600xf32, #tpu.memory_space<hbm>>, %arg8: memref<2x153600xf32, #tpu.memory_space<hbm>>, %arg9: memref<1280xi32, #tpu.memory_space<vmem>>, %arg10: memref<1280xi32, #tpu.memory_space<vmem>>, %arg11: memref<1280xf32, #tpu.memory_space<vmem>>, %arg12: memref<10x128xi32, #tpu.memory_space<vmem>>, %arg13: memref<1280xf32, #tpu.memory_space<vmem>>, %arg14: memref<153600xf32, #tpu.memory_space<vmem_shared>>, %arg15: memref<153600xf32, #tpu.memory_space<vmem_shared>>, %arg16: memref<!tpu.dma_semaphore, #tpu.memory_space<semaphore_mem>>, %arg17: memref<!tpu.dma_semaphore, #tpu.memory_space<semaphore_mem>>) attributes {dimension_semantics = [#tpu.dimension_semantics<core_parallel>, #tpu.dimension_semantics<subcore_parallel>], iteration_bounds = array<i64: 2, 16>, scalar_prefetch = 0 : i64, scratch_operands = 9 : i64, tpu.core_type = #tpu.core_type<sc_vector_subcore>, window_params = [{transform_indices = #map}, {transform_indices = #map}, {transform_indices = #map}, {transform_indices = #map}, {transform_indices = #map}, {transform_indices = #map1}, {transform_indices = #map1}]} {
    %mul3A = arith.constant 16 : i32
    %mul3A_0 = arith.muli %arg0, %mul3A : i32
    %add3A = arith.addi %mul3A_0, %arg1 : i32
    "tpu.region"() ({
      %run_scoped3A = tpu.sem_alloc : memref<!tpu.dma_semaphore, #tpu.memory_space<semaphore_mem>>
      tpu.enqueue_dma source(%arg5 : memref<1280xf32, #tpu.memory_space<hbm>>) target(%arg13 : memref<1280xf32, #tpu.memory_space<vmem>>) target_semaphore(%run_scoped3A : memref<!tpu.dma_semaphore, #tpu.memory_space<semaphore_mem>>)
      tpu.wait_dma2 semaphore(%run_scoped3A : memref<!tpu.dma_semaphore, #tpu.memory_space<semaphore_mem>>) src(%arg5 : memref<1280xf32, #tpu.memory_space<hbm>>) dst(%arg13 : memref<1280xf32, #tpu.memory_space<vmem>>)
      tpu.yield
    }) : () -> ()
    %mul3A_1 = arith.constant 9600 : i32
    %mul3A_2 = arith.muli %arg1, %mul3A_1 : i32
    "tpu.region"() ({
      %run_scoped3A = tpu.sem_alloc : memref<!tpu.dma_semaphore, #tpu.memory_space<semaphore_mem>>
      %dma_start3A = tpu.memref_slice %arg14[%mul3A_2] : memref<153600xf32, #tpu.memory_space<vmem_shared>> -> memref<9600xf32, #tpu.memory_space<vmem_shared>>
      tpu.enqueue_dma source(%arg6 : memref<9600xf32, #tpu.memory_space<hbm>>) target(%dma_start3A : memref<9600xf32, #tpu.memory_space<vmem_shared>>) target_semaphore(%run_scoped3A : memref<!tpu.dma_semaphore, #tpu.memory_space<semaphore_mem>>)
      %dma_wait3A = tpu.memref_slice %arg14[%mul3A_2] : memref<153600xf32, #tpu.memory_space<vmem_shared>> -> memref<9600xf32, #tpu.memory_space<vmem_shared>>
      tpu.wait_dma2 semaphore(%run_scoped3A : memref<!tpu.dma_semaphore, #tpu.memory_space<semaphore_mem>>) src(%arg6 : memref<9600xf32, #tpu.memory_space<hbm>>) dst(%dma_wait3A : memref<9600xf32, #tpu.memory_space<vmem_shared>>)
      tpu.yield
    }) : () -> ()
    "tpu.region"() ({
      %run_scoped3A = tpu.sem_alloc : memref<!tpu.dma_semaphore, #tpu.memory_space<semaphore_mem>>
      %dma_start3A = tpu.memref_slice %arg15[%mul3A_2] : memref<153600xf32, #tpu.memory_space<vmem_shared>> -> memref<9600xf32, #tpu.memory_space<vmem_shared>>
      tpu.enqueue_dma source(%arg6 : memref<9600xf32, #tpu.memory_space<hbm>>) target(%dma_start3A : memref<9600xf32, #tpu.memory_space<vmem_shared>>) target_semaphore(%run_scoped3A : memref<!tpu.dma_semaphore, #tpu.memory_space<semaphore_mem>>)
      %dma_wait3A = tpu.memref_slice %arg15[%mul3A_2] : memref<153600xf32, #tpu.memory_space<vmem_shared>> -> memref<9600xf32, #tpu.memory_space<vmem_shared>>
      tpu.wait_dma2 semaphore(%run_scoped3A : memref<!tpu.dma_semaphore, #tpu.memory_space<semaphore_mem>>) src(%arg6 : memref<9600xf32, #tpu.memory_space<hbm>>) dst(%dma_wait3A : memref<9600xf32, #tpu.memory_space<vmem_shared>>)
      tpu.yield
    }) : () -> ()
    %barrier3A = arith.constant 0 : index
    tpu.barrier barrier_id(%barrier3A)
    %scan3A = arith.constant 0 : i32
    %scan3A_3 = arith.constant 20 : i32
    %scan3A_4 = arith.addi %scan3A, %scan3A_3 : i32
    %scan3A_5 = arith.constant 1 : i32
    scf.for %scan3A_8 = %scan3A to %scan3A_4 step %scan3A_5  : i32 {
      %mul3A_9 = arith.constant 1 : i32
      %mul3A_10 = arith.muli %scan3A_8, %mul3A_9 : i32
      %add3A_11 = arith.constant 0 : i32
      %add3A_12 = arith.addi %add3A_11, %mul3A_10 : i32
      %mul3A_13 = arith.constant 32 : i32
      %mul3A_14 = arith.muli %add3A_12, %mul3A_13 : i32
      %add3A_15 = arith.addi %add3A, %mul3A_14 : i32
      %lt3A = arith.constant 625 : i32
      %lt3A_16 = arith.cmpi slt, %add3A_15, %lt3A : i32
      %convert_element_type3A = arith.extui %lt3A_16 : i1 to i32
      %cond3A = arith.constant 0 : i32
      %cond3A_17 = arith.cmpi ne, %convert_element_type3A, %cond3A : i32
      scf.if %cond3A_17 {
        %mul3A_18 = arith.constant 1280 : i32
        %mul3A_19 = arith.muli %add3A_15, %mul3A_18 : i32
        %dma_start3A = tpu.memref_slice %arg2[%mul3A_19] : memref<800000xi32, #tpu.memory_space<hbm>> -> memref<1280xi32, #tpu.memory_space<hbm>>
        %dma_start3A_20 = tpu.memref_slice %arg2[%mul3A_19] : memref<800000xi32, #tpu.memory_space<hbm>> -> memref<1280xi32, #tpu.memory_space<hbm>>
        tpu.enqueue_dma source(%dma_start3A_20 : memref<1280xi32, #tpu.memory_space<hbm>>) target(%arg9 : memref<1280xi32, #tpu.memory_space<vmem>>) target_semaphore(%arg16 : memref<!tpu.dma_semaphore, #tpu.memory_space<semaphore_mem>>)
        %dma_start3A_21 = tpu.memref_slice %arg3[%mul3A_19] : memref<819200xi32, #tpu.memory_space<hbm>> -> memref<1280xi32, #tpu.memory_space<hbm>>
        %dma_start3A_22 = tpu.memref_slice %arg3[%mul3A_19] : memref<819200xi32, #tpu.memory_space<hbm>> -> memref<1280xi32, #tpu.memory_space<hbm>>
        tpu.enqueue_dma source(%dma_start3A_22 : memref<1280xi32, #tpu.memory_space<hbm>>) target(%arg10 : memref<1280xi32, #tpu.memory_space<vmem>>) target_semaphore(%arg16 : memref<!tpu.dma_semaphore, #tpu.memory_space<semaphore_mem>>)
        %dma_start3A_23 = tpu.memref_slice %arg4[%mul3A_19] : memref<819200xf32, #tpu.memory_space<hbm>> -> memref<1280xf32, #tpu.memory_space<hbm>>
        %dma_start3A_24 = tpu.memref_slice %arg4[%mul3A_19] : memref<819200xf32, #tpu.memory_space<hbm>> -> memref<1280xf32, #tpu.memory_space<hbm>>
        tpu.enqueue_dma source(%dma_start3A_24 : memref<1280xf32, #tpu.memory_space<hbm>>) target(%arg11 : memref<1280xf32, #tpu.memory_space<vmem>>) target_semaphore(%arg16 : memref<!tpu.dma_semaphore, #tpu.memory_space<semaphore_mem>>)
        %dma_wait3A = tpu.memref_slice %arg2[%mul3A_19] : memref<800000xi32, #tpu.memory_space<hbm>> -> memref<1280xi32, #tpu.memory_space<hbm>>
        %dma_wait3A_25 = tpu.memref_slice %arg2[%mul3A_19] : memref<800000xi32, #tpu.memory_space<hbm>> -> memref<1280xi32, #tpu.memory_space<hbm>>
        tpu.wait_dma2 semaphore(%arg16 : memref<!tpu.dma_semaphore, #tpu.memory_space<semaphore_mem>>) src(%dma_wait3A_25 : memref<1280xi32, #tpu.memory_space<hbm>>) dst(%arg9 : memref<1280xi32, #tpu.memory_space<vmem>>)
        %dma_wait3A_26 = tpu.memref_slice %arg3[%mul3A_19] : memref<819200xi32, #tpu.memory_space<hbm>> -> memref<1280xi32, #tpu.memory_space<hbm>>
        %dma_wait3A_27 = tpu.memref_slice %arg3[%mul3A_19] : memref<819200xi32, #tpu.memory_space<hbm>> -> memref<1280xi32, #tpu.memory_space<hbm>>
        tpu.wait_dma2 semaphore(%arg16 : memref<!tpu.dma_semaphore, #tpu.memory_space<semaphore_mem>>) src(%dma_wait3A_27 : memref<1280xi32, #tpu.memory_space<hbm>>) dst(%arg10 : memref<1280xi32, #tpu.memory_space<vmem>>)
        %dma_wait3A_28 = tpu.memref_slice %arg4[%mul3A_19] : memref<819200xf32, #tpu.memory_space<hbm>> -> memref<1280xf32, #tpu.memory_space<hbm>>
        %dma_wait3A_29 = tpu.memref_slice %arg4[%mul3A_19] : memref<819200xf32, #tpu.memory_space<hbm>> -> memref<1280xf32, #tpu.memory_space<hbm>>
        tpu.wait_dma2 semaphore(%arg16 : memref<!tpu.dma_semaphore, #tpu.memory_space<semaphore_mem>>) src(%dma_wait3A_29 : memref<1280xf32, #tpu.memory_space<hbm>>) dst(%arg11 : memref<1280xf32, #tpu.memory_space<vmem>>)
        %scan3A_30 = arith.constant 0 : i32
        %scan3A_31 = arith.constant 10 : i32
        %scan3A_32 = arith.addi %scan3A_30, %scan3A_31 : i32
        %scan3A_33 = arith.constant 1 : i32
        scf.for %scan3A_355 = %scan3A_30 to %scan3A_32 step %scan3A_33  : i32 {
          %mul3A_356 = arith.constant 1 : i32
          %mul3A_357 = arith.muli %scan3A_355, %mul3A_356 : i32
          %add3A_358 = arith.constant 0 : i32
          %add3A_359 = arith.addi %add3A_358, %mul3A_357 : i32
          %scan3A_360 = arith.constant 0 : i32
          %scan3A_361 = arith.constant 8 : i32
          %scan3A_362 = arith.addi %scan3A_360, %scan3A_361 : i32
          %scan3A_363 = arith.constant 1 : i32
          scf.for %scan3A_365 = %scan3A_360 to %scan3A_362 step %scan3A_363  : i32 {
            %mul3A_366 = arith.constant 16 : i32
            %mul3A_367 = arith.muli %scan3A_365, %mul3A_366 : i32
            %add3A_368 = arith.constant 0 : i32
            %add3A_369 = arith.addi %add3A_368, %mul3A_367 : i32
            %mul3A_370 = arith.constant 128 : i32
            %mul3A_371 = arith.muli %add3A_359, %mul3A_370 : i32
            %add3A_372 = arith.addi %mul3A_371, %add3A_369 : i32
            %get3A = arith.index_cast %add3A_372 : i32 to index
            %get3A_373 = tpu.vector_load %arg9[%get3A] {strides = array<i32>} : memref<1280xi32, #tpu.memory_space<vmem>>, vector<16xi32>,
            %get3A_374 = vector.shape_cast %get3A_373 : vector<16xi32> to vector<16xi32>
            %mul3A_375 = arith.constant 3 : i32
            %mul3A_376 = vector.broadcast %mul3A_375 : i32 to vector<16xi32>
            %mul3A_377 = arith.muli %get3A_374, %mul3A_376 : vector<16xi32>
            %get3A_378 = arith.index_cast %add3A_372 : i32 to index
            %get3A_379 = tpu.vector_load %arg10[%get3A_378] {strides = array<i32>} : memref<1280xi32, #tpu.memory_space<vmem>>, vector<16xi32>,
            %get3A_380 = vector.shape_cast %get3A_379 : vector<16xi32> to vector<16xi32>
            %add3A_381 = arith.addi %mul3A_377, %get3A_380 : vector<16xi32>
            %swap3A = arith.index_cast %add3A_359 : i32 to index
            %swap3A_382 = arith.index_cast %add3A_369 : i32 to index
            %swap3A_383 = tpu.vector_load %arg12[%swap3A, %swap3A_382] {strides = array<i32>} : memref<10x128xi32, #tpu.memory_space<vmem>>, vector<1x16xi32>,
            %swap3A_384 = vector.shape_cast %swap3A_383 : vector<1x16xi32> to vector<16xi32>
            %swap3A_385 = vector.shape_cast %add3A_381 : vector<16xi32> to vector<1x16xi32>
            tpu.vector_store %arg12[%swap3A, %swap3A_382], %swap3A_385 {strides = array<i32>} : memref<10x128xi32, #tpu.memory_space<vmem>>, vector<1x16xi32>,
          }
          %scan3A_364 = arith.constant 8 : i32
        }
        %scan3A_34 = arith.constant 10 : i32
        %dma_start3A_35 = arith.constant 0 : i32
        %dma_start3A_36 = arith.constant 0 : i32
        %dma_start3A_37 = tpu.memref_slice %arg11[%dma_start3A_36] : memref<1280xf32, #tpu.memory_space<vmem>> -> memref<128xf32, #tpu.memory_space<vmem>>
        %dma_start3A_38 = arith.constant 0 : i32
        %dma_start3A_39 = tpu.memref_slice %arg12[%dma_start3A_35, %dma_start3A_38] : memref<10x128xi32, #tpu.memory_space<vmem>> -> memref<1x128xi32, #tpu.memory_space<vmem>>
        %dma_start3A_40 = tpu.memref_squeeze %dma_start3A_39 : memref<1x128xi32, #tpu.memory_space<vmem>> -> memref<128xi32, #tpu.memory_space<vmem>>
        %dma_start3A_41 = arith.constant 0 : i32
        %dma_start3A_42 = tpu.memref_slice %arg14[%dma_start3A_41] : memref<153600xf32, #tpu.memory_space<vmem_shared>> -> memref<153600xf32, #tpu.memory_space<vmem_shared>>
        tpu.enqueue_indirect_dma source(%dma_start3A_37 : memref<128xf32, #tpu.memory_space<vmem>>) target(%dma_start3A_42 : memref<153600xf32, #tpu.memory_space<vmem_shared>>) offsets(%dma_start3A_40 : memref<128xi32, #tpu.memory_space<vmem>>) semaphore(%arg17 : memref<!tpu.dma_semaphore, #tpu.memory_space<semaphore_mem>>) {add = true}
        %dma_start3A_43 = arith.constant 0 : i32
        %dma_start3A_44 = arith.constant 0 : i32
        %dma_start3A_45 = tpu.memref_slice %arg13[%dma_start3A_44] : memref<1280xf32, #tpu.memory_space<vmem>> -> memref<128xf32, #tpu.memory_space<vmem>>
        %dma_start3A_46 = arith.constant 0 : i32
        %dma_start3A_47 = tpu.memref_slice %arg12[%dma_start3A_43, %dma_start3A_46] : memref<10x128xi32, #tpu.memory_space<vmem>> -> memref<1x128xi32, #tpu.memory_space<vmem>>
        %dma_start3A_48 = tpu.memref_squeeze %dma_start3A_47 : memref<1x128xi32, #tpu.memory_space<vmem>> -> memref<128xi32, #tpu.memory_space<vmem>>
        %dma_start3A_49 = arith.constant 0 : i32
        %dma_start3A_50 = tpu.memref_slice %arg15[%dma_start3A_49] : memref<153600xf32, #tpu.memory_space<vmem_shared>> -> memref<153600xf32, #tpu.memory_space<vmem_shared>>
        tpu.enqueue_indirect_dma source(%dma_start3A_45 : memref<128xf32, #tpu.memory_space<vmem>>) target(%dma_start3A_50 : memref<153600xf32, #tpu.memory_space<vmem_shared>>) offsets(%dma_start3A_48 : memref<128xi32, #tpu.memory_space<vmem>>) semaphore(%arg17 : memref<!tpu.dma_semaphore, #tpu.memory_space<semaphore_mem>>) {add = true}
        %dma_start3A_51 = arith.constant 1 : i32
        %dma_start3A_52 = arith.constant 128 : i32
        %dma_start3A_53 = tpu.memref_slice %arg11[%dma_start3A_52] : memref<1280xf32, #tpu.memory_space<vmem>> -> memref<128xf32, #tpu.memory_space<vmem>>
        %dma_start3A_54 = arith.constant 0 : i32
        %dma_start3A_55 = tpu.memref_slice %arg12[%dma_start3A_51, %dma_start3A_54] : memref<10x128xi32, #tpu.memory_space<vmem>> -> memref<1x128xi32, #tpu.memory_space<vmem>>
        %dma_start3A_56 = tpu.memref_squeeze %dma_start3A_55 : memref<1x128xi32, #tpu.memory_space<vmem>> -> memref<128xi32, #tpu.memory_space<vmem>>
        %dma_start3A_57 = arith.constant 0 : i32
        %dma_start3A_58 = tpu.memref_slice %arg14[%dma_start3A_57] : memref<153600xf32, #tpu.memory_space<vmem_shared>> -> memref<153600xf32, #tpu.memory_space<vmem_shared>>
        tpu.enqueue_indirect_dma source(%dma_start3A_53 : memref<128xf32, #tpu.memory_space<vmem>>) target(%dma_start3A_58 : memref<153600xf32, #tpu.memory_space<vmem_shared>>) offsets(%dma_start3A_56 : memref<128xi32, #tpu.memory_space<vmem>>) semaphore(%arg17 : memref<!tpu.dma_semaphore, #tpu.memory_space<semaphore_mem>>) {add = true}
        %dma_start3A_59 = arith.constant 1 : i32
        %dma_start3A_60 = arith.constant 128 : i32
        %dma_start3A_61 = tpu.memref_slice %arg13[%dma_start3A_60] : memref<1280xf32, #tpu.memory_space<vmem>> -> memref<128xf32, #tpu.memory_space<vmem>>
        %dma_start3A_62 = arith.constant 0 : i32
        %dma_start3A_63 = tpu.memref_slice %arg12[%dma_start3A_59, %dma_start3A_62] : memref<10x128xi32, #tpu.memory_space<vmem>> -> memref<1x128xi32, #tpu.memory_space<vmem>>
        %dma_start3A_64 = tpu.memref_squeeze %dma_start3A_63 : memref<1x128xi32, #tpu.memory_space<vmem>> -> memref<128xi32, #tpu.memory_space<vmem>>
        %dma_start3A_65 = arith.constant 0 : i32
        %dma_start3A_66 = tpu.memref_slice %arg15[%dma_start3A_65] : memref<153600xf32, #tpu.memory_space<vmem_shared>> -> memref<153600xf32, #tpu.memory_space<vmem_shared>>
        tpu.enqueue_indirect_dma source(%dma_start3A_61 : memref<128xf32, #tpu.memory_space<vmem>>) target(%dma_start3A_66 : memref<153600xf32, #tpu.memory_space<vmem_shared>>) offsets(%dma_start3A_64 : memref<128xi32, #tpu.memory_space<vmem>>) semaphore(%arg17 : memref<!tpu.dma_semaphore, #tpu.memory_space<semaphore_mem>>) {add = true}
        %dma_start3A_67 = arith.constant 2 : i32
        %dma_start3A_68 = arith.constant 256 : i32
        %dma_start3A_69 = tpu.memref_slice %arg11[%dma_start3A_68] : memref<1280xf32, #tpu.memory_space<vmem>> -> memref<128xf32, #tpu.memory_space<vmem>>
        %dma_start3A_70 = arith.constant 0 : i32
        %dma_start3A_71 = tpu.memref_slice %arg12[%dma_start3A_67, %dma_start3A_70] : memref<10x128xi32, #tpu.memory_space<vmem>> -> memref<1x128xi32, #tpu.memory_space<vmem>>
        %dma_start3A_72 = tpu.memref_squeeze %dma_start3A_71 : memref<1x128xi32, #tpu.memory_space<vmem>> -> memref<128xi32, #tpu.memory_space<vmem>>
        %dma_start3A_73 = arith.constant 0 : i32
        %dma_start3A_74 = tpu.memref_slice %arg14[%dma_start3A_73] : memref<153600xf32, #tpu.memory_space<vmem_shared>> -> memref<153600xf32, #tpu.memory_space<vmem_shared>>
        tpu.enqueue_indirect_dma source(%dma_start3A_69 : memref<128xf32, #tpu.memory_space<vmem>>) target(%dma_start3A_74 : memref<153600xf32, #tpu.memory_space<vmem_shared>>) offsets(%dma_start3A_72 : memref<128xi32, #tpu.memory_space<vmem>>) semaphore(%arg17 : memref<!tpu.dma_semaphore, #tpu.memory_space<semaphore_mem>>) {add = true}
        %dma_start3A_75 = arith.constant 2 : i32
        %dma_start3A_76 = arith.constant 256 : i32
        %dma_start3A_77 = tpu.memref_slice %arg13[%dma_start3A_76] : memref<1280xf32, #tpu.memory_space<vmem>> -> memref<128xf32, #tpu.memory_space<vmem>>
        %dma_start3A_78 = arith.constant 0 : i32
        %dma_start3A_79 = tpu.memref_slice %arg12[%dma_start3A_75, %dma_start3A_78] : memref<10x128xi32, #tpu.memory_space<vmem>> -> memref<1x128xi32, #tpu.memory_space<vmem>>
        %dma_start3A_80 = tpu.memref_squeeze %dma_start3A_79 : memref<1x128xi32, #tpu.memory_space<vmem>> -> memref<128xi32, #tpu.memory_space<vmem>>
        %dma_start3A_81 = arith.constant 0 : i32
        %dma_start3A_82 = tpu.memref_slice %arg15[%dma_start3A_81] : memref<153600xf32, #tpu.memory_space<vmem_shared>> -> memref<153600xf32, #tpu.memory_space<vmem_shared>>
        tpu.enqueue_indirect_dma source(%dma_start3A_77 : memref<128xf32, #tpu.memory_space<vmem>>) target(%dma_start3A_82 : memref<153600xf32, #tpu.memory_space<vmem_shared>>) offsets(%dma_start3A_80 : memref<128xi32, #tpu.memory_space<vmem>>) semaphore(%arg17 : memref<!tpu.dma_semaphore, #tpu.memory_space<semaphore_mem>>) {add = true}
        %dma_start3A_83 = arith.constant 3 : i32
        %dma_start3A_84 = arith.constant 384 : i32
        %dma_start3A_85 = tpu.memref_slice %arg11[%dma_start3A_84] : memref<1280xf32, #tpu.memory_space<vmem>> -> memref<128xf32, #tpu.memory_space<vmem>>
        %dma_start3A_86 = arith.constant 0 : i32
        %dma_start3A_87 = tpu.memref_slice %arg12[%dma_start3A_83, %dma_start3A_86] : memref<10x128xi32, #tpu.memory_space<vmem>> -> memref<1x128xi32, #tpu.memory_space<vmem>>
        %dma_start3A_88 = tpu.memref_squeeze %dma_start3A_87 : memref<1x128xi32, #tpu.memory_space<vmem>> -> memref<128xi32, #tpu.memory_space<vmem>>
        %dma_start3A_89 = arith.constant 0 : i32
        %dma_start3A_90 = tpu.memref_slice %arg14[%dma_start3A_89] : memref<153600xf32, #tpu.memory_space<vmem_shared>> -> memref<153600xf32, #tpu.memory_space<vmem_shared>>
        tpu.enqueue_indirect_dma source(%dma_start3A_85 : memref<128xf32, #tpu.memory_space<vmem>>) target(%dma_start3A_90 : memref<153600xf32, #tpu.memory_space<vmem_shared>>) offsets(%dma_start3A_88 : memref<128xi32, #tpu.memory_space<vmem>>) semaphore(%arg17 : memref<!tpu.dma_semaphore, #tpu.memory_space<semaphore_mem>>) {add = true}
        %dma_start3A_91 = arith.constant 3 : i32
        %dma_start3A_92 = arith.constant 384 : i32
        %dma_start3A_93 = tpu.memref_slice %arg13[%dma_start3A_92] : memref<1280xf32, #tpu.memory_space<vmem>> -> memref<128xf32, #tpu.memory_space<vmem>>
        %dma_start3A_94 = arith.constant 0 : i32
        %dma_start3A_95 = tpu.memref_slice %arg12[%dma_start3A_91, %dma_start3A_94] : memref<10x128xi32, #tpu.memory_space<vmem>> -> memref<1x128xi32, #tpu.memory_space<vmem>>
        %dma_start3A_96 = tpu.memref_squeeze %dma_start3A_95 : memref<1x128xi32, #tpu.memory_space<vmem>> -> memref<128xi32, #tpu.memory_space<vmem>>
        %dma_start3A_97 = arith.constant 0 : i32
        %dma_start3A_98 = tpu.memref_slice %arg15[%dma_start3A_97] : memref<153600xf32, #tpu.memory_space<vmem_shared>> -> memref<153600xf32, #tpu.memory_space<vmem_shared>>
        tpu.enqueue_indirect_dma source(%dma_start3A_93 : memref<128xf32, #tpu.memory_space<vmem>>) target(%dma_start3A_98 : memref<153600xf32, #tpu.memory_space<vmem_shared>>) offsets(%dma_start3A_96 : memref<128xi32, #tpu.memory_space<vmem>>) semaphore(%arg17 : memref<!tpu.dma_semaphore, #tpu.memory_space<semaphore_mem>>) {add = true}
        %dma_start3A_99 = arith.constant 4 : i32
        %dma_start3A_100 = arith.constant 512 : i32
        %dma_start3A_101 = tpu.memref_slice %arg11[%dma_start3A_100] : memref<1280xf32, #tpu.memory_space<vmem>> -> memref<128xf32, #tpu.memory_space<vmem>>
        %dma_start3A_102 = arith.constant 0 : i32
        %dma_start3A_103 = tpu.memref_slice %arg12[%dma_start3A_99, %dma_start3A_102] : memref<10x128xi32, #tpu.memory_space<vmem>> -> memref<1x128xi32, #tpu.memory_space<vmem>>
        %dma_start3A_104 = tpu.memref_squeeze %dma_start3A_103 : memref<1x128xi32, #tpu.memory_space<vmem>> -> memref<128xi32, #tpu.memory_space<vmem>>
        %dma_start3A_105 = arith.constant 0 : i32
        %dma_start3A_106 = tpu.memref_slice %arg14[%dma_start3A_105] : memref<153600xf32, #tpu.memory_space<vmem_shared>> -> memref<153600xf32, #tpu.memory_space<vmem_shared>>
        tpu.enqueue_indirect_dma source(%dma_start3A_101 : memref<128xf32, #tpu.memory_space<vmem>>) target(%dma_start3A_106 : memref<153600xf32, #tpu.memory_space<vmem_shared>>) offsets(%dma_start3A_104 : memref<128xi32, #tpu.memory_space<vmem>>) semaphore(%arg17 : memref<!tpu.dma_semaphore, #tpu.memory_space<semaphore_mem>>) {add = true}
        %dma_start3A_107 = arith.constant 4 : i32
        %dma_start3A_108 = arith.constant 512 : i32
        %dma_start3A_109 = tpu.memref_slice %arg13[%dma_start3A_108] : memref<1280xf32, #tpu.memory_space<vmem>> -> memref<128xf32, #tpu.memory_space<vmem>>
        %dma_start3A_110 = arith.constant 0 : i32
        %dma_start3A_111 = tpu.memref_slice %arg12[%dma_start3A_107, %dma_start3A_110] : memref<10x128xi32, #tpu.memory_space<vmem>> -> memref<1x128xi32, #tpu.memory_space<vmem>>
        %dma_start3A_112 = tpu.memref_squeeze %dma_start3A_111 : memref<1x128xi32, #tpu.memory_space<vmem>> -> memref<128xi32, #tpu.memory_space<vmem>>
        %dma_start3A_113 = arith.constant 0 : i32
        %dma_start3A_114 = tpu.memref_slice %arg15[%dma_start3A_113] : memref<153600xf32, #tpu.memory_space<vmem_shared>> -> memref<153600xf32, #tpu.memory_space<vmem_shared>>
        tpu.enqueue_indirect_dma source(%dma_start3A_109 : memref<128xf32, #tpu.memory_space<vmem>>) target(%dma_start3A_114 : memref<153600xf32, #tpu.memory_space<vmem_shared>>) offsets(%dma_start3A_112 : memref<128xi32, #tpu.memory_space<vmem>>) semaphore(%arg17 : memref<!tpu.dma_semaphore, #tpu.memory_space<semaphore_mem>>) {add = true}
        %dma_start3A_115 = arith.constant 5 : i32
        %dma_start3A_116 = arith.constant 640 : i32
        %dma_start3A_117 = tpu.memref_slice %arg11[%dma_start3A_116] : memref<1280xf32, #tpu.memory_space<vmem>> -> memref<128xf32, #tpu.memory_space<vmem>>
        %dma_start3A_118 = arith.constant 0 : i32
        %dma_start3A_119 = tpu.memref_slice %arg12[%dma_start3A_115, %dma_start3A_118] : memref<10x128xi32, #tpu.memory_space<vmem>> -> memref<1x128xi32, #tpu.memory_space<vmem>>
        %dma_start3A_120 = tpu.memref_squeeze %dma_start3A_119 : memref<1x128xi32, #tpu.memory_space<vmem>> -> memref<128xi32, #tpu.memory_space<vmem>>
        %dma_start3A_121 = arith.constant 0 : i32
        %dma_start3A_122 = tpu.memref_slice %arg14[%dma_start3A_121] : memref<153600xf32, #tpu.memory_space<vmem_shared>> -> memref<153600xf32, #tpu.memory_space<vmem_shared>>
        tpu.enqueue_indirect_dma source(%dma_start3A_117 : memref<128xf32, #tpu.memory_space<vmem>>) target(%dma_start3A_122 : memref<153600xf32, #tpu.memory_space<vmem_shared>>) offsets(%dma_start3A_120 : memref<128xi32, #tpu.memory_space<vmem>>) semaphore(%arg17 : memref<!tpu.dma_semaphore, #tpu.memory_space<semaphore_mem>>) {add = true}
        %dma_start3A_123 = arith.constant 5 : i32
        %dma_start3A_124 = arith.constant 640 : i32
        %dma_start3A_125 = tpu.memref_slice %arg13[%dma_start3A_124] : memref<1280xf32, #tpu.memory_space<vmem>> -> memref<128xf32, #tpu.memory_space<vmem>>
        %dma_start3A_126 = arith.constant 0 : i32
        %dma_start3A_127 = tpu.memref_slice %arg12[%dma_start3A_123, %dma_start3A_126] : memref<10x128xi32, #tpu.memory_space<vmem>> -> memref<1x128xi32, #tpu.memory_space<vmem>>
        %dma_start3A_128 = tpu.memref_squeeze %dma_start3A_127 : memref<1x128xi32, #tpu.memory_space<vmem>> -> memref<128xi32, #tpu.memory_space<vmem>>
        %dma_start3A_129 = arith.constant 0 : i32
        %dma_start3A_130 = tpu.memref_slice %arg15[%dma_start3A_129] : memref<153600xf32, #tpu.memory_space<vmem_shared>> -> memref<153600xf32, #tpu.memory_space<vmem_shared>>
        tpu.enqueue_indirect_dma source(%dma_start3A_125 : memref<128xf32, #tpu.memory_space<vmem>>) target(%dma_start3A_130 : memref<153600xf32, #tpu.memory_space<vmem_shared>>) offsets(%dma_start3A_128 : memref<128xi32, #tpu.memory_space<vmem>>) semaphore(%arg17 : memref<!tpu.dma_semaphore, #tpu.memory_space<semaphore_mem>>) {add = true}
        %dma_start3A_131 = arith.constant 6 : i32
        %dma_start3A_132 = arith.constant 768 : i32
        %dma_start3A_133 = tpu.memref_slice %arg11[%dma_start3A_132] : memref<1280xf32, #tpu.memory_space<vmem>> -> memref<128xf32, #tpu.memory_space<vmem>>
        %dma_start3A_134 = arith.constant 0 : i32
        %dma_start3A_135 = tpu.memref_slice %arg12[%dma_start3A_131, %dma_start3A_134] : memref<10x128xi32, #tpu.memory_space<vmem>> -> memref<1x128xi32, #tpu.memory_space<vmem>>
        %dma_start3A_136 = tpu.memref_squeeze %dma_start3A_135 : memref<1x128xi32, #tpu.memory_space<vmem>> -> memref<128xi32, #tpu.memory_space<vmem>>
        %dma_start3A_137 = arith.constant 0 : i32
        %dma_start3A_138 = tpu.memref_slice %arg14[%dma_start3A_137] : memref<153600xf32, #tpu.memory_space<vmem_shared>> -> memref<153600xf32, #tpu.memory_space<vmem_shared>>
        tpu.enqueue_indirect_dma source(%dma_start3A_133 : memref<128xf32, #tpu.memory_space<vmem>>) target(%dma_start3A_138 : memref<153600xf32, #tpu.memory_space<vmem_shared>>) offsets(%dma_start3A_136 : memref<128xi32, #tpu.memory_space<vmem>>) semaphore(%arg17 : memref<!tpu.dma_semaphore, #tpu.memory_space<semaphore_mem>>) {add = true}
        %dma_start3A_139 = arith.constant 6 : i32
        %dma_start3A_140 = arith.constant 768 : i32
        %dma_start3A_141 = tpu.memref_slice %arg13[%dma_start3A_140] : memref<1280xf32, #tpu.memory_space<vmem>> -> memref<128xf32, #tpu.memory_space<vmem>>
        %dma_start3A_142 = arith.constant 0 : i32
        %dma_start3A_143 = tpu.memref_slice %arg12[%dma_start3A_139, %dma_start3A_142] : memref<10x128xi32, #tpu.memory_space<vmem>> -> memref<1x128xi32, #tpu.memory_space<vmem>>
        %dma_start3A_144 = tpu.memref_squeeze %dma_start3A_143 : memref<1x128xi32, #tpu.memory_space<vmem>> -> memref<128xi32, #tpu.memory_space<vmem>>
        %dma_start3A_145 = arith.constant 0 : i32
        %dma_start3A_146 = tpu.memref_slice %arg15[%dma_start3A_145] : memref<153600xf32, #tpu.memory_space<vmem_shared>> -> memref<153600xf32, #tpu.memory_space<vmem_shared>>
        tpu.enqueue_indirect_dma source(%dma_start3A_141 : memref<128xf32, #tpu.memory_space<vmem>>) target(%dma_start3A_146 : memref<153600xf32, #tpu.memory_space<vmem_shared>>) offsets(%dma_start3A_144 : memref<128xi32, #tpu.memory_space<vmem>>) semaphore(%arg17 : memref<!tpu.dma_semaphore, #tpu.memory_space<semaphore_mem>>) {add = true}
        %dma_start3A_147 = arith.constant 7 : i32
        %dma_start3A_148 = arith.constant 896 : i32
        %dma_start3A_149 = tpu.memref_slice %arg11[%dma_start3A_148] : memref<1280xf32, #tpu.memory_space<vmem>> -> memref<128xf32, #tpu.memory_space<vmem>>
        %dma_start3A_150 = arith.constant 0 : i32
        %dma_start3A_151 = tpu.memref_slice %arg12[%dma_start3A_147, %dma_start3A_150] : memref<10x128xi32, #tpu.memory_space<vmem>> -> memref<1x128xi32, #tpu.memory_space<vmem>>
        %dma_start3A_152 = tpu.memref_squeeze %dma_start3A_151 : memref<1x128xi32, #tpu.memory_space<vmem>> -> memref<128xi32, #tpu.memory_space<vmem>>
        %dma_start3A_153 = arith.constant 0 : i32
        %dma_start3A_154 = tpu.memref_slice %arg14[%dma_start3A_153] : memref<153600xf32, #tpu.memory_space<vmem_shared>> -> memref<153600xf32, #tpu.memory_space<vmem_shared>>
        tpu.enqueue_indirect_dma source(%dma_start3A_149 : memref<128xf32, #tpu.memory_space<vmem>>) target(%dma_start3A_154 : memref<153600xf32, #tpu.memory_space<vmem_shared>>) offsets(%dma_start3A_152 : memref<128xi32, #tpu.memory_space<vmem>>) semaphore(%arg17 : memref<!tpu.dma_semaphore, #tpu.memory_space<semaphore_mem>>) {add = true}
        %dma_start3A_155 = arith.constant 7 : i32
        %dma_start3A_156 = arith.constant 896 : i32
        %dma_start3A_157 = tpu.memref_slice %arg13[%dma_start3A_156] : memref<1280xf32, #tpu.memory_space<vmem>> -> memref<128xf32, #tpu.memory_space<vmem>>
        %dma_start3A_158 = arith.constant 0 : i32
        %dma_start3A_159 = tpu.memref_slice %arg12[%dma_start3A_155, %dma_start3A_158] : memref<10x128xi32, #tpu.memory_space<vmem>> -> memref<1x128xi32, #tpu.memory_space<vmem>>
        %dma_start3A_160 = tpu.memref_squeeze %dma_start3A_159 : memref<1x128xi32, #tpu.memory_space<vmem>> -> memref<128xi32, #tpu.memory_space<vmem>>
        %dma_start3A_161 = arith.constant 0 : i32
        %dma_start3A_162 = tpu.memref_slice %arg15[%dma_start3A_161] : memref<153600xf32, #tpu.memory_space<vmem_shared>> -> memref<153600xf32, #tpu.memory_space<vmem_shared>>
        tpu.enqueue_indirect_dma source(%dma_start3A_157 : memref<128xf32, #tpu.memory_space<vmem>>) target(%dma_start3A_162 : memref<153600xf32, #tpu.memory_space<vmem_shared>>) offsets(%dma_start3A_160 : memref<128xi32, #tpu.memory_space<vmem>>) semaphore(%arg17 : memref<!tpu.dma_semaphore, #tpu.memory_space<semaphore_mem>>) {add = true}
        %dma_start3A_163 = arith.constant 8 : i32
        %dma_start3A_164 = arith.constant 1024 : i32
        %dma_start3A_165 = tpu.memref_slice %arg11[%dma_start3A_164] : memref<1280xf32, #tpu.memory_space<vmem>> -> memref<128xf32, #tpu.memory_space<vmem>>
        %dma_start3A_166 = arith.constant 0 : i32
        %dma_start3A_167 = tpu.memref_slice %arg12[%dma_start3A_163, %dma_start3A_166] : memref<10x128xi32, #tpu.memory_space<vmem>> -> memref<1x128xi32, #tpu.memory_space<vmem>>
        %dma_start3A_168 = tpu.memref_squeeze %dma_start3A_167 : memref<1x128xi32, #tpu.memory_space<vmem>> -> memref<128xi32, #tpu.memory_space<vmem>>
        %dma_start3A_169 = arith.constant 0 : i32
        %dma_start3A_170 = tpu.memref_slice %arg14[%dma_start3A_169] : memref<153600xf32, #tpu.memory_space<vmem_shared>> -> memref<153600xf32, #tpu.memory_space<vmem_shared>>
        tpu.enqueue_indirect_dma source(%dma_start3A_165 : memref<128xf32, #tpu.memory_space<vmem>>) target(%dma_start3A_170 : memref<153600xf32, #tpu.memory_space<vmem_shared>>) offsets(%dma_start3A_168 : memref<128xi32, #tpu.memory_space<vmem>>) semaphore(%arg17 : memref<!tpu.dma_semaphore, #tpu.memory_space<semaphore_mem>>) {add = true}
        %dma_start3A_171 = arith.constant 8 : i32
        %dma_start3A_172 = arith.constant 1024 : i32
        %dma_start3A_173 = tpu.memref_slice %arg13[%dma_start3A_172] : memref<1280xf32, #tpu.memory_space<vmem>> -> memref<128xf32, #tpu.memory_space<vmem>>
        %dma_start3A_174 = arith.constant 0 : i32
        %dma_start3A_175 = tpu.memref_slice %arg12[%dma_start3A_171, %dma_start3A_174] : memref<10x128xi32, #tpu.memory_space<vmem>> -> memref<1x128xi32, #tpu.memory_space<vmem>>
        %dma_start3A_176 = tpu.memref_squeeze %dma_start3A_175 : memref<1x128xi32, #tpu.memory_space<vmem>> -> memref<128xi32, #tpu.memory_space<vmem>>
        %dma_start3A_177 = arith.constant 0 : i32
        %dma_start3A_178 = tpu.memref_slice %arg15[%dma_start3A_177] : memref<153600xf32, #tpu.memory_space<vmem_shared>> -> memref<153600xf32, #tpu.memory_space<vmem_shared>>
        tpu.enqueue_indirect_dma source(%dma_start3A_173 : memref<128xf32, #tpu.memory_space<vmem>>) target(%dma_start3A_178 : memref<153600xf32, #tpu.memory_space<vmem_shared>>) offsets(%dma_start3A_176 : memref<128xi32, #tpu.memory_space<vmem>>) semaphore(%arg17 : memref<!tpu.dma_semaphore, #tpu.memory_space<semaphore_mem>>) {add = true}
        %dma_start3A_179 = arith.constant 9 : i32
        %dma_start3A_180 = arith.constant 1152 : i32
        %dma_start3A_181 = tpu.memref_slice %arg11[%dma_start3A_180] : memref<1280xf32, #tpu.memory_space<vmem>> -> memref<128xf32, #tpu.memory_space<vmem>>
        %dma_start3A_182 = arith.constant 0 : i32
        %dma_start3A_183 = tpu.memref_slice %arg12[%dma_start3A_179, %dma_start3A_182] : memref<10x128xi32, #tpu.memory_space<vmem>> -> memref<1x128xi32, #tpu.memory_space<vmem>>
        %dma_start3A_184 = tpu.memref_squeeze %dma_start3A_183 : memref<1x128xi32, #tpu.memory_space<vmem>> -> memref<128xi32, #tpu.memory_space<vmem>>
        %dma_start3A_185 = arith.constant 0 : i32
        %dma_start3A_186 = tpu.memref_slice %arg14[%dma_start3A_185] : memref<153600xf32, #tpu.memory_space<vmem_shared>> -> memref<153600xf32, #tpu.memory_space<vmem_shared>>
        tpu.enqueue_indirect_dma source(%dma_start3A_181 : memref<128xf32, #tpu.memory_space<vmem>>) target(%dma_start3A_186 : memref<153600xf32, #tpu.memory_space<vmem_shared>>) offsets(%dma_start3A_184 : memref<128xi32, #tpu.memory_space<vmem>>) semaphore(%arg17 : memref<!tpu.dma_semaphore, #tpu.memory_space<semaphore_mem>>) {add = true}
        %dma_start3A_187 = arith.constant 9 : i32
        %dma_start3A_188 = arith.constant 1152 : i32
        %dma_start3A_189 = tpu.memref_slice %arg13[%dma_start3A_188] : memref<1280xf32, #tpu.memory_space<vmem>> -> memref<128xf32, #tpu.memory_space<vmem>>
        %dma_start3A_190 = arith.constant 0 : i32
        %dma_start3A_191 = tpu.memref_slice %arg12[%dma_start3A_187, %dma_start3A_190] : memref<10x128xi32, #tpu.memory_space<vmem>> -> memref<1x128xi32, #tpu.memory_space<vmem>>
        %dma_start3A_192 = tpu.memref_squeeze %dma_start3A_191 : memref<1x128xi32, #tpu.memory_space<vmem>> -> memref<128xi32, #tpu.memory_space<vmem>>
        %dma_start3A_193 = arith.constant 0 : i32
        %dma_start3A_194 = tpu.memref_slice %arg15[%dma_start3A_193] : memref<153600xf32, #tpu.memory_space<vmem_shared>> -> memref<153600xf32, #tpu.memory_space<vmem_shared>>
        tpu.enqueue_indirect_dma source(%dma_start3A_189 : memref<128xf32, #tpu.memory_space<vmem>>) target(%dma_start3A_194 : memref<153600xf32, #tpu.memory_space<vmem_shared>>) offsets(%dma_start3A_192 : memref<128xi32, #tpu.memory_space<vmem>>) semaphore(%arg17 : memref<!tpu.dma_semaphore, #tpu.memory_space<semaphore_mem>>) {add = true}
        %dma_wait3A_195 = arith.constant 0 : i32
        %dma_wait3A_196 = arith.constant 0 : i32
        %dma_wait3A_197 = tpu.memref_slice %arg11[%dma_wait3A_196] : memref<1280xf32, #tpu.memory_space<vmem>> -> memref<128xf32, #tpu.memory_space<vmem>>
        %dma_wait3A_198 = arith.constant 0 : i32
        %dma_wait3A_199 = tpu.memref_slice %arg12[%dma_wait3A_195, %dma_wait3A_198] : memref<10x128xi32, #tpu.memory_space<vmem>> -> memref<1x128xi32, #tpu.memory_space<vmem>>
        %dma_wait3A_200 = tpu.memref_squeeze %dma_wait3A_199 : memref<1x128xi32, #tpu.memory_space<vmem>> -> memref<128xi32, #tpu.memory_space<vmem>>
        %dma_wait3A_201 = arith.constant 0 : i32
        %dma_wait3A_202 = tpu.memref_slice %arg14[%dma_wait3A_201] : memref<153600xf32, #tpu.memory_space<vmem_shared>> -> memref<153600xf32, #tpu.memory_space<vmem_shared>>
        tpu.wait_indirect_dma semaphore(%arg17 : memref<!tpu.dma_semaphore, #tpu.memory_space<semaphore_mem>>) src(%dma_wait3A_197 : memref<128xf32, #tpu.memory_space<vmem>>) dst(%dma_wait3A_202 : memref<153600xf32, #tpu.memory_space<vmem_shared>>)
        %dma_wait3A_203 = arith.constant 0 : i32
        %dma_wait3A_204 = arith.constant 0 : i32
        %dma_wait3A_205 = tpu.memref_slice %arg13[%dma_wait3A_204] : memref<1280xf32, #tpu.memory_space<vmem>> -> memref<128xf32, #tpu.memory_space<vmem>>
        %dma_wait3A_206 = arith.constant 0 : i32
        %dma_wait3A_207 = tpu.memref_slice %arg12[%dma_wait3A_203, %dma_wait3A_206] : memref<10x128xi32, #tpu.memory_space<vmem>> -> memref<1x128xi32, #tpu.memory_space<vmem>>
        %dma_wait3A_208 = tpu.memref_squeeze %dma_wait3A_207 : memref<1x128xi32, #tpu.memory_space<vmem>> -> memref<128xi32, #tpu.memory_space<vmem>>
        %dma_wait3A_209 = arith.constant 0 : i32
        %dma_wait3A_210 = tpu.memref_slice %arg15[%dma_wait3A_209] : memref<153600xf32, #tpu.memory_space<vmem_shared>> -> memref<153600xf32, #tpu.memory_space<vmem_shared>>
        tpu.wait_indirect_dma semaphore(%arg17 : memref<!tpu.dma_semaphore, #tpu.memory_space<semaphore_mem>>) src(%dma_wait3A_205 : memref<128xf32, #tpu.memory_space<vmem>>) dst(%dma_wait3A_210 : memref<153600xf32, #tpu.memory_space<vmem_shared>>)
        %dma_wait3A_211 = arith.constant 1 : i32
        %dma_wait3A_212 = arith.constant 128 : i32
        %dma_wait3A_213 = tpu.memref_slice %arg11[%dma_wait3A_212] : memref<1280xf32, #tpu.memory_space<vmem>> -> memref<128xf32, #tpu.memory_space<vmem>>
        %dma_wait3A_214 = arith.constant 0 : i32
        %dma_wait3A_215 = tpu.memref_slice %arg12[%dma_wait3A_211, %dma_wait3A_214] : memref<10x128xi32, #tpu.memory_space<vmem>> -> memref<1x128xi32, #tpu.memory_space<vmem>>
        %dma_wait3A_216 = tpu.memref_squeeze %dma_wait3A_215 : memref<1x128xi32, #tpu.memory_space<vmem>> -> memref<128xi32, #tpu.memory_space<vmem>>
        %dma_wait3A_217 = arith.constant 0 : i32
        %dma_wait3A_218 = tpu.memref_slice %arg14[%dma_wait3A_217] : memref<153600xf32, #tpu.memory_space<vmem_shared>> -> memref<153600xf32, #tpu.memory_space<vmem_shared>>
        tpu.wait_indirect_dma semaphore(%arg17 : memref<!tpu.dma_semaphore, #tpu.memory_space<semaphore_mem>>) src(%dma_wait3A_213 : memref<128xf32, #tpu.memory_space<vmem>>) dst(%dma_wait3A_218 : memref<153600xf32, #tpu.memory_space<vmem_shared>>)
        %dma_wait3A_219 = arith.constant 1 : i32
        %dma_wait3A_220 = arith.constant 128 : i32
        %dma_wait3A_221 = tpu.memref_slice %arg13[%dma_wait3A_220] : memref<1280xf32, #tpu.memory_space<vmem>> -> memref<128xf32, #tpu.memory_space<vmem>>
        %dma_wait3A_222 = arith.constant 0 : i32
        %dma_wait3A_223 = tpu.memref_slice %arg12[%dma_wait3A_219, %dma_wait3A_222] : memref<10x128xi32, #tpu.memory_space<vmem>> -> memref<1x128xi32, #tpu.memory_space<vmem>>
        %dma_wait3A_224 = tpu.memref_squeeze %dma_wait3A_223 : memref<1x128xi32, #tpu.memory_space<vmem>> -> memref<128xi32, #tpu.memory_space<vmem>>
        %dma_wait3A_225 = arith.constant 0 : i32
        %dma_wait3A_226 = tpu.memref_slice %arg15[%dma_wait3A_225] : memref<153600xf32, #tpu.memory_space<vmem_shared>> -> memref<153600xf32, #tpu.memory_space<vmem_shared>>
        tpu.wait_indirect_dma semaphore(%arg17 : memref<!tpu.dma_semaphore, #tpu.memory_space<semaphore_mem>>) src(%dma_wait3A_221 : memref<128xf32, #tpu.memory_space<vmem>>) dst(%dma_wait3A_226 : memref<153600xf32, #tpu.memory_space<vmem_shared>>)
        %dma_wait3A_227 = arith.constant 2 : i32
        %dma_wait3A_228 = arith.constant 256 : i32
        %dma_wait3A_229 = tpu.memref_slice %arg11[%dma_wait3A_228] : memref<1280xf32, #tpu.memory_space<vmem>> -> memref<128xf32, #tpu.memory_space<vmem>>
        %dma_wait3A_230 = arith.constant 0 : i32
        %dma_wait3A_231 = tpu.memref_slice %arg12[%dma_wait3A_227, %dma_wait3A_230] : memref<10x128xi32, #tpu.memory_space<vmem>> -> memref<1x128xi32, #tpu.memory_space<vmem>>
        %dma_wait3A_232 = tpu.memref_squeeze %dma_wait3A_231 : memref<1x128xi32, #tpu.memory_space<vmem>> -> memref<128xi32, #tpu.memory_space<vmem>>
        %dma_wait3A_233 = arith.constant 0 : i32
        %dma_wait3A_234 = tpu.memref_slice %arg14[%dma_wait3A_233] : memref<153600xf32, #tpu.memory_space<vmem_shared>> -> memref<153600xf32, #tpu.memory_space<vmem_shared>>
        tpu.wait_indirect_dma semaphore(%arg17 : memref<!tpu.dma_semaphore, #tpu.memory_space<semaphore_mem>>) src(%dma_wait3A_229 : memref<128xf32, #tpu.memory_space<vmem>>) dst(%dma_wait3A_234 : memref<153600xf32, #tpu.memory_space<vmem_shared>>)
        %dma_wait3A_235 = arith.constant 2 : i32
        %dma_wait3A_236 = arith.constant 256 : i32
        %dma_wait3A_237 = tpu.memref_slice %arg13[%dma_wait3A_236] : memref<1280xf32, #tpu.memory_space<vmem>> -> memref<128xf32, #tpu.memory_space<vmem>>
        %dma_wait3A_238 = arith.constant 0 : i32
        %dma_wait3A_239 = tpu.memref_slice %arg12[%dma_wait3A_235, %dma_wait3A_238] : memref<10x128xi32, #tpu.memory_space<vmem>> -> memref<1x128xi32, #tpu.memory_space<vmem>>
        %dma_wait3A_240 = tpu.memref_squeeze %dma_wait3A_239 : memref<1x128xi32, #tpu.memory_space<vmem>> -> memref<128xi32, #tpu.memory_space<vmem>>
        %dma_wait3A_241 = arith.constant 0 : i32
        %dma_wait3A_242 = tpu.memref_slice %arg15[%dma_wait3A_241] : memref<153600xf32, #tpu.memory_space<vmem_shared>> -> memref<153600xf32, #tpu.memory_space<vmem_shared>>
        tpu.wait_indirect_dma semaphore(%arg17 : memref<!tpu.dma_semaphore, #tpu.memory_space<semaphore_mem>>) src(%dma_wait3A_237 : memref<128xf32, #tpu.memory_space<vmem>>) dst(%dma_wait3A_242 : memref<153600xf32, #tpu.memory_space<vmem_shared>>)
        %dma_wait3A_243 = arith.constant 3 : i32
        %dma_wait3A_244 = arith.constant 384 : i32
        %dma_wait3A_245 = tpu.memref_slice %arg11[%dma_wait3A_244] : memref<1280xf32, #tpu.memory_space<vmem>> -> memref<128xf32, #tpu.memory_space<vmem>>
        %dma_wait3A_246 = arith.constant 0 : i32
        %dma_wait3A_247 = tpu.memref_slice %arg12[%dma_wait3A_243, %dma_wait3A_246] : memref<10x128xi32, #tpu.memory_space<vmem>> -> memref<1x128xi32, #tpu.memory_space<vmem>>
        %dma_wait3A_248 = tpu.memref_squeeze %dma_wait3A_247 : memref<1x128xi32, #tpu.memory_space<vmem>> -> memref<128xi32, #tpu.memory_space<vmem>>
        %dma_wait3A_249 = arith.constant 0 : i32
        %dma_wait3A_250 = tpu.memref_slice %arg14[%dma_wait3A_249] : memref<153600xf32, #tpu.memory_space<vmem_shared>> -> memref<153600xf32, #tpu.memory_space<vmem_shared>>
        tpu.wait_indirect_dma semaphore(%arg17 : memref<!tpu.dma_semaphore, #tpu.memory_space<semaphore_mem>>) src(%dma_wait3A_245 : memref<128xf32, #tpu.memory_space<vmem>>) dst(%dma_wait3A_250 : memref<153600xf32, #tpu.memory_space<vmem_shared>>)
        %dma_wait3A_251 = arith.constant 3 : i32
        %dma_wait3A_252 = arith.constant 384 : i32
        %dma_wait3A_253 = tpu.memref_slice %arg13[%dma_wait3A_252] : memref<1280xf32, #tpu.memory_space<vmem>> -> memref<128xf32, #tpu.memory_space<vmem>>
        %dma_wait3A_254 = arith.constant 0 : i32
        %dma_wait3A_255 = tpu.memref_slice %arg12[%dma_wait3A_251, %dma_wait3A_254] : memref<10x128xi32, #tpu.memory_space<vmem>> -> memref<1x128xi32, #tpu.memory_space<vmem>>
        %dma_wait3A_256 = tpu.memref_squeeze %dma_wait3A_255 : memref<1x128xi32, #tpu.memory_space<vmem>> -> memref<128xi32, #tpu.memory_space<vmem>>
        %dma_wait3A_257 = arith.constant 0 : i32
        %dma_wait3A_258 = tpu.memref_slice %arg15[%dma_wait3A_257] : memref<153600xf32, #tpu.memory_space<vmem_shared>> -> memref<153600xf32, #tpu.memory_space<vmem_shared>>
        tpu.wait_indirect_dma semaphore(%arg17 : memref<!tpu.dma_semaphore, #tpu.memory_space<semaphore_mem>>) src(%dma_wait3A_253 : memref<128xf32, #tpu.memory_space<vmem>>) dst(%dma_wait3A_258 : memref<153600xf32, #tpu.memory_space<vmem_shared>>)
        %dma_wait3A_259 = arith.constant 4 : i32
        %dma_wait3A_260 = arith.constant 512 : i32
        %dma_wait3A_261 = tpu.memref_slice %arg11[%dma_wait3A_260] : memref<1280xf32, #tpu.memory_space<vmem>> -> memref<128xf32, #tpu.memory_space<vmem>>
        %dma_wait3A_262 = arith.constant 0 : i32
        %dma_wait3A_263 = tpu.memref_slice %arg12[%dma_wait3A_259, %dma_wait3A_262] : memref<10x128xi32, #tpu.memory_space<vmem>> -> memref<1x128xi32, #tpu.memory_space<vmem>>
        %dma_wait3A_264 = tpu.memref_squeeze %dma_wait3A_263 : memref<1x128xi32, #tpu.memory_space<vmem>> -> memref<128xi32, #tpu.memory_space<vmem>>
        %dma_wait3A_265 = arith.constant 0 : i32
        %dma_wait3A_266 = tpu.memref_slice %arg14[%dma_wait3A_265] : memref<153600xf32, #tpu.memory_space<vmem_shared>> -> memref<153600xf32, #tpu.memory_space<vmem_shared>>
        tpu.wait_indirect_dma semaphore(%arg17 : memref<!tpu.dma_semaphore, #tpu.memory_space<semaphore_mem>>) src(%dma_wait3A_261 : memref<128xf32, #tpu.memory_space<vmem>>) dst(%dma_wait3A_266 : memref<153600xf32, #tpu.memory_space<vmem_shared>>)
        %dma_wait3A_267 = arith.constant 4 : i32
        %dma_wait3A_268 = arith.constant 512 : i32
        %dma_wait3A_269 = tpu.memref_slice %arg13[%dma_wait3A_268] : memref<1280xf32, #tpu.memory_space<vmem>> -> memref<128xf32, #tpu.memory_space<vmem>>
        %dma_wait3A_270 = arith.constant 0 : i32
        %dma_wait3A_271 = tpu.memref_slice %arg12[%dma_wait3A_267, %dma_wait3A_270] : memref<10x128xi32, #tpu.memory_space<vmem>> -> memref<1x128xi32, #tpu.memory_space<vmem>>
        %dma_wait3A_272 = tpu.memref_squeeze %dma_wait3A_271 : memref<1x128xi32, #tpu.memory_space<vmem>> -> memref<128xi32, #tpu.memory_space<vmem>>
        %dma_wait3A_273 = arith.constant 0 : i32
        %dma_wait3A_274 = tpu.memref_slice %arg15[%dma_wait3A_273] : memref<153600xf32, #tpu.memory_space<vmem_shared>> -> memref<153600xf32, #tpu.memory_space<vmem_shared>>
        tpu.wait_indirect_dma semaphore(%arg17 : memref<!tpu.dma_semaphore, #tpu.memory_space<semaphore_mem>>) src(%dma_wait3A_269 : memref<128xf32, #tpu.memory_space<vmem>>) dst(%dma_wait3A_274 : memref<153600xf32, #tpu.memory_space<vmem_shared>>)
        %dma_wait3A_275 = arith.constant 5 : i32
        %dma_wait3A_276 = arith.constant 640 : i32
        %dma_wait3A_277 = tpu.memref_slice %arg11[%dma_wait3A_276] : memref<1280xf32, #tpu.memory_space<vmem>> -> memref<128xf32, #tpu.memory_space<vmem>>
        %dma_wait3A_278 = arith.constant 0 : i32
        %dma_wait3A_279 = tpu.memref_slice %arg12[%dma_wait3A_275, %dma_wait3A_278] : memref<10x128xi32, #tpu.memory_space<vmem>> -> memref<1x128xi32, #tpu.memory_space<vmem>>
        %dma_wait3A_280 = tpu.memref_squeeze %dma_wait3A_279 : memref<1x128xi32, #tpu.memory_space<vmem>> -> memref<128xi32, #tpu.memory_space<vmem>>
        %dma_wait3A_281 = arith.constant 0 : i32
        %dma_wait3A_282 = tpu.memref_slice %arg14[%dma_wait3A_281] : memref<153600xf32, #tpu.memory_space<vmem_shared>> -> memref<153600xf32, #tpu.memory_space<vmem_shared>>
        tpu.wait_indirect_dma semaphore(%arg17 : memref<!tpu.dma_semaphore, #tpu.memory_space<semaphore_mem>>) src(%dma_wait3A_277 : memref<128xf32, #tpu.memory_space<vmem>>) dst(%dma_wait3A_282 : memref<153600xf32, #tpu.memory_space<vmem_shared>>)
        %dma_wait3A_283 = arith.constant 5 : i32
        %dma_wait3A_284 = arith.constant 640 : i32
        %dma_wait3A_285 = tpu.memref_slice %arg13[%dma_wait3A_284] : memref<1280xf32, #tpu.memory_space<vmem>> -> memref<128xf32, #tpu.memory_space<vmem>>
        %dma_wait3A_286 = arith.constant 0 : i32
        %dma_wait3A_287 = tpu.memref_slice %arg12[%dma_wait3A_283, %dma_wait3A_286] : memref<10x128xi32, #tpu.memory_space<vmem>> -> memref<1x128xi32, #tpu.memory_space<vmem>>
        %dma_wait3A_288 = tpu.memref_squeeze %dma_wait3A_287 : memref<1x128xi32, #tpu.memory_space<vmem>> -> memref<128xi32, #tpu.memory_space<vmem>>
        %dma_wait3A_289 = arith.constant 0 : i32
        %dma_wait3A_290 = tpu.memref_slice %arg15[%dma_wait3A_289] : memref<153600xf32, #tpu.memory_space<vmem_shared>> -> memref<153600xf32, #tpu.memory_space<vmem_shared>>
        tpu.wait_indirect_dma semaphore(%arg17 : memref<!tpu.dma_semaphore, #tpu.memory_space<semaphore_mem>>) src(%dma_wait3A_285 : memref<128xf32, #tpu.memory_space<vmem>>) dst(%dma_wait3A_290 : memref<153600xf32, #tpu.memory_space<vmem_shared>>)
        %dma_wait3A_291 = arith.constant 6 : i32
        %dma_wait3A_292 = arith.constant 768 : i32
        %dma_wait3A_293 = tpu.memref_slice %arg11[%dma_wait3A_292] : memref<1280xf32, #tpu.memory_space<vmem>> -> memref<128xf32, #tpu.memory_space<vmem>>
        %dma_wait3A_294 = arith.constant 0 : i32
        %dma_wait3A_295 = tpu.memref_slice %arg12[%dma_wait3A_291, %dma_wait3A_294] : memref<10x128xi32, #tpu.memory_space<vmem>> -> memref<1x128xi32, #tpu.memory_space<vmem>>
        %dma_wait3A_296 = tpu.memref_squeeze %dma_wait3A_295 : memref<1x128xi32, #tpu.memory_space<vmem>> -> memref<128xi32, #tpu.memory_space<vmem>>
        %dma_wait3A_297 = arith.constant 0 : i32
        %dma_wait3A_298 = tpu.memref_slice %arg14[%dma_wait3A_297] : memref<153600xf32, #tpu.memory_space<vmem_shared>> -> memref<153600xf32, #tpu.memory_space<vmem_shared>>
        tpu.wait_indirect_dma semaphore(%arg17 : memref<!tpu.dma_semaphore, #tpu.memory_space<semaphore_mem>>) src(%dma_wait3A_293 : memref<128xf32, #tpu.memory_space<vmem>>) dst(%dma_wait3A_298 : memref<153600xf32, #tpu.memory_space<vmem_shared>>)
        %dma_wait3A_299 = arith.constant 6 : i32
        %dma_wait3A_300 = arith.constant 768 : i32
        %dma_wait3A_301 = tpu.memref_slice %arg13[%dma_wait3A_300] : memref<1280xf32, #tpu.memory_space<vmem>> -> memref<128xf32, #tpu.memory_space<vmem>>
        %dma_wait3A_302 = arith.constant 0 : i32
        %dma_wait3A_303 = tpu.memref_slice %arg12[%dma_wait3A_299, %dma_wait3A_302] : memref<10x128xi32, #tpu.memory_space<vmem>> -> memref<1x128xi32, #tpu.memory_space<vmem>>
        %dma_wait3A_304 = tpu.memref_squeeze %dma_wait3A_303 : memref<1x128xi32, #tpu.memory_space<vmem>> -> memref<128xi32, #tpu.memory_space<vmem>>
        %dma_wait3A_305 = arith.constant 0 : i32
        %dma_wait3A_306 = tpu.memref_slice %arg15[%dma_wait3A_305] : memref<153600xf32, #tpu.memory_space<vmem_shared>> -> memref<153600xf32, #tpu.memory_space<vmem_shared>>
        tpu.wait_indirect_dma semaphore(%arg17 : memref<!tpu.dma_semaphore, #tpu.memory_space<semaphore_mem>>) src(%dma_wait3A_301 : memref<128xf32, #tpu.memory_space<vmem>>) dst(%dma_wait3A_306 : memref<153600xf32, #tpu.memory_space<vmem_shared>>)
        %dma_wait3A_307 = arith.constant 7 : i32
        %dma_wait3A_308 = arith.constant 896 : i32
        %dma_wait3A_309 = tpu.memref_slice %arg11[%dma_wait3A_308] : memref<1280xf32, #tpu.memory_space<vmem>> -> memref<128xf32, #tpu.memory_space<vmem>>
        %dma_wait3A_310 = arith.constant 0 : i32
        %dma_wait3A_311 = tpu.memref_slice %arg12[%dma_wait3A_307, %dma_wait3A_310] : memref<10x128xi32, #tpu.memory_space<vmem>> -> memref<1x128xi32, #tpu.memory_space<vmem>>
        %dma_wait3A_312 = tpu.memref_squeeze %dma_wait3A_311 : memref<1x128xi32, #tpu.memory_space<vmem>> -> memref<128xi32, #tpu.memory_space<vmem>>
        %dma_wait3A_313 = arith.constant 0 : i32
        %dma_wait3A_314 = tpu.memref_slice %arg14[%dma_wait3A_313] : memref<153600xf32, #tpu.memory_space<vmem_shared>> -> memref<153600xf32, #tpu.memory_space<vmem_shared>>
        tpu.wait_indirect_dma semaphore(%arg17 : memref<!tpu.dma_semaphore, #tpu.memory_space<semaphore_mem>>) src(%dma_wait3A_309 : memref<128xf32, #tpu.memory_space<vmem>>) dst(%dma_wait3A_314 : memref<153600xf32, #tpu.memory_space<vmem_shared>>)
        %dma_wait3A_315 = arith.constant 7 : i32
        %dma_wait3A_316 = arith.constant 896 : i32
        %dma_wait3A_317 = tpu.memref_slice %arg13[%dma_wait3A_316] : memref<1280xf32, #tpu.memory_space<vmem>> -> memref<128xf32, #tpu.memory_space<vmem>>
        %dma_wait3A_318 = arith.constant 0 : i32
        %dma_wait3A_319 = tpu.memref_slice %arg12[%dma_wait3A_315, %dma_wait3A_318] : memref<10x128xi32, #tpu.memory_space<vmem>> -> memref<1x128xi32, #tpu.memory_space<vmem>>
        %dma_wait3A_320 = tpu.memref_squeeze %dma_wait3A_319 : memref<1x128xi32, #tpu.memory_space<vmem>> -> memref<128xi32, #tpu.memory_space<vmem>>
        %dma_wait3A_321 = arith.constant 0 : i32
        %dma_wait3A_322 = tpu.memref_slice %arg15[%dma_wait3A_321] : memref<153600xf32, #tpu.memory_space<vmem_shared>> -> memref<153600xf32, #tpu.memory_space<vmem_shared>>
        tpu.wait_indirect_dma semaphore(%arg17 : memref<!tpu.dma_semaphore, #tpu.memory_space<semaphore_mem>>) src(%dma_wait3A_317 : memref<128xf32, #tpu.memory_space<vmem>>) dst(%dma_wait3A_322 : memref<153600xf32, #tpu.memory_space<vmem_shared>>)
        %dma_wait3A_323 = arith.constant 8 : i32
        %dma_wait3A_324 = arith.constant 1024 : i32
        %dma_wait3A_325 = tpu.memref_slice %arg11[%dma_wait3A_324] : memref<1280xf32, #tpu.memory_space<vmem>> -> memref<128xf32, #tpu.memory_space<vmem>>
        %dma_wait3A_326 = arith.constant 0 : i32
        %dma_wait3A_327 = tpu.memref_slice %arg12[%dma_wait3A_323, %dma_wait3A_326] : memref<10x128xi32, #tpu.memory_space<vmem>> -> memref<1x128xi32, #tpu.memory_space<vmem>>
        %dma_wait3A_328 = tpu.memref_squeeze %dma_wait3A_327 : memref<1x128xi32, #tpu.memory_space<vmem>> -> memref<128xi32, #tpu.memory_space<vmem>>
        %dma_wait3A_329 = arith.constant 0 : i32
        %dma_wait3A_330 = tpu.memref_slice %arg14[%dma_wait3A_329] : memref<153600xf32, #tpu.memory_space<vmem_shared>> -> memref<153600xf32, #tpu.memory_space<vmem_shared>>
        tpu.wait_indirect_dma semaphore(%arg17 : memref<!tpu.dma_semaphore, #tpu.memory_space<semaphore_mem>>) src(%dma_wait3A_325 : memref<128xf32, #tpu.memory_space<vmem>>) dst(%dma_wait3A_330 : memref<153600xf32, #tpu.memory_space<vmem_shared>>)
        %dma_wait3A_331 = arith.constant 8 : i32
        %dma_wait3A_332 = arith.constant 1024 : i32
        %dma_wait3A_333 = tpu.memref_slice %arg13[%dma_wait3A_332] : memref<1280xf32, #tpu.memory_space<vmem>> -> memref<128xf32, #tpu.memory_space<vmem>>
        %dma_wait3A_334 = arith.constant 0 : i32
        %dma_wait3A_335 = tpu.memref_slice %arg12[%dma_wait3A_331, %dma_wait3A_334] : memref<10x128xi32, #tpu.memory_space<vmem>> -> memref<1x128xi32, #tpu.memory_space<vmem>>
        %dma_wait3A_336 = tpu.memref_squeeze %dma_wait3A_335 : memref<1x128xi32, #tpu.memory_space<vmem>> -> memref<128xi32, #tpu.memory_space<vmem>>
        %dma_wait3A_337 = arith.constant 0 : i32
        %dma_wait3A_338 = tpu.memref_slice %arg15[%dma_wait3A_337] : memref<153600xf32, #tpu.memory_space<vmem_shared>> -> memref<153600xf32, #tpu.memory_space<vmem_shared>>
        tpu.wait_indirect_dma semaphore(%arg17 : memref<!tpu.dma_semaphore, #tpu.memory_space<semaphore_mem>>) src(%dma_wait3A_333 : memref<128xf32, #tpu.memory_space<vmem>>) dst(%dma_wait3A_338 : memref<153600xf32, #tpu.memory_space<vmem_shared>>)
        %dma_wait3A_339 = arith.constant 9 : i32
        %dma_wait3A_340 = arith.constant 1152 : i32
        %dma_wait3A_341 = tpu.memref_slice %arg11[%dma_wait3A_340] : memref<1280xf32, #tpu.memory_space<vmem>> -> memref<128xf32, #tpu.memory_space<vmem>>
        %dma_wait3A_342 = arith.constant 0 : i32
        %dma_wait3A_343 = tpu.memref_slice %arg12[%dma_wait3A_339, %dma_wait3A_342] : memref<10x128xi32, #tpu.memory_space<vmem>> -> memref<1x128xi32, #tpu.memory_space<vmem>>
        %dma_wait3A_344 = tpu.memref_squeeze %dma_wait3A_343 : memref<1x128xi32, #tpu.memory_space<vmem>> -> memref<128xi32, #tpu.memory_space<vmem>>
        %dma_wait3A_345 = arith.constant 0 : i32
        %dma_wait3A_346 = tpu.memref_slice %arg14[%dma_wait3A_345] : memref<153600xf32, #tpu.memory_space<vmem_shared>> -> memref<153600xf32, #tpu.memory_space<vmem_shared>>
        tpu.wait_indirect_dma semaphore(%arg17 : memref<!tpu.dma_semaphore, #tpu.memory_space<semaphore_mem>>) src(%dma_wait3A_341 : memref<128xf32, #tpu.memory_space<vmem>>) dst(%dma_wait3A_346 : memref<153600xf32, #tpu.memory_space<vmem_shared>>)
        %dma_wait3A_347 = arith.constant 9 : i32
        %dma_wait3A_348 = arith.constant 1152 : i32
        %dma_wait3A_349 = tpu.memref_slice %arg13[%dma_wait3A_348] : memref<1280xf32, #tpu.memory_space<vmem>> -> memref<128xf32, #tpu.memory_space<vmem>>
        %dma_wait3A_350 = arith.constant 0 : i32
        %dma_wait3A_351 = tpu.memref_slice %arg12[%dma_wait3A_347, %dma_wait3A_350] : memref<10x128xi32, #tpu.memory_space<vmem>> -> memref<1x128xi32, #tpu.memory_space<vmem>>
        %dma_wait3A_352 = tpu.memref_squeeze %dma_wait3A_351 : memref<1x128xi32, #tpu.memory_space<vmem>> -> memref<128xi32, #tpu.memory_space<vmem>>
        %dma_wait3A_353 = arith.constant 0 : i32
        %dma_wait3A_354 = tpu.memref_slice %arg15[%dma_wait3A_353] : memref<153600xf32, #tpu.memory_space<vmem_shared>> -> memref<153600xf32, #tpu.memory_space<vmem_shared>>
        tpu.wait_indirect_dma semaphore(%arg17 : memref<!tpu.dma_semaphore, #tpu.memory_space<semaphore_mem>>) src(%dma_wait3A_349 : memref<128xf32, #tpu.memory_space<vmem>>) dst(%dma_wait3A_354 : memref<153600xf32, #tpu.memory_space<vmem_shared>>)
      } else {
      }
    }
    %scan3A_6 = arith.constant 20 : i32
    %barrier3A_7 = arith.constant 0 : index
    tpu.barrier barrier_id(%barrier3A_7)
    "tpu.region"() ({
      %run_scoped3A = tpu.sem_alloc : memref<!tpu.dma_semaphore, #tpu.memory_space<semaphore_mem>>
      %dma_start3A = tpu.memref_slice %arg7[%arg0, %mul3A_2] : memref<2x153600xf32, #tpu.memory_space<hbm>> -> memref<1x9600xf32, #tpu.memory_space<hbm>>
      %dma_start3A_8 = tpu.memref_squeeze %dma_start3A : memref<1x9600xf32, #tpu.memory_space<hbm>> -> memref<9600xf32, #tpu.memory_space<hbm>>
      %dma_start3A_9 = tpu.memref_slice %arg14[%mul3A_2] : memref<153600xf32, #tpu.memory_space<vmem_shared>> -> memref<9600xf32, #tpu.memory_space<vmem_shared>>
      tpu.enqueue_dma source(%dma_start3A_9 : memref<9600xf32, #tpu.memory_space<vmem_shared>>) target(%dma_start3A_8 : memref<9600xf32, #tpu.memory_space<hbm>>) target_semaphore(%run_scoped3A : memref<!tpu.dma_semaphore, #tpu.memory_space<semaphore_mem>>)
      %dma_wait3A = tpu.memref_slice %arg7[%arg0, %mul3A_2] : memref<2x153600xf32, #tpu.memory_space<hbm>> -> memref<1x9600xf32, #tpu.memory_space<hbm>>
      %dma_wait3A_10 = tpu.memref_squeeze %dma_wait3A : memref<1x9600xf32, #tpu.memory_space<hbm>> -> memref<9600xf32, #tpu.memory_space<hbm>>
      %dma_wait3A_11 = tpu.memref_slice %arg14[%mul3A_2] : memref<153600xf32, #tpu.memory_space<vmem_shared>> -> memref<9600xf32, #tpu.memory_space<vmem_shared>>
      tpu.wait_dma2 semaphore(%run_scoped3A : memref<!tpu.dma_semaphore, #tpu.memory_space<semaphore_mem>>) src(%dma_wait3A_11 : memref<9600xf32, #tpu.memory_space<vmem_shared>>) dst(%dma_wait3A_10 : memref<9600xf32, #tpu.memory_space<hbm>>)
      tpu.yield
    }) : () -> ()
    "tpu.region"() ({
      %run_scoped3A = tpu.sem_alloc : memref<!tpu.dma_semaphore, #tpu.memory_space<semaphore_mem>>
      %dma_start3A = tpu.memref_slice %arg8[%arg0, %mul3A_2] : memref<2x153600xf32, #tpu.memory_space<hbm>> -> memref<1x9600xf32, #tpu.memory_space<hbm>>
      %dma_start3A_8 = tpu.memref_squeeze %dma_start3A : memref<1x9600xf32, #tpu.memory_space<hbm>> -> memref<9600xf32, #tpu.memory_space<hbm>>
      %dma_start3A_9 = tpu.memref_slice %arg15[%mul3A_2] : memref<153600xf32, #tpu.memory_space<vmem_shared>> -> memref<9600xf32, #tpu.memory_space<vmem_shared>>
      tpu.enqueue_dma source(%dma_start3A_9 : memref<9600xf32, #tpu.memory_space<vmem_shared>>) target(%dma_start3A_8 : memref<9600xf32, #tpu.memory_space<hbm>>) target_semaphore(%run_scoped3A : memref<!tpu.dma_semaphore, #tpu.memory_space<semaphore_mem>>)
      %dma_wait3A = tpu.memref_slice %arg8[%arg0, %mul3A_2] : memref<2x153600xf32, #tpu.memory_space<hbm>> -> memref<1x9600xf32, #tpu.memory_space<hbm>>
      %dma_wait3A_10 = tpu.memref_squeeze %dma_wait3A : memref<1x9600xf32, #tpu.memory_space<hbm>> -> memref<9600xf32, #tpu.memory_space<hbm>>
      %dma_wait3A_11 = tpu.memref_slice %arg15[%mul3A_2] : memref<153600xf32, #tpu.memory_space<vmem_shared>> -> memref<9600xf32, #tpu.memory_space<vmem_shared>>
      tpu.wait_dma2 semaphore(%run_scoped3A : memref<!tpu.dma_semaphore, #tpu.memory_space<semaphore_mem>>) src(%dma_wait3A_11 : memref<9600xf32, #tpu.memory_space<vmem_shared>>) dst(%dma_wait3A_10 : memref<9600xf32, #tpu.memory_space<hbm>>)
      tpu.yield
    }) : () -> ()
    return
  }
}

module attributes {stable_mosaic.version = 14 : i64} {
  func.func @_phase_a2_body(%arg0: i32, %arg1: memref<8192xf32, #tpu.memory_space<vmem>>, %arg2: memref<8192xf32, #tpu.memory_space<vmem>>, %arg3: memref<32x8192xf32, #tpu.memory_space<vmem>>, %arg4: memref<32x8192xf32, #tpu.memory_space<vmem>>, %arg5: memref<64x16xf32, #tpu.memory_space<vmem>>, %arg6: memref<16xf32, #tpu.memory_space<vmem>>, %arg7: memref<16x3xf32, #tpu.memory_space<vmem>>, %arg8: memref<3xf32, #tpu.memory_space<vmem>>, %arg9: memref<8192xi32, #tpu.memory_space<vmem>>) attributes {dimension_semantics = [#tpu.dimension_semantics<arbitrary>], iteration_bounds = array<i64: 100>, scalar_prefetch = 0 : i64, scratch_operands = 0 : i64, tpu.core_type = #tpu.core_type<tc>, window_params = [{transform_indices = @transform_0, window_bounds = array<i64: 8192>}, {transform_indices = @transform_1, window_bounds = array<i64: 8192>}, {pipeline_mode = #tpu.pipeline_mode<synchronous>, transform_indices = @transform_2, window_bounds = array<i64: 32, 8192>}, {pipeline_mode = #tpu.pipeline_mode<synchronous>, transform_indices = @transform_3, window_bounds = array<i64: 32, 8192>}, {pipeline_mode = #tpu.pipeline_mode<synchronous>, transform_indices = @transform_4, window_bounds = array<i64: 64, 16>}, {pipeline_mode = #tpu.pipeline_mode<synchronous>, transform_indices = @transform_5, window_bounds = array<i64: 16>}, {pipeline_mode = #tpu.pipeline_mode<synchronous>, transform_indices = @transform_6, window_bounds = array<i64: 16, 3>}, {pipeline_mode = #tpu.pipeline_mode<synchronous>, transform_indices = @transform_7, window_bounds = array<i64: 3>}, {transform_indices = @transform_8, window_bounds = array<i64: 8192>}]} {
    %get3A = arith.constant 0 : index
    %get3A_0 = vector.load %arg1[%get3A] : memref<8192xf32, #tpu.memory_space<vmem>>, vector<8192xf32>
    %get3A_1 = arith.constant 0 : index
    %get3A_2 = vector.load %arg2[%get3A_1] : memref<8192xf32, #tpu.memory_space<vmem>>, vector<8192xf32>
    %get3A_3 = arith.constant 0 : index
    %get3A_4 = arith.constant 0 : index
    %get3A_5 = vector.load %arg3[%get3A_3, %get3A_4] : memref<32x8192xf32, #tpu.memory_space<vmem>>, vector<32x8192xf32>
    %get3A_6 = arith.constant 0 : index
    %get3A_7 = arith.constant 0 : index
    %get3A_8 = vector.load %arg4[%get3A_6, %get3A_7] : memref<32x8192xf32, #tpu.memory_space<vmem>>, vector<32x8192xf32>
    %broadcast_in_dim3A = vector.shape_cast %get3A_0 : vector<8192xf32> to vector<1x8192xf32>
    %mul3A = vector.broadcast %broadcast_in_dim3A : vector<1x8192xf32> to vector<32x8192xf32>
    %mul3A_9 = arith.mulf %get3A_5, %mul3A : vector<32x8192xf32>
    %add3A = arith.addf %mul3A_9, %get3A_8 : vector<32x8192xf32>
    %broadcast_in_dim3A_10 = vector.shape_cast %get3A_2 : vector<8192xf32> to vector<1x8192xf32>
    %mul3A_11 = vector.broadcast %broadcast_in_dim3A_10 : vector<1x8192xf32> to vector<32x8192xf32>
    %mul3A_12 = arith.mulf %get3A_5, %mul3A_11 : vector<32x8192xf32>
    %add3A_13 = arith.addf %mul3A_12, %get3A_8 : vector<32x8192xf32>
    %concatenate3A = tpu.concatenate %add3A, %add3A_13 in 0 : vector<32x8192xf32>, vector<32x8192xf32> -> vector<64x8192xf32>
    %transpose3A = tpu.transpose %concatenate3A, [1, 0] : vector<64x8192xf32> -> vector<8192x64xf32>
    %get3A_14 = arith.constant 0 : index
    %get3A_15 = arith.constant 0 : index
    %get3A_16 = vector.load %arg5[%get3A_14, %get3A_15] : memref<64x16xf32, #tpu.memory_space<vmem>>, vector<64x16xf32>
    %dot_general3A = arith.constant dense<0.000000e+00> : vector<8192x16xf32>
    %dot_general3A_17 = tpu.matmul %transpose3A, %get3A_16, %dot_general3A {dimension_numbers = #tpu.dot_dimension_numbers<[1], [0], [0], [1], [0, 0, 1, 1], [], []>, transpose_lhs_hint = false} : vector<8192x64xf32>, vector<64x16xf32>, vector<8192x16xf32> -> vector<8192x16xf32>
    %get3A_18 = arith.constant 0 : index
    %get3A_19 = vector.load %arg6[%get3A_18] : memref<16xf32, #tpu.memory_space<vmem>>, vector<16xf32>
    %broadcast_in_dim3A_20 = vector.shape_cast %get3A_19 : vector<16xf32> to vector<1x16xf32>
    %add3A_21 = vector.broadcast %broadcast_in_dim3A_20 : vector<1x16xf32> to vector<8192x16xf32>
    %add3A_22 = arith.addf %dot_general3A_17, %add3A_21 : vector<8192x16xf32>
    %max3A = arith.constant 0.000000e+00 : f32
    %max3A_23 = vector.broadcast %max3A : f32 to vector<8192x16xf32>
    %max3A_24 = arith.maximumf %add3A_22, %max3A_23 : vector<8192x16xf32>
    %get3A_25 = arith.constant 0 : index
    %get3A_26 = arith.constant 0 : index
    %get3A_27 = vector.load %arg7[%get3A_25, %get3A_26] : memref<16x3xf32, #tpu.memory_space<vmem>>, vector<16x3xf32>
    %dot_general3A_28 = arith.constant dense<0.000000e+00> : vector<8192x3xf32>
    %dot_general3A_29 = tpu.matmul %max3A_24, %get3A_27, %dot_general3A_28 {dimension_numbers = #tpu.dot_dimension_numbers<[1], [0], [0], [1], [0, 0, 1, 1], [], []>, transpose_lhs_hint = false} : vector<8192x16xf32>, vector<16x3xf32>, vector<8192x3xf32> -> vector<8192x3xf32>
    %transpose3A_30 = tpu.transpose %dot_general3A_29, [1, 0] : vector<8192x3xf32> -> vector<3x8192xf32>
    %get3A_31 = arith.constant 0 : index
    %get3A_32 = vector.load %arg8[%get3A_31] : memref<3xf32, #tpu.memory_space<vmem>>, vector<3xf32>
    %slice3A = vector.extract_strided_slice %transpose3A_30 {offsets = [0, 0], sizes = [1, 8192], strides = [1, 1]} : vector<3x8192xf32> to vector<1x8192xf32>
    %squeeze3A = vector.shape_cast %slice3A : vector<1x8192xf32> to vector<8192xf32>
    %slice3A_33 = vector.extract_strided_slice %get3A_32 {offsets = [0], sizes = [1], strides = [1]} : vector<3xf32> to vector<1xf32>
    %squeeze3A_34 = vector.extract %slice3A_33[0] : f32 from vector<1xf32>
    %add3A_35 = vector.broadcast %squeeze3A_34 : f32 to vector<8192xf32>
    %add3A_36 = arith.addf %squeeze3A, %add3A_35 : vector<8192xf32>
    %slice3A_37 = vector.extract_strided_slice %transpose3A_30 {offsets = [1, 0], sizes = [1, 8192], strides = [1, 1]} : vector<3x8192xf32> to vector<1x8192xf32>
    %squeeze3A_38 = vector.shape_cast %slice3A_37 : vector<1x8192xf32> to vector<8192xf32>
    %slice3A_39 = vector.extract_strided_slice %get3A_32 {offsets = [1], sizes = [1], strides = [1]} : vector<3xf32> to vector<1xf32>
    %squeeze3A_40 = vector.extract %slice3A_39[0] : f32 from vector<1xf32>
    %add3A_41 = vector.broadcast %squeeze3A_40 : f32 to vector<8192xf32>
    %add3A_42 = arith.addf %squeeze3A_38, %add3A_41 : vector<8192xf32>
    %slice3A_43 = vector.extract_strided_slice %transpose3A_30 {offsets = [2, 0], sizes = [1, 8192], strides = [1, 1]} : vector<3x8192xf32> to vector<1x8192xf32>
    %squeeze3A_44 = vector.shape_cast %slice3A_43 : vector<1x8192xf32> to vector<8192xf32>
    %slice3A_45 = vector.extract_strided_slice %get3A_32 {offsets = [2], sizes = [1], strides = [1]} : vector<3xf32> to vector<1xf32>
    %squeeze3A_46 = vector.extract %slice3A_45[0] : f32 from vector<1xf32>
    %add3A_47 = vector.broadcast %squeeze3A_46 : f32 to vector<8192xf32>
    %add3A_48 = arith.addf %squeeze3A_44, %add3A_47 : vector<8192xf32>
    %max3A_49 = arith.maximumf %add3A_36, %add3A_42 : vector<8192xf32>
    %max3A_50 = arith.maximumf %max3A_49, %add3A_48 : vector<8192xf32>
    %sub3A = arith.subf %add3A_36, %max3A_50 : vector<8192xf32>
    %exp3A = math.exp %sub3A : vector<8192xf32>
    %sub3A_51 = arith.subf %add3A_42, %max3A_50 : vector<8192xf32>
    %exp3A_52 = math.exp %sub3A_51 : vector<8192xf32>
    %sub3A_53 = arith.subf %add3A_48, %max3A_50 : vector<8192xf32>
    %exp3A_54 = math.exp %sub3A_53 : vector<8192xf32>
    %add3A_55 = arith.addf %exp3A, %exp3A_52 : vector<8192xf32>
    %add3A_56 = arith.addf %add3A_55, %exp3A_54 : vector<8192xf32>
    %div3A = arith.divf %exp3A, %add3A_56 : vector<8192xf32>
    %div3A_57 = arith.divf %exp3A_52, %add3A_56 : vector<8192xf32>
    %div3A_58 = arith.divf %exp3A_54, %add3A_56 : vector<8192xf32>
    %broadcast_in_dim3A_59 = arith.constant 0 : i32
    %broadcast_in_dim3A_60 = vector.broadcast %broadcast_in_dim3A_59 : i32 to vector<8192xi32>
    %gt3A = arith.cmpf ogt, %div3A_57, %div3A : vector<8192xf32>
    %jit3A = arith.constant 1 : i32
    %broadcast_in_dim3A_61 = vector.broadcast %jit3A : i32 to vector<8192xi32>
    %select_n3A = arith.select %gt3A, %broadcast_in_dim3A_61, %broadcast_in_dim3A_60 : vector<8192xi1>, vector<8192xi32>
    %select_n3A_62 = arith.select %gt3A, %div3A_57, %div3A : vector<8192xi1>, vector<8192xf32>
    %gt3A_63 = arith.cmpf ogt, %div3A_58, %select_n3A_62 : vector<8192xf32>
    %jit3A_64 = arith.constant 2 : i32
    %broadcast_in_dim3A_65 = vector.broadcast %jit3A_64 : i32 to vector<8192xi32>
    %select_n3A_66 = arith.select %gt3A_63, %broadcast_in_dim3A_65, %select_n3A : vector<8192xi1>, vector<8192xi32>
    %swap3A = arith.constant 0 : index
    %swap3A_67 = vector.load %arg9[%swap3A] : memref<8192xi32, #tpu.memory_space<vmem>>, vector<8192xi32>
    tpu.vector_store %arg9[%swap3A], %select_n3A_66 {strides = array<i32>} : memref<8192xi32, #tpu.memory_space<vmem>>, vector<8192xi32>,
    return
  }
  func.func @transform_0(%arg0: i32) -> i32 {
    %c0_i32 = arith.constant 0 : i32
    return %arg0 : i32
  }
  func.func @transform_1(%arg0: i32) -> i32 {
    %c0_i32 = arith.constant 0 : i32
    return %arg0 : i32
  }
  func.func @transform_2(%arg0: i32) -> (i32, i32) {
    %c0_i32 = arith.constant 0 : i32
    %c0_i32_0 = arith.constant 0 : i32
    %c0_i32_1 = arith.constant 0 : i32
    return %c0_i32, %c0_i32_0 : i32, i32
  }
  func.func @transform_3(%arg0: i32) -> (i32, i32) {
    %c0_i32 = arith.constant 0 : i32
    %c0_i32_0 = arith.constant 0 : i32
    %c0_i32_1 = arith.constant 0 : i32
    return %c0_i32, %c0_i32_0 : i32, i32
  }
  func.func @transform_4(%arg0: i32) -> (i32, i32) {
    %c0_i32 = arith.constant 0 : i32
    %c0_i32_0 = arith.constant 0 : i32
    %c0_i32_1 = arith.constant 0 : i32
    return %c0_i32, %c0_i32_0 : i32, i32
  }
  func.func @transform_5(%arg0: i32) -> i32 {
    %c0_i32 = arith.constant 0 : i32
    %c0_i32_0 = arith.constant 0 : i32
    return %c0_i32 : i32
  }
  func.func @transform_6(%arg0: i32) -> (i32, i32) {
    %c0_i32 = arith.constant 0 : i32
    %c0_i32_0 = arith.constant 0 : i32
    %c0_i32_1 = arith.constant 0 : i32
    return %c0_i32, %c0_i32_0 : i32, i32
  }
  func.func @transform_7(%arg0: i32) -> i32 {
    %c0_i32 = arith.constant 0 : i32
    %c0_i32_0 = arith.constant 0 : i32
    return %c0_i32 : i32
  }
  func.func @transform_8(%arg0: i32) -> i32 {
    %c0_i32 = arith.constant 0 : i32
    return %arg0 : i32
  }
}

module attributes {stable_mosaic.version = 14 : i64} {
  func.func @_phase_b_body(%arg0: i32, %arg1: memref<2000x1xf32, #tpu.memory_space<vmem>>, %arg2: memref<2x2000x3xf32, #tpu.memory_space<vmem>>, %arg3: memref<2x2000x3xf32, #tpu.memory_space<vmem>>, %arg4: memref<3x32xf32, #tpu.memory_space<vmem>>, %arg5: memref<3x32xf32, #tpu.memory_space<vmem>>, %arg6: memref<32xf32, #tpu.memory_space<vmem>>, %arg7: memref<32xf32, #tpu.memory_space<vmem>>, %arg8: memref<32xf32, #tpu.memory_space<vmem>>, %arg9: memref<32xf32, #tpu.memory_space<vmem>>, %arg10: memref<32xf32, #tpu.memory_space<vmem>>, %arg11: memref<32xf32, #tpu.memory_space<vmem>>, %arg12: memref<32xf32, #tpu.memory_space<vmem>>, %arg13: memref<2000x32xf32, #tpu.memory_space<vmem>>, %arg14: memref<2000x3xf32, #tpu.memory_space<vmem>>) attributes {dimension_semantics = [#tpu.dimension_semantics<arbitrary>], iteration_bounds = array<i64: 25>, scalar_prefetch = 0 : i64, scratch_operands = 0 : i64, tpu.core_type = #tpu.core_type<tc>, window_params = [{transform_indices = @transform_0, window_bounds = array<i64: 2000, 1>}, {transform_indices = @transform_1, window_bounds = array<i64: 2, 2000, 3>}, {transform_indices = @transform_2, window_bounds = array<i64: 2, 2000, 3>}, {pipeline_mode = #tpu.pipeline_mode<synchronous>, transform_indices = @transform_3, window_bounds = array<i64: 3, 32>}, {pipeline_mode = #tpu.pipeline_mode<synchronous>, transform_indices = @transform_4, window_bounds = array<i64: 3, 32>}, {pipeline_mode = #tpu.pipeline_mode<synchronous>, transform_indices = @transform_5, window_bounds = array<i64: 32>}, {pipeline_mode = #tpu.pipeline_mode<synchronous>, transform_indices = @transform_6, window_bounds = array<i64: 32>}, {pipeline_mode = #tpu.pipeline_mode<synchronous>, transform_indices = @transform_7, window_bounds = array<i64: 32>}, {pipeline_mode = #tpu.pipeline_mode<synchronous>, transform_indices = @transform_8, window_bounds = array<i64: 32>}, {pipeline_mode = #tpu.pipeline_mode<synchronous>, transform_indices = @transform_9, window_bounds = array<i64: 32>}, {pipeline_mode = #tpu.pipeline_mode<synchronous>, transform_indices = @transform_10, window_bounds = array<i64: 32>}, {pipeline_mode = #tpu.pipeline_mode<synchronous>, transform_indices = @transform_11, window_bounds = array<i64: 32>}, {transform_indices = @transform_12, window_bounds = array<i64: 2000, 32>}, {transform_indices = @transform_13, window_bounds = array<i64: 2000, 3>}]} {
    %get3A = arith.constant 0 : index
    %get3A_0 = arith.constant 0 : index
    %get3A_1 = vector.load %arg1[%get3A, %get3A_0] : memref<2000x1xf32, #tpu.memory_space<vmem>>, vector<2000x1xf32>
    %get3A_2 = arith.constant 0 : index
    %get3A_3 = arith.constant 0 : index
    %get3A_4 = arith.constant 0 : index
    %get3A_5 = vector.load %arg2[%get3A_2, %get3A_3, %get3A_4] : memref<2x2000x3xf32, #tpu.memory_space<vmem>>, vector<1x2000x3xf32>
    %get3A_6 = vector.shape_cast %get3A_5 : vector<1x2000x3xf32> to vector<2000x3xf32>
    %get3A_7 = arith.constant 1 : index
    %get3A_8 = arith.constant 0 : index
    %get3A_9 = arith.constant 0 : index
    %get3A_10 = vector.load %arg2[%get3A_7, %get3A_8, %get3A_9] : memref<2x2000x3xf32, #tpu.memory_space<vmem>>, vector<1x2000x3xf32>
    %get3A_11 = vector.shape_cast %get3A_10 : vector<1x2000x3xf32> to vector<2000x3xf32>
    %add3A = arith.addf %get3A_6, %get3A_11 : vector<2000x3xf32>
    %get3A_12 = arith.constant 0 : index
    %get3A_13 = arith.constant 0 : index
    %get3A_14 = arith.constant 0 : index
    %get3A_15 = vector.load %arg3[%get3A_12, %get3A_13, %get3A_14] : memref<2x2000x3xf32, #tpu.memory_space<vmem>>, vector<1x2000x3xf32>
    %get3A_16 = vector.shape_cast %get3A_15 : vector<1x2000x3xf32> to vector<2000x3xf32>
    %get3A_17 = arith.constant 1 : index
    %get3A_18 = arith.constant 0 : index
    %get3A_19 = arith.constant 0 : index
    %get3A_20 = vector.load %arg3[%get3A_17, %get3A_18, %get3A_19] : memref<2x2000x3xf32, #tpu.memory_space<vmem>>, vector<1x2000x3xf32>
    %get3A_21 = vector.shape_cast %get3A_20 : vector<1x2000x3xf32> to vector<2000x3xf32>
    %add3A_22 = arith.addf %get3A_16, %get3A_21 : vector<2000x3xf32>
    %max3A = arith.constant 1.000000e+00 : f32
    %max3A_23 = vector.broadcast %max3A : f32 to vector<2000x3xf32>
    %max3A_24 = arith.maximumf %add3A_22, %max3A_23 : vector<2000x3xf32>
    %div3A = arith.constant 1.000000e+00 : f32
    %div3A_25 = vector.broadcast %div3A : f32 to vector<2000x3xf32>
    %div3A_26 = arith.divf %div3A_25, %max3A_24 : vector<2000x3xf32>
    %mul3A = arith.mulf %add3A, %div3A_26 : vector<2000x3xf32>
    %get3A_27 = arith.constant 0 : index
    %get3A_28 = arith.constant 0 : index
    %get3A_29 = vector.load %arg4[%get3A_27, %get3A_28] : memref<3x32xf32, #tpu.memory_space<vmem>>, vector<3x32xf32>
    %dot_general3A = arith.constant dense<0.000000e+00> : vector<2000x32xf32>
    %dot_general3A_30 = tpu.matmul %mul3A, %get3A_29, %dot_general3A {dimension_numbers = #tpu.dot_dimension_numbers<[1], [0], [0], [1], [0, 0, 1, 1], [], []>, transpose_lhs_hint = false} : vector<2000x3xf32>, vector<3x32xf32>, vector<2000x32xf32> -> vector<2000x32xf32>
    %mul3A_31 = arith.mulf %add3A_22, %div3A_26 : vector<2000x3xf32>
    %get3A_32 = arith.constant 0 : index
    %get3A_33 = arith.constant 0 : index
    %get3A_34 = vector.load %arg5[%get3A_32, %get3A_33] : memref<3x32xf32, #tpu.memory_space<vmem>>, vector<3x32xf32>
    %dot_general3A_35 = arith.constant dense<0.000000e+00> : vector<2000x32xf32>
    %dot_general3A_36 = tpu.matmul %mul3A_31, %get3A_34, %dot_general3A_35 {dimension_numbers = #tpu.dot_dimension_numbers<[1], [0], [0], [1], [0, 0, 1, 1], [], []>, transpose_lhs_hint = false} : vector<2000x3xf32>, vector<3x32xf32>, vector<2000x32xf32> -> vector<2000x32xf32>
    %add3A_37 = arith.addf %dot_general3A_30, %dot_general3A_36 : vector<2000x32xf32>
    %get3A_38 = arith.constant 0 : index
    %get3A_39 = vector.load %arg6[%get3A_38] : memref<32xf32, #tpu.memory_space<vmem>>, vector<32xf32>
    %broadcast_in_dim3A = vector.shape_cast %get3A_39 : vector<32xf32> to vector<1x32xf32>
    %mul3A_40 = vector.broadcast %get3A_1 : vector<2000x1xf32> to vector<2000x32xf32>
    %mul3A_41 = vector.broadcast %broadcast_in_dim3A : vector<1x32xf32> to vector<2000x32xf32>
    %mul3A_42 = arith.mulf %mul3A_40, %mul3A_41 : vector<2000x32xf32>
    %get3A_43 = arith.constant 0 : index
    %get3A_44 = vector.load %arg7[%get3A_43] : memref<32xf32, #tpu.memory_space<vmem>>, vector<32xf32>
    %broadcast_in_dim3A_45 = vector.shape_cast %get3A_44 : vector<32xf32> to vector<1x32xf32>
    %add3A_46 = vector.broadcast %broadcast_in_dim3A_45 : vector<1x32xf32> to vector<2000x32xf32>
    %add3A_47 = arith.addf %mul3A_42, %add3A_46 : vector<2000x32xf32>
    %get3A_48 = arith.constant 0 : index
    %get3A_49 = vector.load %arg8[%get3A_48] : memref<32xf32, #tpu.memory_space<vmem>>, vector<32xf32>
    %broadcast_in_dim3A_50 = vector.shape_cast %get3A_49 : vector<32xf32> to vector<1x32xf32>
    %add3A_51 = vector.broadcast %broadcast_in_dim3A_50 : vector<1x32xf32> to vector<2000x32xf32>
    %add3A_52 = arith.addf %add3A_47, %add3A_51 : vector<2000x32xf32>
    %add3A_53 = arith.addf %add3A_52, %add3A_37 : vector<2000x32xf32>
    %reduce_sum3A = arith.constant dense<0.000000e+00> : vector<2000xf32>
    %reduce_sum3A_54 = vector.multi_reduction <add>, %add3A_53, %reduce_sum3A [1] : vector<2000x32xf32> to vector<2000xf32>
    %broadcast_in_dim3A_55 = vector.shape_cast %reduce_sum3A_54 : vector<2000xf32> to vector<2000x1xf32>
    %div3A_56 = arith.constant 3.200000e+01 : f32
    %div3A_57 = vector.broadcast %div3A_56 : f32 to vector<2000x1xf32>
    %div3A_58 = arith.divf %broadcast_in_dim3A_55, %div3A_57 : vector<2000x1xf32>
    %sub3A = vector.broadcast %div3A_58 : vector<2000x1xf32> to vector<2000x32xf32>
    %sub3A_59 = arith.subf %add3A_53, %sub3A : vector<2000x32xf32>
    %integer_pow3A = arith.mulf %sub3A_59, %sub3A_59 : vector<2000x32xf32>
    %reduce_sum3A_60 = arith.constant dense<0.000000e+00> : vector<2000xf32>
    %reduce_sum3A_61 = vector.multi_reduction <add>, %integer_pow3A, %reduce_sum3A_60 [1] : vector<2000x32xf32> to vector<2000xf32>
    %broadcast_in_dim3A_62 = vector.shape_cast %reduce_sum3A_61 : vector<2000xf32> to vector<2000x1xf32>
    %div3A_63 = arith.constant 3.200000e+01 : f32
    %div3A_64 = vector.broadcast %div3A_63 : f32 to vector<2000x1xf32>
    %div3A_65 = arith.divf %broadcast_in_dim3A_62, %div3A_64 : vector<2000x1xf32>
    %sub3A_66 = vector.broadcast %div3A_58 : vector<2000x1xf32> to vector<2000x32xf32>
    %sub3A_67 = arith.subf %add3A_53, %sub3A_66 : vector<2000x32xf32>
    %add3A_68 = arith.constant 9.99999974E-6 : f32
    %add3A_69 = vector.broadcast %add3A_68 : f32 to vector<2000x1xf32>
    %add3A_70 = arith.addf %div3A_65, %add3A_69 : vector<2000x1xf32>
    %sqrt3A = math.sqrt %add3A_70 : vector<2000x1xf32>
    %div3A_71 = vector.broadcast %sqrt3A : vector<2000x1xf32> to vector<2000x32xf32>
    %div3A_72 = arith.divf %sub3A_67, %div3A_71 : vector<2000x32xf32>
    %get3A_73 = arith.constant 0 : index
    %get3A_74 = vector.load %arg9[%get3A_73] : memref<32xf32, #tpu.memory_space<vmem>>, vector<32xf32>
    %broadcast_in_dim3A_75 = vector.shape_cast %get3A_74 : vector<32xf32> to vector<1x32xf32>
    %mul3A_76 = vector.broadcast %broadcast_in_dim3A_75 : vector<1x32xf32> to vector<2000x32xf32>
    %mul3A_77 = arith.mulf %div3A_72, %mul3A_76 : vector<2000x32xf32>
    %get3A_78 = arith.constant 0 : index
    %get3A_79 = vector.load %arg10[%get3A_78] : memref<32xf32, #tpu.memory_space<vmem>>, vector<32xf32>
    %broadcast_in_dim3A_80 = vector.shape_cast %get3A_79 : vector<32xf32> to vector<1x32xf32>
    %add3A_81 = vector.broadcast %broadcast_in_dim3A_80 : vector<1x32xf32> to vector<2000x32xf32>
    %add3A_82 = arith.addf %mul3A_77, %add3A_81 : vector<2000x32xf32>
    %get3A_83 = arith.constant 0 : index
    %get3A_84 = vector.load %arg11[%get3A_83] : memref<32xf32, #tpu.memory_space<vmem>>, vector<32xf32>
    %broadcast_in_dim3A_85 = vector.shape_cast %get3A_84 : vector<32xf32> to vector<1x32xf32>
    %mul3A_86 = vector.broadcast %get3A_1 : vector<2000x1xf32> to vector<2000x32xf32>
    %mul3A_87 = vector.broadcast %broadcast_in_dim3A_85 : vector<1x32xf32> to vector<2000x32xf32>
    %mul3A_88 = arith.mulf %mul3A_86, %mul3A_87 : vector<2000x32xf32>
    %get3A_89 = arith.constant 0 : index
    %get3A_90 = vector.load %arg12[%get3A_89] : memref<32xf32, #tpu.memory_space<vmem>>, vector<32xf32>
    %broadcast_in_dim3A_91 = vector.shape_cast %get3A_90 : vector<32xf32> to vector<1x32xf32>
    %add3A_92 = vector.broadcast %broadcast_in_dim3A_91 : vector<1x32xf32> to vector<2000x32xf32>
    %add3A_93 = arith.addf %mul3A_88, %add3A_92 : vector<2000x32xf32>
    %max3A_94 = arith.constant 0.000000e+00 : f32
    %max3A_95 = vector.broadcast %max3A_94 : f32 to vector<2000x32xf32>
    %max3A_96 = arith.maximumf %add3A_82, %max3A_95 : vector<2000x32xf32>
    %add3A_97 = arith.addf %max3A_96, %add3A_93 : vector<2000x32xf32>
    %swap3A = arith.constant 0 : index
    %swap3A_98 = arith.constant 0 : index
    %swap3A_99 = vector.load %arg13[%swap3A, %swap3A_98] : memref<2000x32xf32, #tpu.memory_space<vmem>>, vector<2000x32xf32>
    tpu.vector_store %arg13[%swap3A, %swap3A_98], %add3A_97 {strides = array<i32>} : memref<2000x32xf32, #tpu.memory_space<vmem>>, vector<2000x32xf32>,
    %swap3A_100 = arith.constant 0 : index
    %swap3A_101 = arith.constant 0 : index
    %swap3A_102 = vector.load %arg14[%swap3A_100, %swap3A_101] : memref<2000x3xf32, #tpu.memory_space<vmem>>, vector<2000x3xf32>
    tpu.vector_store %arg14[%swap3A_100, %swap3A_101], %div3A_26 {strides = array<i32>} : memref<2000x3xf32, #tpu.memory_space<vmem>>, vector<2000x3xf32>,
    return
  }
  func.func @transform_0(%arg0: i32) -> (i32, i32) {
    %c0_i32 = arith.constant 0 : i32
    %c0_i32_0 = arith.constant 0 : i32
    return %arg0, %c0_i32 : i32, i32
  }
  func.func @transform_1(%arg0: i32) -> (i32, i32, i32) {
    %c0_i32 = arith.constant 0 : i32
    %c0_i32_0 = arith.constant 0 : i32
    %c0_i32_1 = arith.constant 0 : i32
    return %c0_i32, %arg0, %c0_i32_0 : i32, i32, i32
  }
  func.func @transform_2(%arg0: i32) -> (i32, i32, i32) {
    %c0_i32 = arith.constant 0 : i32
    %c0_i32_0 = arith.constant 0 : i32
    %c0_i32_1 = arith.constant 0 : i32
    return %c0_i32, %arg0, %c0_i32_0 : i32, i32, i32
  }
  func.func @transform_3(%arg0: i32) -> (i32, i32) {
    %c0_i32 = arith.constant 0 : i32
    %c0_i32_0 = arith.constant 0 : i32
    %c0_i32_1 = arith.constant 0 : i32
    return %c0_i32, %c0_i32_0 : i32, i32
  }
  func.func @transform_4(%arg0: i32) -> (i32, i32) {
    %c0_i32 = arith.constant 0 : i32
    %c0_i32_0 = arith.constant 0 : i32
    %c0_i32_1 = arith.constant 0 : i32
    return %c0_i32, %c0_i32_0 : i32, i32
  }
  func.func @transform_5(%arg0: i32) -> i32 {
    %c0_i32 = arith.constant 0 : i32
    %c0_i32_0 = arith.constant 0 : i32
    return %c0_i32 : i32
  }
  func.func @transform_6(%arg0: i32) -> i32 {
    %c0_i32 = arith.constant 0 : i32
    %c0_i32_0 = arith.constant 0 : i32
    return %c0_i32 : i32
  }
  func.func @transform_7(%arg0: i32) -> i32 {
    %c0_i32 = arith.constant 0 : i32
    %c0_i32_0 = arith.constant 0 : i32
    return %c0_i32 : i32
  }
  func.func @transform_8(%arg0: i32) -> i32 {
    %c0_i32 = arith.constant 0 : i32
    %c0_i32_0 = arith.constant 0 : i32
    return %c0_i32 : i32
  }
  func.func @transform_9(%arg0: i32) -> i32 {
    %c0_i32 = arith.constant 0 : i32
    %c0_i32_0 = arith.constant 0 : i32
    return %c0_i32 : i32
  }
  func.func @transform_10(%arg0: i32) -> i32 {
    %c0_i32 = arith.constant 0 : i32
    %c0_i32_0 = arith.constant 0 : i32
    return %c0_i32 : i32
  }
  func.func @transform_11(%arg0: i32) -> i32 {
    %c0_i32 = arith.constant 0 : i32
    %c0_i32_0 = arith.constant 0 : i32
    return %c0_i32 : i32
  }
  func.func @transform_12(%arg0: i32) -> (i32, i32) {
    %c0_i32 = arith.constant 0 : i32
    %c0_i32_0 = arith.constant 0 : i32
    return %arg0, %c0_i32 : i32, i32
  }
  func.func @transform_13(%arg0: i32) -> (i32, i32) {
    %c0_i32 = arith.constant 0 : i32
    %c0_i32_0 = arith.constant 0 : i32
    return %arg0, %c0_i32 : i32, i32
  }
}

module attributes {stable_mosaic.version = 14 : i64} {
  func.func @_phase_d_body(%arg0: i32, %arg1: memref<2000x32xf32, #tpu.memory_space<vmem>>, %arg2: memref<2x3x2000x32xf32, #tpu.memory_space<vmem>>, %arg3: memref<2000x3xf32, #tpu.memory_space<vmem>>, %arg4: memref<32x32xf32, #tpu.memory_space<vmem>>, %arg5: memref<3x32x32xf32, #tpu.memory_space<vmem>>, %arg6: memref<32xf32, #tpu.memory_space<vmem>>, %arg7: memref<32xf32, #tpu.memory_space<vmem>>, %arg8: memref<32xf32, #tpu.memory_space<vmem>>, %arg9: memref<2000x32xf32, #tpu.memory_space<vmem>>) attributes {dimension_semantics = [#tpu.dimension_semantics<arbitrary>], iteration_bounds = array<i64: 25>, scalar_prefetch = 0 : i64, scratch_operands = 0 : i64, tpu.core_type = #tpu.core_type<tc>, window_params = [{transform_indices = @transform_0, window_bounds = array<i64: 2000, 32>}, {transform_indices = @transform_1, window_bounds = array<i64: 2, 3, 2000, 32>}, {transform_indices = @transform_2, window_bounds = array<i64: 2000, 3>}, {pipeline_mode = #tpu.pipeline_mode<synchronous>, transform_indices = @transform_3, window_bounds = array<i64: 32, 32>}, {pipeline_mode = #tpu.pipeline_mode<synchronous>, transform_indices = @transform_4, window_bounds = array<i64: 3, 32, 32>}, {pipeline_mode = #tpu.pipeline_mode<synchronous>, transform_indices = @transform_5, window_bounds = array<i64: 32>}, {pipeline_mode = #tpu.pipeline_mode<synchronous>, transform_indices = @transform_6, window_bounds = array<i64: 32>}, {pipeline_mode = #tpu.pipeline_mode<synchronous>, transform_indices = @transform_7, window_bounds = array<i64: 32>}, {transform_indices = @transform_8, window_bounds = array<i64: 2000, 32>}]} {
    %get3A = arith.constant 0 : index
    %get3A_0 = arith.constant 0 : index
    %get3A_1 = vector.load %arg1[%get3A, %get3A_0] : memref<2000x32xf32, #tpu.memory_space<vmem>>, vector<2000x32xf32>
    %get3A_2 = arith.constant 0 : index
    %get3A_3 = arith.constant 0 : index
    %get3A_4 = vector.load %arg3[%get3A_2, %get3A_3] : memref<2000x3xf32, #tpu.memory_space<vmem>>, vector<2000x3xf32>
    %get3A_5 = arith.constant 0 : index
    %get3A_6 = arith.constant 0 : index
    %get3A_7 = vector.load %arg4[%get3A_5, %get3A_6] : memref<32x32xf32, #tpu.memory_space<vmem>>, vector<32x32xf32>
    %dot_general3A = arith.constant dense<0.000000e+00> : vector<2000x32xf32>
    %dot_general3A_8 = tpu.matmul %get3A_1, %get3A_7, %dot_general3A {dimension_numbers = #tpu.dot_dimension_numbers<[1], [0], [0], [1], [0, 0, 1, 1], [], []>, transpose_lhs_hint = false} : vector<2000x32xf32>, vector<32x32xf32>, vector<2000x32xf32> -> vector<2000x32xf32>
    %get3A_9 = arith.constant 0 : index
    %get3A_10 = vector.load %arg6[%get3A_9] : memref<32xf32, #tpu.memory_space<vmem>>, vector<32xf32>
    %broadcast_in_dim3A = vector.shape_cast %get3A_10 : vector<32xf32> to vector<1x32xf32>
    %add3A = vector.broadcast %broadcast_in_dim3A : vector<1x32xf32> to vector<2000x32xf32>
    %add3A_11 = arith.addf %dot_general3A_8, %add3A : vector<2000x32xf32>
    %get3A_12 = arith.constant 0 : index
    %get3A_13 = arith.constant 0 : index
    %get3A_14 = arith.constant 0 : index
    %get3A_15 = arith.constant 0 : index
    %get3A_16 = vector.load %arg2[%get3A_12, %get3A_13, %get3A_14, %get3A_15] : memref<2x3x2000x32xf32, #tpu.memory_space<vmem>>, vector<1x1x2000x32xf32>
    %get3A_17 = vector.shape_cast %get3A_16 : vector<1x1x2000x32xf32> to vector<2000x32xf32>
    %get3A_18 = arith.constant 1 : index
    %get3A_19 = arith.constant 0 : index
    %get3A_20 = arith.constant 0 : index
    %get3A_21 = arith.constant 0 : index
    %get3A_22 = vector.load %arg2[%get3A_18, %get3A_19, %get3A_20, %get3A_21] : memref<2x3x2000x32xf32, #tpu.memory_space<vmem>>, vector<1x1x2000x32xf32>
    %get3A_23 = vector.shape_cast %get3A_22 : vector<1x1x2000x32xf32> to vector<2000x32xf32>
    %add3A_24 = arith.addf %get3A_17, %get3A_23 : vector<2000x32xf32>
    %slice3A = vector.extract_strided_slice %get3A_4 {offsets = [0, 0], sizes = [2000, 1], strides = [1, 1]} : vector<2000x3xf32> to vector<2000x1xf32>
    %mul3A = vector.broadcast %slice3A : vector<2000x1xf32> to vector<2000x32xf32>
    %mul3A_25 = arith.mulf %add3A_24, %mul3A : vector<2000x32xf32>
    %get3A_26 = arith.constant 0 : index
    %get3A_27 = arith.constant 0 : index
    %get3A_28 = arith.constant 0 : index
    %get3A_29 = vector.load %arg5[%get3A_26, %get3A_27, %get3A_28] : memref<3x32x32xf32, #tpu.memory_space<vmem>>, vector<1x32x32xf32>
    %get3A_30 = vector.shape_cast %get3A_29 : vector<1x32x32xf32> to vector<32x32xf32>
    %dot_general3A_31 = arith.constant dense<0.000000e+00> : vector<2000x32xf32>
    %dot_general3A_32 = tpu.matmul %mul3A_25, %get3A_30, %dot_general3A_31 {dimension_numbers = #tpu.dot_dimension_numbers<[1], [0], [0], [1], [0, 0, 1, 1], [], []>, transpose_lhs_hint = false} : vector<2000x32xf32>, vector<32x32xf32>, vector<2000x32xf32> -> vector<2000x32xf32>
    %add3A_33 = arith.addf %add3A_11, %dot_general3A_32 : vector<2000x32xf32>
    %get3A_34 = arith.constant 0 : index
    %get3A_35 = arith.constant 1 : index
    %get3A_36 = arith.constant 0 : index
    %get3A_37 = arith.constant 0 : index
    %get3A_38 = vector.load %arg2[%get3A_34, %get3A_35, %get3A_36, %get3A_37] : memref<2x3x2000x32xf32, #tpu.memory_space<vmem>>, vector<1x1x2000x32xf32>
    %get3A_39 = vector.shape_cast %get3A_38 : vector<1x1x2000x32xf32> to vector<2000x32xf32>
    %get3A_40 = arith.constant 1 : index
    %get3A_41 = arith.constant 1 : index
    %get3A_42 = arith.constant 0 : index
    %get3A_43 = arith.constant 0 : index
    %get3A_44 = vector.load %arg2[%get3A_40, %get3A_41, %get3A_42, %get3A_43] : memref<2x3x2000x32xf32, #tpu.memory_space<vmem>>, vector<1x1x2000x32xf32>
    %get3A_45 = vector.shape_cast %get3A_44 : vector<1x1x2000x32xf32> to vector<2000x32xf32>
    %add3A_46 = arith.addf %get3A_39, %get3A_45 : vector<2000x32xf32>
    %slice3A_47 = vector.extract_strided_slice %get3A_4 {offsets = [0, 1], sizes = [2000, 1], strides = [1, 1]} : vector<2000x3xf32> to vector<2000x1xf32>
    %mul3A_48 = vector.broadcast %slice3A_47 : vector<2000x1xf32> to vector<2000x32xf32>
    %mul3A_49 = arith.mulf %add3A_46, %mul3A_48 : vector<2000x32xf32>
    %get3A_50 = arith.constant 1 : index
    %get3A_51 = arith.constant 0 : index
    %get3A_52 = arith.constant 0 : index
    %get3A_53 = vector.load %arg5[%get3A_50, %get3A_51, %get3A_52] : memref<3x32x32xf32, #tpu.memory_space<vmem>>, vector<1x32x32xf32>
    %get3A_54 = vector.shape_cast %get3A_53 : vector<1x32x32xf32> to vector<32x32xf32>
    %dot_general3A_55 = arith.constant dense<0.000000e+00> : vector<2000x32xf32>
    %dot_general3A_56 = tpu.matmul %mul3A_49, %get3A_54, %dot_general3A_55 {dimension_numbers = #tpu.dot_dimension_numbers<[1], [0], [0], [1], [0, 0, 1, 1], [], []>, transpose_lhs_hint = false} : vector<2000x32xf32>, vector<32x32xf32>, vector<2000x32xf32> -> vector<2000x32xf32>
    %add3A_57 = arith.addf %add3A_33, %dot_general3A_56 : vector<2000x32xf32>
    %get3A_58 = arith.constant 0 : index
    %get3A_59 = arith.constant 2 : index
    %get3A_60 = arith.constant 0 : index
    %get3A_61 = arith.constant 0 : index
    %get3A_62 = vector.load %arg2[%get3A_58, %get3A_59, %get3A_60, %get3A_61] : memref<2x3x2000x32xf32, #tpu.memory_space<vmem>>, vector<1x1x2000x32xf32>
    %get3A_63 = vector.shape_cast %get3A_62 : vector<1x1x2000x32xf32> to vector<2000x32xf32>
    %get3A_64 = arith.constant 1 : index
    %get3A_65 = arith.constant 2 : index
    %get3A_66 = arith.constant 0 : index
    %get3A_67 = arith.constant 0 : index
    %get3A_68 = vector.load %arg2[%get3A_64, %get3A_65, %get3A_66, %get3A_67] : memref<2x3x2000x32xf32, #tpu.memory_space<vmem>>, vector<1x1x2000x32xf32>
    %get3A_69 = vector.shape_cast %get3A_68 : vector<1x1x2000x32xf32> to vector<2000x32xf32>
    %add3A_70 = arith.addf %get3A_63, %get3A_69 : vector<2000x32xf32>
    %slice3A_71 = vector.extract_strided_slice %get3A_4 {offsets = [0, 2], sizes = [2000, 1], strides = [1, 1]} : vector<2000x3xf32> to vector<2000x1xf32>
    %mul3A_72 = vector.broadcast %slice3A_71 : vector<2000x1xf32> to vector<2000x32xf32>
    %mul3A_73 = arith.mulf %add3A_70, %mul3A_72 : vector<2000x32xf32>
    %get3A_74 = arith.constant 2 : index
    %get3A_75 = arith.constant 0 : index
    %get3A_76 = arith.constant 0 : index
    %get3A_77 = vector.load %arg5[%get3A_74, %get3A_75, %get3A_76] : memref<3x32x32xf32, #tpu.memory_space<vmem>>, vector<1x32x32xf32>
    %get3A_78 = vector.shape_cast %get3A_77 : vector<1x32x32xf32> to vector<32x32xf32>
    %dot_general3A_79 = arith.constant dense<0.000000e+00> : vector<2000x32xf32>
    %dot_general3A_80 = tpu.matmul %mul3A_73, %get3A_78, %dot_general3A_79 {dimension_numbers = #tpu.dot_dimension_numbers<[1], [0], [0], [1], [0, 0, 1, 1], [], []>, transpose_lhs_hint = false} : vector<2000x32xf32>, vector<32x32xf32>, vector<2000x32xf32> -> vector<2000x32xf32>
    %add3A_81 = arith.addf %add3A_57, %dot_general3A_80 : vector<2000x32xf32>
    %reduce_sum3A = arith.constant dense<0.000000e+00> : vector<2000xf32>
    %reduce_sum3A_82 = vector.multi_reduction <add>, %add3A_81, %reduce_sum3A [1] : vector<2000x32xf32> to vector<2000xf32>
    %broadcast_in_dim3A_83 = vector.shape_cast %reduce_sum3A_82 : vector<2000xf32> to vector<2000x1xf32>
    %div3A = arith.constant 3.200000e+01 : f32
    %div3A_84 = vector.broadcast %div3A : f32 to vector<2000x1xf32>
    %div3A_85 = arith.divf %broadcast_in_dim3A_83, %div3A_84 : vector<2000x1xf32>
    %sub3A = vector.broadcast %div3A_85 : vector<2000x1xf32> to vector<2000x32xf32>
    %sub3A_86 = arith.subf %add3A_81, %sub3A : vector<2000x32xf32>
    %integer_pow3A = arith.mulf %sub3A_86, %sub3A_86 : vector<2000x32xf32>
    %reduce_sum3A_87 = arith.constant dense<0.000000e+00> : vector<2000xf32>
    %reduce_sum3A_88 = vector.multi_reduction <add>, %integer_pow3A, %reduce_sum3A_87 [1] : vector<2000x32xf32> to vector<2000xf32>
    %broadcast_in_dim3A_89 = vector.shape_cast %reduce_sum3A_88 : vector<2000xf32> to vector<2000x1xf32>
    %div3A_90 = arith.constant 3.200000e+01 : f32
    %div3A_91 = vector.broadcast %div3A_90 : f32 to vector<2000x1xf32>
    %div3A_92 = arith.divf %broadcast_in_dim3A_89, %div3A_91 : vector<2000x1xf32>
    %sub3A_93 = vector.broadcast %div3A_85 : vector<2000x1xf32> to vector<2000x32xf32>
    %sub3A_94 = arith.subf %add3A_81, %sub3A_93 : vector<2000x32xf32>
    %add3A_95 = arith.constant 9.99999974E-6 : f32
    %add3A_96 = vector.broadcast %add3A_95 : f32 to vector<2000x1xf32>
    %add3A_97 = arith.addf %div3A_92, %add3A_96 : vector<2000x1xf32>
    %sqrt3A = math.sqrt %add3A_97 : vector<2000x1xf32>
    %div3A_98 = vector.broadcast %sqrt3A : vector<2000x1xf32> to vector<2000x32xf32>
    %div3A_99 = arith.divf %sub3A_94, %div3A_98 : vector<2000x32xf32>
    %get3A_100 = arith.constant 0 : index
    %get3A_101 = vector.load %arg7[%get3A_100] : memref<32xf32, #tpu.memory_space<vmem>>, vector<32xf32>
    %broadcast_in_dim3A_102 = vector.shape_cast %get3A_101 : vector<32xf32> to vector<1x32xf32>
    %mul3A_103 = vector.broadcast %broadcast_in_dim3A_102 : vector<1x32xf32> to vector<2000x32xf32>
    %mul3A_104 = arith.mulf %div3A_99, %mul3A_103 : vector<2000x32xf32>
    %get3A_105 = arith.constant 0 : index
    %get3A_106 = vector.load %arg8[%get3A_105] : memref<32xf32, #tpu.memory_space<vmem>>, vector<32xf32>
    %broadcast_in_dim3A_107 = vector.shape_cast %get3A_106 : vector<32xf32> to vector<1x32xf32>
    %add3A_108 = vector.broadcast %broadcast_in_dim3A_107 : vector<1x32xf32> to vector<2000x32xf32>
    %add3A_109 = arith.addf %mul3A_104, %add3A_108 : vector<2000x32xf32>
    %max3A = arith.constant 0.000000e+00 : f32
    %max3A_110 = vector.broadcast %max3A : f32 to vector<2000x32xf32>
    %max3A_111 = arith.maximumf %add3A_109, %max3A_110 : vector<2000x32xf32>
    %add3A_112 = arith.addf %max3A_111, %get3A_1 : vector<2000x32xf32>
    %swap3A = arith.constant 0 : index
    %swap3A_113 = arith.constant 0 : index
    %swap3A_114 = vector.load %arg9[%swap3A, %swap3A_113] : memref<2000x32xf32, #tpu.memory_space<vmem>>, vector<2000x32xf32>
    tpu.vector_store %arg9[%swap3A, %swap3A_113], %add3A_112 {strides = array<i32>} : memref<2000x32xf32, #tpu.memory_space<vmem>>, vector<2000x32xf32>,
    return
  }
  func.func @transform_0(%arg0: i32) -> (i32, i32) {
    %c0_i32 = arith.constant 0 : i32
    %c0_i32_0 = arith.constant 0 : i32
    return %arg0, %c0_i32 : i32, i32
  }
  func.func @transform_1(%arg0: i32) -> (i32, i32, i32, i32) {
    %c0_i32 = arith.constant 0 : i32
    %c0_i32_0 = arith.constant 0 : i32
    %c0_i32_1 = arith.constant 0 : i32
    %c0_i32_2 = arith.constant 0 : i32
    return %c0_i32, %c0_i32_0, %arg0, %c0_i32_1 : i32, i32, i32, i32
  }
  func.func @transform_2(%arg0: i32) -> (i32, i32) {
    %c0_i32 = arith.constant 0 : i32
    %c0_i32_0 = arith.constant 0 : i32
    return %arg0, %c0_i32 : i32, i32
  }
  func.func @transform_3(%arg0: i32) -> (i32, i32) {
    %c0_i32 = arith.constant 0 : i32
    %c0_i32_0 = arith.constant 0 : i32
    %c0_i32_1 = arith.constant 0 : i32
    return %c0_i32, %c0_i32_0 : i32, i32
  }
  func.func @transform_4(%arg0: i32) -> (i32, i32, i32) {
    %c0_i32 = arith.constant 0 : i32
    %c0_i32_0 = arith.constant 0 : i32
    %c0_i32_1 = arith.constant 0 : i32
    %c0_i32_2 = arith.constant 0 : i32
    return %c0_i32, %c0_i32_0, %c0_i32_1 : i32, i32, i32
  }
  func.func @transform_5(%arg0: i32) -> i32 {
    %c0_i32 = arith.constant 0 : i32
    %c0_i32_0 = arith.constant 0 : i32
    return %c0_i32 : i32
  }
  func.func @transform_6(%arg0: i32) -> i32 {
    %c0_i32 = arith.constant 0 : i32
    %c0_i32_0 = arith.constant 0 : i32
    return %c0_i32 : i32
  }
  func.func @transform_7(%arg0: i32) -> i32 {
    %c0_i32 = arith.constant 0 : i32
    %c0_i32_0 = arith.constant 0 : i32
    return %c0_i32 : i32
  }
  func.func @transform_8(%arg0: i32) -> (i32, i32) {
    %c0_i32 = arith.constant 0 : i32
    %c0_i32_0 = arith.constant 0 : i32
    return %arg0, %c0_i32 : i32, i32
  }
}

</mosaic_0001>

<sc_bundles>
// kernel: kernel.11.cloned.1.call-start
scs
__scs_entry_jumppad:
0x0: {  	(pc) =	sbr.rel $0x88, $3  }
0x1: {  	(tag) =	ssettag $0x0;
	lr =	simm.s32 $0x1  }
0x2: {  	[smem:$0x3F8F] =	sst lr;
	_ =	strace $0xD0000000  }
0x3: {  	_ = 	snop  }
0x4: {  	_ = 	snop  }
0x5: {  	_ = 	snop  }
0x6: {  	_ = 	snop  }
0x7: {  	_ = 	snop  }
__scs_overlays_trampoline_lowered:
0x8: {  	[smem:$0x3F9E] =	sst s0  }
0x9: {  	[smem:$0x3F9F] =	sst s1  }
0xa: {  	[smem:$0x3FA0] =	sst s2  }
0xb: {  	[smem:$0x3FA1] =	sst s3  }
0xc: {  	[smem:$0x3FA2] =	sst s4  }
0xd: {  	[smem:$0x3FA3] =	sst s5  }
0xe: {  	[smem:$0x3FA4] =	sst s6  }
0xf: {  	[smem:$0x3FA5] =	sst s7  }
0x10: {  	[smem:$0x3FA6] =	sst s8  }
0x11: {  	[smem:$0x3FA7] =	sst s9;
	s0 =	simm.s32 @!p0 $0x0  }
0x12: {  	s1 =	sld [smem:$0x3F8D];
	s0 =	simm.s32 @p0 $0x1  }
0x13: {  	[smem:$0x3FA8] =	sst s0;
	s0 =	simm.s32 @!p1 $0x0  }
0x14: {  	s2 =	sld [smem:$0x3F8C];
	s0 =	simm.s32 @p1 $0x1  }
0x15: {  	[smem:$0x3FA9] =	sst s0;
	s0 =	simm.s32 @!p2 $0x0  }
0x16: {  	s3 =	sld [smem:$0x3FDB];
	s0 =	simm.s32 @p2 $0x1  }
0x17: {  	s4 =	simm.s32 $0x1BF5;
	[smem:$0x3FAB] =	sst s0  }
0x18: {  	s0 =	sld [smem:$0x3F8E];
	_ =	swait.ge [sflag:s4], $0x0  }
0x19: {  	s7 =	sld [smem:$0x3F8F]  }
0x1a: {  	s8 =	sadd.s32 $0xFFFFE003, lr  }
0x1b: {  	s9 =	sadd.s32 $0xFFFFFEF7, lr;
	s5 =	simm.s32 $0xFFFFFFFF;
	p2 =	slt.u32 s8, $0xFFFFF086  }
0x1c: {  	p1 =	slt.u32 s9, $0xF7A;
	s5 =	simm.s32 @!p2 $0x0  }
0x1d: {  	s5 =	simm.s32 @p1 $0x1;
	p0 =	seq.s32 s7, s2  }
0x1e: {  	s7 =	smul.u32 @!p0 $0xF7A, s2;
	p2 =	seq.s32 @!p0 s5, $0x0  }
0x1f: {  	s9 =	smul.u32 $0xF7A, s1;
	s8 =	simm.s32 @!p0 $0x1BF5;
	p2 =	por !p2, p0  }
0x20: {  	[sflag:s8] =	ssyncset.s32 @!p0 $0xFFFFF086;
	s6 =	sadd.s32 @!p0 s3, s7;
	s7 =	simm.s32 @!p0 $0x108  }
0x21: {  	s3 =	sadd.s32 s3, s9;
	s6 =	sadd.s32 @!p0 $0x88, s6;
	s7 =	simm.s32 @p2 $0x1082  }
0x22: {  	[simem:s7], [sflag:s8] =	dma.local @!p0 [hbm:s6], $0xF7A  }
0x23: {  	s9 =	sor.u32 $0xD0000000, s2;
	s6 =	simm.s32 $0x108;
	_ =	swait.ge @!p0 [sflag:s8], $0x0  }
0x24: {  	s3 =	sadd.s32 $0x88, s3;
	s6 =	simm.s32 @!p1 $0x1082;
	[sflag:s4] =	ssyncset.s32 $0xFFFFF086  }
0x25: {  	[simem:s6], [sflag:s4] =	dma.local [hbm:s3], $0xF7A  }
0x26: {  	[smem:$0x3F8F] =	sst s1;
	(tag) =	ssettag s2;
	_ =	strace s9  }
0x27: {  	s1 =	sld [smem:$0x3F9F]  }
0x28: {  	s2 =	sld [smem:$0x3FA0]  }
0x29: {  	s4 =	sld [smem:$0x3FA2]  }
0x2a: {  	p0 =	seq.s32 s5, $0x0;
	s5 =	sld [smem:$0x3FA3]  }
0x2b: {  	s6 =	sld [smem:$0x3FA4]  }
0x2c: {  	s7 =	sld [smem:$0x3FA5]  }
0x2d: {  	s3 =	simm.s32 $0x108;
	s8 =	sld [smem:$0x3FA6]  }
0x2e: {  	s3 =	simm.s32 @!p0 $0x1082;
	s9 =	sld [smem:$0x3FA7]  }
0x2f: {  	lr =	sadd.s32 s0, s3;
	s0 =	sld [smem:$0x3F9E]  }
0x30: {  	s3 =	sld [smem:$0x3FA1]  }
0x31: {  	[smem:$0x3FAA] =	sst s10  }
0x32: {  	s10 =	sld [smem:$0x3FA8];
	_ =	sdelay $0x3  }
0x33: {  	p0 =	seq.s32 s10, $0x1;
	s10 =	sld [smem:$0x3FAA];
	_ =	sdelay $0x3  }
0x34: {  	[smem:$0x3FAA] =	sst s10  }
0x35: {  	s10 =	sld [smem:$0x3FA9];
	_ =	sdelay $0x3  }
0x36: {  	p1 =	seq.s32 s10, $0x1;
	s10 =	sld [smem:$0x3FAA];
	_ =	sdelay $0x3  }
0x37: {  	[smem:$0x3FAA] =	sst s10  }
0x38: {  	s10 =	sld [smem:$0x3FAB]  }
0x39: {  	_ = 	snop;
	(pc) =	sbr.ind lr, $3  }
0x3a: {  	_ = 	snop  }
0x3b: {  	_ = 	snop  }
0x3c: {  	p2 =	seq.s32 s10, $0x1;
	s10 =	sld [smem:$0x3FAA]  }
0x3d: {  	_ =	shalt  }
0x3e: {  	_ =	shalt  }
0x3f: {  	_ =	shalt  }
0x40: {  	_ =	shalt  }
0x41: {  	_ =	shalt  }
0x42: {  	_ =	shalt  }
0x43: {  	_ =	shalt  }
0x44: {  	_ =	shalt  }
0x45: {  	_ =	shalt  }
0x46: {  	_ =	shalt  }
0x47: {  	_ =	shalt  }
0x48: {  	_ =	shalt  }
0x49: {  	_ =	shalt  }
0x4a: {  	_ =	shalt  }
0x4b: {  	_ =	shalt  }
0x4c: {  	_ =	shalt  }
0x4d: {  	_ =	shalt  }
0x4e: {  	_ =	shalt  }
0x4f: {  	_ =	shalt  }
0x50: {  	_ =	shalt  }
0x51: {  	_ =	shalt  }
0x52: {  	_ =	shalt  }
0x53: {  	_ =	shalt  }
0x54: {  	_ =	shalt  }
0x55: {  	_ =	shalt  }
0x56: {  	_ =	shalt  }
0x57: {  	_ =	shalt  }
0x58: {  	_ =	shalt  }
0x59: {  	_ =	shalt  }
0x5a: {  	_ =	shalt  }
0x5b: {  	_ =	shalt  }
0x5c: {  	_ =	shalt  }
0x5d: {  	_ =	shalt  }
0x5e: {  	_ =	shalt  }
0x5f: {  	_ =	shalt  }
0x60: {  	_ =	shalt  }
0x61: {  	_ =	shalt  }
0x62: {  	_ =	shalt  }
0x63: {  	_ =	shalt  }
0x64: {  	_ =	shalt  }
0x65: {  	_ =	shalt  }
0x66: {  	_ =	shalt  }
0x67: {  	_ =	shalt  }
0x68: {  	_ =	shalt  }
0x69: {  	_ =	shalt  }
0x6a: {  	_ =	shalt  }
0x6b: {  	_ =	shalt  }
0x6c: {  	_ =	shalt  }
0x6d: {  	_ =	shalt  }
0x6e: {  	_ =	shalt  }
0x6f: {  	_ =	shalt  }
0x70: {  	_ =	shalt  }
0x71: {  	_ =	shalt  }
0x72: {  	_ =	shalt  }
0x73: {  	_ =	shalt  }
0x74: {  	_ =	shalt  }
0x75: {  	_ =	shalt  }
0x76: {  	_ =	shalt  }
0x77: {  	_ =	shalt  }
0x78: {  	_ =	shalt  }
0x79: {  	_ =	shalt  }
0x7a: {  	_ =	shalt  }
0x7b: {  	_ =	shalt  }
0x7c: {  	_ =	shalt  }
0x7d: {  	_ =	shalt  }
0x7e: {  	_ =	shalt  }
0x7f: {  	_ =	shalt  }
0x80: {  	_ =	shalt  }
0x81: {  	_ =	shalt  }
0x82: {  	_ =	shalt  }
0x83: {  	_ =	shalt  }
0x84: {  	_ =	shalt  }
0x85: {  	_ =	shalt  }
0x86: {  	_ =	shalt  }
0x87: {  	_ =	shalt  }
.Lfunc_end0:
.L_simem_size_0:
called_computation.1_lowered:
.L_overlay_start_0:
0x88: {  	s2 =	sld [smem:$0x3FD9]  }
0x89: {  	s3 =	sld [smem:$0x3FFE];
	_ =	sdelay $0x1  }
0x8a: {  	s1 =	srdreg.scid  }
0x8b: {  	s0 =	sand.u32 $0x1, s1  }
0x8c: {  	s17 =	sshll.u32 s0, $0xA;
	s2 =	sadd.s32 s3, s2  }
0x8d: {  	s2 =	sadd.s32 s2, s17  }
0x8e: {  	[smem:$0x3FB6] =	sst s2  }
0x8f: {  	_ = 	snop  }
0x90: {  	s2 =	sld [smem:$0x3FD0];
	(tm) =	ssettm $0x1  }
0x91: {  	s18 =	sld [smem:$0x3FFB];
	_ =	sdelay $0x3  }
0x92: {  	_ =	strace s18  }
0x93: {  	s3 =	sld [smem:$0x3FFC];
	_ =	sdelay $0x3  }
0x94: {  	_ =	strace s3  }
0x95: {  	s3 =	sld [smem:$0x3FFD];
	_ =	sdelay $0x3  }
0x96: {  	_ =	strace s3  }
0x97: {  	_ =	strace $0x8FFFFFFF  }
0x98: {  	s19 =	sld [smem:$0x3FDB];
	_ =	sdelay $0x1  }
0x99: {  	s4 =	simm.s32 $_scs_section_size  }
0x9a: {  	s5 =	simm.s32 $_size__tile_overlayer_lowered;
	s6 =	simm.s32 $_tile_overlayer_lowered  }
0x9b: {  	s22 =	simm.s32 $0x1BFF;
	s21 =	sshll.u32 s6, $0x1;
	s3 =	sadd.s32 s4, s19  }
0x9c: {  	s7 =	simm.s32 $0x0;
	s20 =	sshll.u32 s5, $0x1;
	s5 =	sadd.s32 s21, s3  }
0x9d: {  	[timem:s7], [sflag:s22] =	dma.local [hbm:s5], s20  }
0x9e: {  	_ =	swait.ge [sflag:s22], s20  }
0x9f: {  	s4 =	ssub.s32 $0x0, s20;
	[sflag:s22] =	ssyncset.done $0x0  }
0xa0: {  	[sflag:s22] =	ssyncadd.s32 s4;
	_ =	sdelay $0x1  }
0xa1: {  	s23 =	simm.s32 $0x1B8B  }
0xa2: {  	_ =	swait.ge [sflag:s23], $0x1  }
0xa3: {  	[sflag:s23] =	ssyncset.done $0x0  }
0xa4: {  	s25 =	simm.s32 $0x1B8E;
	s24 =	sld [smem:$0x3FFE];
	[sflag:s23] =	ssyncadd.s32 $0xFFFFFFFF  }
0xa5: {  	s26 =	simm.s32 $execute0_lowered;
	[smem:$0x3FD2] =	sst s25  }
0xa6: {  	s5 =	sshll.u32 s26, $0x1;
	_ =	strace $0x80000049;
	[dreg:$0x1] =	wrdreg $0xFFFFFFFF  }
0xa7: {  	s28 =	simm.s32 $_size_execute0_lowered;
	s3 =	sadd.s32 s3, s5;
	[dreg:$0x0] =	wrdreg $0x0  }
0xa8: {  	s5 =	sshll.u32 s28, $0x1;
	[dreg:$0x2] =	wrdreg s3  }
0xa9: {  	[dreg:$0x3] =	wrdreg s5  }
0xaa: {  	[dreg:$0x4] =	wrdreg $0xC0  }
0xab: {  	_ =	task [dreg:s7], $0x5FFFF  }
0xac: {  	[dreg:$0x1] =	wrdreg $0xFFFFFFFF  }
0xad: {  	[dreg:$0x0] =	wrdreg $0x60  }
0xae: {  	[dreg:$0x2] =	wrdreg s24  }
0xaf: {  	[dreg:$0x3] =	wrdreg s2  }
0xb0: {  	[dreg:$0x4] =	wrdreg $0x1C000  }
0xb1: {  	[dreg:$0x5] =	wrdreg $0x41800  }
0xb2: {  	[dreg:$0x6] =	wrdreg $0x9  }
0xb3: {  	_ =	task.clear_ibuf [dreg:s7], $0x7FFFF;
	_ =	strace $0x90000049  }
0xb4: {  	s29 =	simm.s32 $0x9;
	_ =	strace $0x8000004B  }
0xb5: {  	_ =	swait.ge [sflag:s29], $0x1  }
0xb6: {  	[sflag:s29] =	ssyncadd.s32 $0xFFFFFFFF  }
0xb7: {  	_ =	strace $0x9000004B  }
0xb8: {  	_ =	sfence  }
0xb9: {  	s30 =	sld [smem:$0x0];
	_ =	sdelay $0x2  }
0xba: {  	s31 =	sshll.u32 s1, $0xD;
	s1 =	sshrl.u32 s1, $0x2  }
0xbb: {  	s3 =	sand.u32 $0x4000, s31;
	s1 =	sadd.s32 s1, s30  }
0xbc: {  	s0 =	sor.u32 s3, s0;
	s1 =	sshll.u32 s1, $0x11  }
0xbd: {  	s0 =	sor.u32 s1, s0  }
0xbe: {  	s0 =	sadd.s32 $0x8F2B, s0  }
0xbf: {  	[sflag:s0] =	ssyncadd.remote.s32 $0x1  }
0xc0: {  	_ =	sfence.sel $0xFFFF  }
0xc1: {  	[dreg:$0x0] =	wrdreg $0xFFFFFFFF;
	(pc) =	sbr.abs _section_cstart, $3  }
0xc2: {  	[dreg:$0x1] =	wrdreg $0xFFFFFFFF  }
0xc3: {  	_ =	task.clear_ibuf [dreg:s7], $0x2FFFF;
	_ =	strace $0x9FFFFFFF  }
0xc4: {  	(tm) =	ssettm $0x7FFFFFFF  }
0xc5: {  	_ =	shalt  }
tec
execute0_lowered:
.L_overlay_start_1:
0x0: {  	(tag) =	ssettag $0x1  }
0x1: {  	s0 =	rddreg [dreg:$0x0]  }
0x2: {  	s2 =	rddreg [dreg:$0x2]  }
0x3: {  	s3 =	rddreg [dreg:$0x3]  }
0x4: {  	s5 =	simm.s32 $0x0;
	s1 =	srdreg.scid;
	s4 =	stileid.u32  }
0x5: {  	s17 =	simm.s32 $0x3;
	s28 =	simm.s32 $0x1000;
	s31 =	simm.s32 $0x1080  }
0x6: {  	s16 =	simm.s32 $0x1200;
	s29 =	simm.s32 $0x1300;
	s14 =	simm.s32 $0xE80  }
0x7: {  	s13 =	simm.s32 $0x2;
	s15 =	simm.s32 $0x0;
	[smem:$0x7FF] =	sst s5  }
0x8: {  	s1 =	sand.u32 $0x1, s1;
	s8 =	smul.u32 $0x4B00, s4;
	s6 =	sadd.s32 $0x1BC00, s0  }
0x9: {  	s7 =	sadd.s32 $0x34400, s0;
	s10 =	sadd.s32 $0x4D400, s0;
	s11 =	smul.u32 $0x2580, s4  }
0xa: {  	s12 =	sadd.s32 $0x4D600, s0;
	s26 =	sshll.u32 s4, $0x6;
	_ =	strace $0x8000004A  }
0xb: {  	s9 =	sshll.u32 s1, $0x7;
	[dreg:$0x5] =	wrdreg s10;
	s19 =	ssub.s32 $0x2, s1  }
0xc: {  	[dreg:$0x6] =	wrdreg s12;
	s10 =	sshll.u32 s1, $0x4;
	s12 =	simm.s32 $0x1B80  }
0xd: {  	s8 =	sor.u32 s9, s8;
	s20 =	sshrl.u32 s19, $0x1;
	s22 =	sadd.s32 s11, s2  }
0xe: {  	s23 =	sadd.s32 s11, s3;
	s11 =	simm.s32 $0x1100;
	s9 =	simm.s32 $0x1180  }
0xf: {  	s8 =	sshrl.u32 s8, $0x3;
	s21 =	ssub.s32 s19, s20;
	s30 =	sshrl.u32 s23, $0x3  }
0x10: {  	s20 =	simm.s32 $0xA00;
	s23 =	simm.s32 $0xF00;
	s19 =	simm.s32 $0x1280  }
.Ltmp0:
0x11: {  	s0 =	sadd.s32 s8, s0;
	s25 =	smax.u32 s21, $0x1;
	(pc) =	sbr.rel .LBB2_1-.Ltmp0, $4  }
0x12: {  	s21 =	simm.s32 $0x1;
	s8 =	simm.s32 $0x1380;
	s24 =	sadd.s32 $0x4DC00, s0  }
0x13: {  	s0 =	sadd.s32 $0x57200, s0;
	[dreg:$0x9] =	wrdreg s25;
	s25 =	sor.u32 $0x1C03, s26  }
0x14: {  	s26 =	sshrl.u32 s22, $0x3;
	s22 =	simm.s32 $0x80;
	[dreg:$0x7] =	wrdreg s24  }
0x15: {  	[dreg:$0x8] =	wrdreg s0;
	s24 =	simm.s32 $0xF80;
	s0 =	simm.s32 $0x1B00  }
.LBB2_7:
0x16: {  	[bflag:$0x0] =	sbarrier.arrive $0xFFFF;
	s15 =	simm.s32 $0x20  }
0x17: {  	s18 =	simm.s32 $0x10;
	s17 =	simm.s32 $0x3;
	s1 =	rddreg [dreg:$0x7]  }
0x18: {  	[hbm:s1@s15], [sflag:s25] =	dma.strided [spmem:s26@s18], $0x4B0, s21, $0x10   }
0x19: {  	_ =	swait.ge [sflag:s17], $0x4B0  }
0x1a: {  	[sflag:s17] =	ssyncset.done $0x0  }
0x1b: {  	s1 =	rddreg [dreg:$0x8];
	[sflag:s17] =	ssyncadd.s32 $0xFFFFFB50  }
0x1c: {  	[hbm:s1@s15], [sflag:s25] =	dma.strided [spmem:s30@s18], $0x4B0, s21, $0x10   }
0x1d: {  	_ =	swait.ge [sflag:s17], $0x4B0  }
0x1e: {  	s1 =	rddreg [dreg:$0xa]  }
0x1f: {  	s18 =	rddreg [dreg:$0x9];
	s15 =	sadd.s32 $0x1, s1  }
0x20: {  	p0 =	sne.s32 s15, s18  }
.Ltmp1:
0x21: {  	_ = 	snop;
	(pc) =	sbr.rel @!p0 .LBB2_8-.Ltmp1, $3  }
0x22: {  	_ =	sdelay $0x1  }
0x23: {  	[sflag:s17] =	ssyncset.done $0x0  }
0x24: {  	[sflag:s17] =	ssyncadd.s32 $0xFFFFFB50  }
.LBB2_1:
0x25: {  	[dreg:$0xa] =	wrdreg s15  }
0x26: {  	s1 =	rddreg [dreg:$0x5];
	s18 =	simm.s32 $0x1700  }
0x27: {  	[tilespmem:s18], [sflag:$0x3] =	stream.linear.gather [hbm4b:s1+s5], $0x500, $0x38;
	[tilespmem:$0x6700] =	vst v63  }
0x28: {  	_ =	swait.ge [sflag:s17], $0x500  }
0x29: {  	[sflag:s17] =	ssyncset.done $0x0  }
0x2a: {  	s18 =	rddreg [dreg:$0x6];
	[sflag:s17] =	ssyncadd.s32 $0xFFFFFB00  }
0x2b: {  	[spmem:s26], [sflag:s25] =	dma.local [hbm:s18], $0x4B0  }
0x2c: {  	_ =	swait.ge [sflag:s17], $0x4B0  }
0x2d: {  	[sflag:s17] =	ssyncset.done $0x0  }
0x2e: {  	[sflag:s17] =	ssyncadd.s32 $0xFFFFFB50  }
0x2f: {  	[spmem:s30], [sflag:s25] =	dma.local [hbm:s18], $0x4B0  }
.Ltmp2:
0x30: {  	_ =	swait.ge [sflag:s17], $0x4B0;
	(pc) =	sbr.rel .LBB2_2-.Ltmp2, $4  }
0x31: {  	[sflag:s17] =	ssyncset.done $0x0  }
0x32: {  	[sflag:s17] =	ssyncadd.s32 $0xFFFFFB50  }
0x33: {  	[bflag:$0x0] =	sbarrier.arrive $0xFFFF  }
0x34: {  	s17 =	simm.s32 $0x0  }
.LBB2_6:
0x35: {  	s17 =	sadd.s32 $0x1, s17  }
0x36: {  	p0 =	sne.s32 s17, $0x14  }
.Ltmp3:
0x37: {  	_ = 	snop;
	(pc) =	sbr.rel @!p0 .LBB2_7-.Ltmp3, $1  }
0x38: {  	_ =	sdelay $0x3  }
.LBB2_2:
0x39: {  	s1 =	sshll.u32 s17, $0x5  }
0x3a: {  	s1 =	sor.u32 s1, s10  }
0x3b: {  	s1 =	sor.u32 s4, s1  }
0x3c: {  	p0 =	sgt.u32 s1, $0x270  }
.Ltmp4:
0x3d: {  	_ = 	snop;
	(pc) =	sbr.rel @p0 .LBB2_6-.Ltmp4, $1  }
0x3e: {  	_ =	sdelay $0x3  }
0x3f: {  	s1 =	smul.u32 $0xA0, s1;
	_ =	sdelay $0x1  }
0x40: {  	s15 =	sadd.s32 s6, s1  }
0x41: {  	[tilespmem:s5], [sflag:$0x1] =	stream.linear.gather [hbm4b:s15+s5], $0x500, $0x38;
	[tilespmem:$0x6700] =	vst v63  }
0x42: {  	s18 =	simm.s32 $0x500;
	s15 =	sadd.s32 s7, s1  }
0x43: {  	[tilespmem:s18], [sflag:$0x1] =	stream.linear.gather [hbm4b:s15+s5], $0x500, $0x38;
	[tilespmem:$0x6700] =	vst v63  }
0x44: {  	s18 =	rddreg [dreg:$0x1]  }
0x45: {  	s1 =	sadd.s32 s18, s1  }
0x46: {  	[tilespmem:s20], [sflag:$0x1] =	stream.linear.gather [hbm4b:s1+s5], $0x500, $0x38;
	[tilespmem:$0x6700] =	vst v63  }
0x47: {  	_ =	swait.ge [sflag:s21], $0x500  }
0x48: {  	[sflag:s21] =	ssyncset.done $0x0  }
0x49: {  	[sflag:s21] =	ssyncadd.s32 $0xFFFFFB00  }
0x4a: {  	_ =	swait.ge [sflag:s21], $0x500  }
0x4b: {  	[sflag:s21] =	ssyncset.done $0x0  }
0x4c: {  	[sflag:s21] =	ssyncadd.s32 $0xFFFFFB00  }
0x4d: {  	_ =	swait.ge [sflag:s21], $0x500  }
0x4e: {  	[sflag:s21] =	ssyncset.done $0x0  }
0x4f: {  	s18 =	simm.s32 $0x70;
	[sflag:s21] =	ssyncadd.s32 $0xFFFFFB00  }
0x50: {  	v0 =	vld [tilespmem:s18+$0x0]  }
0x51: {  	v1 =	vld [tilespmem:s18+$0xFFFFFF90]  }
0x52: {  	v2 =	vld [tilespmem:s18+$0x500]  }
0x53: {  	v3 =	vld [tilespmem:s18+$0xFFFFFFA0]  }
0x54: {  	v4 =	vld [tilespmem:s18+$0xFFFFFFB0]  }
0x55: {  	v6 =	vld [tilespmem:s18+$0xFFFFFFC0]  }
0x56: {  	v9 =	vld [tilespmem:s18+$0xFFFFFFD0];
	v0 =	vmul.u32 $0x3, v0  }
0x57: {  	v10 =	vld [tilespmem:s18+$0xFFFFFFE0]  }
0x58: {  	v11 =	vld [tilespmem:s18+$0xFFFFFFF0];
	v0 =	vadd.s32 v2, v0  }
0x59: {  	[tilespmem:s18+$0xF00] =	vst v0;
	v0 =	vld [tilespmem:s18+$0x490]  }
0x5a: {  	v12 =	vld [tilespmem:s18+$0x4A0]  }
0x5b: {  	v7 =	vld [tilespmem:s18+$0x4B0]  }
0x5c: {  	v5 =	vld [tilespmem:s18+$0x4C0];
	v1 =	vmul.u32 $0x3, v1  }
0x5d: {  	v13 =	vmul.u32 $0x3, v3;
	v8 =	vmul.u32 $0x3, v4;
	v2 =	vld [tilespmem:s18+$0x4D0]  }
0x5e: {  	v3 =	vld [tilespmem:s18+$0x4E0];
	v6 =	vmul.u32 $0x3, v6;
	v4 =	vmul.u32 $0x3, v9;
	v0 =	vadd.s32 v0, v1  }
0x5f: {  	s15 =	simm.s32 $0x5C0;
	s1 =	simm.s32 $0xF0;
	v9 =	vld [tilespmem:s18+$0x4F0];
	v1 =	vmul.u32 $0x3, v10;
	v10 =	vadd.s32 v12, v13;
	[tilespmem:s18+$0xE90] =	vst v0;
	v0 =	vmul.u32 $0x3, v11  }
.LBB2_4:
0x60: {  	p0 =	sne.s32 s15, $0x13C0;
	v11 =	vld [tilespmem:s1+$0x0];
	[tilespmem:s18+$0xEA0] =	vst v10;
	v7 =	vadd.s32 v7, v8  }
0x61: {  	v8 =	vld [tilespmem:s1+$0xFFFFFF90];
	[tilespmem:s18+$0xEB0] =	vst v7;
	v5 =	vadd.s32 v5, v6  }
0x62: {  	v6 =	vld [tilespmem:s1+$0x500];
	[tilespmem:s18+$0xEC0] =	vst v5;
	v2 =	vadd.s32 v2, v4  }
0x63: {  	v4 =	vld [tilespmem:s1+$0xFFFFFFA0];
	[tilespmem:s18+$0xED0] =	vst v2;
	v1 =	vadd.s32 v3, v1  }
0x64: {  	v2 =	vld [tilespmem:s1+$0xFFFFFFB0];
	[tilespmem:s18+$0xEE0] =	vst v1;
	v0 =	vadd.s32 v9, v0  }
0x65: {  	v1 =	vld [tilespmem:s1+$0xFFFFFFC0];
	v3 =	vmul.u32 $0x3, v11;
	[tilespmem:s18+$0xEF0] =	vst v0;
	s18 =	smov.u32 s1  }
0x66: {  	v9 =	vmul.u32 $0x3, v8;
	v0 =	vld [tilespmem:s18+$0xFFFFFFD0]  }
0x67: {  	v10 =	vld [tilespmem:s18+$0xFFFFFFE0];
	v3 =	vadd.s32 v6, v3  }
0x68: {  	v11 =	vmul.u32 $0x3, v4;
	v12 =	vld [tilespmem:s18+$0xFFFFFFF0];
	[tilespmem:s18+$0xF00] =	vst v3  }
0x69: {  	v3 =	vld [tilespmem:s18+$0x490];
	v8 =	vmul.u32 $0x3, v2  }
0x6a: {  	v13 =	vld [tilespmem:s18+$0x4A0];
	v6 =	vmul.u32 $0x3, v1  }
.Ltmp5:
0x6b: {  	v7 =	vld [tilespmem:s18+$0x4B0];
	v4 =	vmul.u32 $0x3, v0;
	(pc) =	sbr.rel @p0 .LBB2_4-.Ltmp5, $4  }
0x6c: {  	v5 =	vld [tilespmem:s18+$0x4C0];
	v1 =	vmul.u32 $0x3, v10  }
0x6d: {  	v2 =	vld [tilespmem:s18+$0x4D0];
	v0 =	vmul.u32 $0x3, v12  }
0x6e: {  	v9 =	vadd.s32 v3, v9;
	v3 =	vld [tilespmem:s18+$0x4E0]  }
0x6f: {  	s1 =	sshra.s32 s15, $0x2;
	s15 =	sadd.s32 $0x200, s15;
	[tilespmem:s18+$0xE90] =	vst v9;
	v10 =	vadd.s32 v13, v11;
	v9 =	vld [tilespmem:s18+$0x4F0]  }
0x70: {  	v11 =	vld [tilespmem:s1+$0x0];
	[tilespmem:s18+$0xEA0] =	vst v10;
	v7 =	vadd.s32 v7, v8  }
0x71: {  	v45 =	vld [tilespmem:s1+$0xFFFFFF90];
	[tilespmem:s18+$0xEB0] =	vst v7;
	v5 =	vadd.s32 v5, v6  }
0x72: {  	v46 =	vld [tilespmem:s1+$0x500];
	[tilespmem:s18+$0xEC0] =	vst v5;
	v2 =	vadd.s32 v2, v4  }
0x73: {  	v47 =	vld [tilespmem:s1+$0xFFFFFFA0];
	[tilespmem:s18+$0xED0] =	vst v2;
	v1 =	vadd.s32 v3, v1  }
0x74: {  	v2 =	vld [tilespmem:s1+$0xFFFFFFB0];
	[tilespmem:s18+$0xEE0] =	vst v1;
	v0 =	vadd.s32 v9, v0  }
0x75: {  	v1 =	vld [tilespmem:s1+$0xFFFFFFC0];
	[tilespmem:s18+$0xEF0] =	vst v0  }
0x76: {  	v49 =	vld [tilespmem:s1+$0xFFFFFFD0]  }
0x77: {  	v5 =	vld [tilespmem:s1+$0xFFFFFFE0]  }
0x78: {  	v50 =	vld [tilespmem:s1+$0xFFFFFFF0]  }
0x79: {  	v51 =	vld [tilespmem:s1+$0x490]  }
0x7a: {  	v7 =	vld [tilespmem:s1+$0x4A0]  }
0x7b: {  	v48 =	vmul.u32 $0x3, v11;
	v52 =	vld [tilespmem:s1+$0x4B0]  }
0x7c: {  	v8 =	vmul.u32 $0x3, v45;
	v10 =	vld [tilespmem:s1+$0x4C0]  }
0x7d: {  	v53 =	vld [tilespmem:s1+$0x4D0];
	v0 =	vadd.s32 v46, v48;
	v4 =	vmul.u32 $0x3, v47  }
0x7e: {  	v54 =	vld [tilespmem:s1+$0x4E0];
	[tilespmem:s1+$0xF00] =	vst v0;
	v2 =	vmul.u32 $0x3, v2;
	v0 =	vadd.s32 v51, v8  }
0x7f: {  	v57 =	vld [tilespmem:s1+$0x4F0];
	v55 =	vmul.u32 $0x3, v1;
	v56 =	vadd.s32 v7, v4;
	[tilespmem:s1+$0xE90] =	vst v0  }
0x80: {  	v3 =	vmul.u32 $0x3, v49;
	v58 =	vadd.s32 v52, v2;
	[tilespmem:s1+$0xEA0] =	vst v56  }
0x81: {  	v59 =	vmul.u32 $0x3, v5;
	[tilespmem:s1+$0xEB0] =	vst v58;
	v0 =	vadd.s32 v10, v55  }
0x82: {  	v60 =	vmul.u32 $0x3, v50;
	[tilespmem:s1+$0xEC0] =	vst v0;
	v61 =	vadd.s32 v53, v3  }
0x83: {  	v62 =	vadd.s32 v54, v59;
	[tilespmem:s1+$0xED0] =	vst v61  }
0x84: {  	v63 =	vadd.s32 v57, v60;
	[tilespmem:s1+$0xEE0] =	vst v62  }
0x85: {  	[tilespmem:s1+$0xEF0] =	vst v63  }
0x86: {  	[spmem:s2] =	stream.indirect.scatter.add.f32 [tilespmem:s20], [sflag:$0x2], $0x1, s23, s22, $0xb8;
	[tilespmem:$0x6700] =	vst v63  }
0x87: {  	s15 =	simm.s32 $0x1700  }
0x88: {  	[spmem:s3] =	stream.indirect.scatter.add.f32 [tilespmem:s15], [sflag:$0x2], $0x1, s23, s22, $0xb8;
	[tilespmem:$0x6700] =	vst v63  }
0x89: {  	s18 =	simm.s32 $0xA80  }
0x8a: {  	[spmem:s2] =	stream.indirect.scatter.add.f32 [tilespmem:s18], [sflag:$0x2], $0x1, s24, s22, $0xb8;
	[tilespmem:$0x6700] =	vst v63  }
0x8b: {  	s15 =	simm.s32 $0x1780  }
0x8c: {  	[spmem:s3] =	stream.indirect.scatter.add.f32 [tilespmem:s15], [sflag:$0x2], $0x1, s24, s22, $0xb8;
	[tilespmem:$0x6700] =	vst v63  }
0x8d: {  	s18 =	simm.s32 $0xB00  }
0x8e: {  	[spmem:s2] =	stream.indirect.scatter.add.f32 [tilespmem:s18], [sflag:$0x2], $0x1, s28, s22, $0xb8;
	[tilespmem:$0x6700] =	vst v63  }
0x8f: {  	s15 =	simm.s32 $0x1800  }
0x90: {  	[spmem:s3] =	stream.indirect.scatter.add.f32 [tilespmem:s15], [sflag:$0x2], $0x1, s28, s22, $0xb8;
	[tilespmem:$0x6700] =	vst v63  }
0x91: {  	s18 =	simm.s32 $0xB80  }
0x92: {  	[spmem:s2] =	stream.indirect.scatter.add.f32 [tilespmem:s18], [sflag:$0x2], $0x1, s31, s22, $0xb8;
	[tilespmem:$0x6700] =	vst v63  }
0x93: {  	s15 =	simm.s32 $0x1880  }
0x94: {  	[spmem:s3] =	stream.indirect.scatter.add.f32 [tilespmem:s15], [sflag:$0x2], $0x1, s31, s22, $0xb8;
	[tilespmem:$0x6700] =	vst v63  }
0x95: {  	s18 =	simm.s32 $0xC00  }
0x96: {  	[spmem:s2] =	stream.indirect.scatter.add.f32 [tilespmem:s18], [sflag:$0x2], $0x1, s11, s22, $0xb8;
	[tilespmem:$0x6700] =	vst v63  }
0x97: {  	s15 =	simm.s32 $0x1900  }
0x98: {  	[spmem:s3] =	stream.indirect.scatter.add.f32 [tilespmem:s15], [sflag:$0x2], $0x1, s11, s22, $0xb8;
	[tilespmem:$0x6700] =	vst v63  }
0x99: {  	s18 =	simm.s32 $0xC80  }
0x9a: {  	[spmem:s2] =	stream.indirect.scatter.add.f32 [tilespmem:s18], [sflag:$0x2], $0x1, s9, s22, $0xb8;
	[tilespmem:$0x6700] =	vst v63  }
0x9b: {  	s15 =	simm.s32 $0x1980  }
0x9c: {  	[spmem:s3] =	stream.indirect.scatter.add.f32 [tilespmem:s15], [sflag:$0x2], $0x1, s9, s22, $0xb8;
	[tilespmem:$0x6700] =	vst v63  }
0x9d: {  	s18 =	simm.s32 $0xD00  }
0x9e: {  	[spmem:s2] =	stream.indirect.scatter.add.f32 [tilespmem:s18], [sflag:$0x2], $0x1, s16, s22, $0xb8;
	[tilespmem:$0x6700] =	vst v63  }
0x9f: {  	s15 =	simm.s32 $0x1A00  }
0xa0: {  	[spmem:s3] =	stream.indirect.scatter.add.f32 [tilespmem:s15], [sflag:$0x2], $0x1, s16, s22, $0xb8;
	[tilespmem:$0x6700] =	vst v63  }
0xa1: {  	s18 =	simm.s32 $0xD80  }
0xa2: {  	[spmem:s2] =	stream.indirect.scatter.add.f32 [tilespmem:s18], [sflag:$0x2], $0x1, s19, s22, $0xb8;
	[tilespmem:$0x6700] =	vst v63  }
0xa3: {  	s15 =	simm.s32 $0x1A80  }
0xa4: {  	[spmem:s3] =	stream.indirect.scatter.add.f32 [tilespmem:s15], [sflag:$0x2], $0x1, s19, s22, $0xb8;
	[tilespmem:$0x6700] =	vst v63  }
0xa5: {  	s18 =	simm.s32 $0xE00  }
0xa6: {  	[spmem:s2] =	stream.indirect.scatter.add.f32 [tilespmem:s18], [sflag:$0x2], $0x1, s29, s22, $0xb8;
	[tilespmem:$0x6700] =	vst v63  }
0xa7: {  	_ = 	snop  }
0xa8: {  	[spmem:s3] =	stream.indirect.scatter.add.f32 [tilespmem:s0], [sflag:$0x2], $0x1, s29, s22, $0xb8;
	[tilespmem:$0x6700] =	vst v63  }
0xa9: {  	_ = 	snop  }
0xaa: {  	[spmem:s2] =	stream.indirect.scatter.add.f32 [tilespmem:s14], [sflag:$0x2], $0x1, s8, s22, $0xb8;
	[tilespmem:$0x6700] =	vst v63  }
0xab: {  	_ = 	snop  }
0xac: {  	[spmem:s3] =	stream.indirect.scatter.add.f32 [tilespmem:s12], [sflag:$0x2], $0x1, s8, s22, $0xb8;
	[tilespmem:$0x6700] =	vst v63  }
0xad: {  	_ =	swait.ge [sflag:s13], $0x80  }
0xae: {  	[sflag:s13] =	ssyncset.done $0x0  }
0xaf: {  	[sflag:s13] =	ssyncadd.s32 $0xFFFFFF80  }
0xb0: {  	_ =	swait.ge [sflag:s13], $0x80  }
0xb1: {  	[sflag:s13] =	ssyncset.done $0x0  }
0xb2: {  	[sflag:s13] =	ssyncadd.s32 $0xFFFFFF80  }
0xb3: {  	_ =	swait.ge [sflag:s13], $0x80  }
0xb4: {  	[sflag:s13] =	ssyncset.done $0x0  }
0xb5: {  	[sflag:s13] =	ssyncadd.s32 $0xFFFFFF80  }
0xb6: {  	_ =	swait.ge [sflag:s13], $0x80  }
0xb7: {  	[sflag:s13] =	ssyncset.done $0x0  }
0xb8: {  	[sflag:s13] =	ssyncadd.s32 $0xFFFFFF80  }
0xb9: {  	_ =	swait.ge [sflag:s13], $0x80  }
0xba: {  	[sflag:s13] =	ssyncset.done $0x0  }
0xbb: {  	[sflag:s13] =	ssyncadd.s32 $0xFFFFFF80  }
0xbc: {  	_ =	swait.ge [sflag:s13], $0x80  }
0xbd: {  	[sflag:s13] =	ssyncset.done $0x0  }
0xbe: {  	[sflag:s13] =	ssyncadd.s32 $0xFFFFFF80  }
0xbf: {  	_ =	swait.ge [sflag:s13], $0x80  }
0xc0: {  	[sflag:s13] =	ssyncset.done $0x0  }
0xc1: {  	[sflag:s13] =	ssyncadd.s32 $0xFFFFFF80  }
0xc2: {  	_ =	swait.ge [sflag:s13], $0x80  }
0xc3: {  	[sflag:s13] =	ssyncset.done $0x0  }
0xc4: {  	[sflag:s13] =	ssyncadd.s32 $0xFFFFFF80  }
0xc5: {  	_ =	swait.ge [sflag:s13], $0x80  }
0xc6: {  	[sflag:s13] =	ssyncset.done $0x0  }
0xc7: {  	[sflag:s13] =	ssyncadd.s32 $0xFFFFFF80  }
0xc8: {  	_ =	swait.ge [sflag:s13], $0x80  }
0xc9: {  	[sflag:s13] =	ssyncset.done $0x0  }
0xca: {  	[sflag:s13] =	ssyncadd.s32 $0xFFFFFF80  }
0xcb: {  	_ =	swait.ge [sflag:s13], $0x80  }
0xcc: {  	[sflag:s13] =	ssyncset.done $0x0  }
0xcd: {  	[sflag:s13] =	ssyncadd.s32 $0xFFFFFF80  }
0xce: {  	_ =	swait.ge [sflag:s13], $0x80  }
0xcf: {  	[sflag:s13] =	ssyncset.done $0x0  }
0xd0: {  	[sflag:s13] =	ssyncadd.s32 $0xFFFFFF80  }
0xd1: {  	_ =	swait.ge [sflag:s13], $0x80  }
0xd2: {  	[sflag:s13] =	ssyncset.done $0x0  }
0xd3: {  	[sflag:s13] =	ssyncadd.s32 $0xFFFFFF80  }
0xd4: {  	_ =	swait.ge [sflag:s13], $0x80  }
0xd5: {  	[sflag:s13] =	ssyncset.done $0x0  }
0xd6: {  	[sflag:s13] =	ssyncadd.s32 $0xFFFFFF80  }
0xd7: {  	_ =	swait.ge [sflag:s13], $0x80  }
0xd8: {  	[sflag:s13] =	ssyncset.done $0x0  }
0xd9: {  	[sflag:s13] =	ssyncadd.s32 $0xFFFFFF80  }
0xda: {  	_ =	swait.ge [sflag:s13], $0x80  }
0xdb: {  	[sflag:s13] =	ssyncset.done $0x0  }
0xdc: {  	[sflag:s13] =	ssyncadd.s32 $0xFFFFFF80  }
0xdd: {  	_ =	swait.ge [sflag:s13], $0x80  }
0xde: {  	[sflag:s13] =	ssyncset.done $0x0  }
0xdf: {  	[sflag:s13] =	ssyncadd.s32 $0xFFFFFF80  }
0xe0: {  	_ =	swait.ge [sflag:s13], $0x80  }
0xe1: {  	[sflag:s13] =	ssyncset.done $0x0  }
0xe2: {  	[sflag:s13] =	ssyncadd.s32 $0xFFFFFF80  }
0xe3: {  	_ =	swait.ge [sflag:s13], $0x80  }
.Ltmp6:
0xe4: {  	[sflag:s13] =	ssyncset.done $0x0;
	(pc) =	sbr.rel .LBB2_6-.Ltmp6, $4  }
0xe5: {  	[sflag:s13] =	ssyncadd.s32 $0xFFFFFF80  }
0xe6: {  	_ =	swait.ge [sflag:s13], $0x80  }
0xe7: {  	[sflag:s13] =	ssyncset.done $0x0  }
0xe8: {  	[sflag:s13] =	ssyncadd.s32 $0xFFFFFF80  }
.LBB2_8:
0xe9: {  	_ =	sfence.sel $0x180000  }
0xea: {  	[bflag:$0x0] =	sbarrier.arrive $0xFFFF  }
0xeb: {  	_ =	strace $0x9000004A  }
0xec: {  	[bflag:$0x2] =	sbarrier.arrive $0xFFFF  }
0xed: {  	p0 =	sne.s32 s4, $0x0;
	s0 =	rddreg [dreg:$0x4]  }
0xee: {  	s0 =	sadd.s32 @!p0 $0x100000, s0  }
0xef: {  	[sflag:s0] =	ssyncadd.tile.s32 @!p0 $0x1;
	_ =	shalt  }
.Lfunc_end2:
_tile_overlayer_lowered:
.L_overlay_start_2:
0xf0: {  	(tag) =	ssettag $0x2  }
0xf1: {  	s0 =	rddreg [dreg:$0x0];
	s2 =	stileid.u32  }
0xf2: {  	s1 =	rddreg [dreg:$0x1];
	p0 =	sne.s32 s2, $0x0  }
0xf3: {  	s3 =	rddreg [dreg:$0x2];
	[bflag:$0x3] =	sbarrier.arrive $0xFFFF;
	s2 =	simm.s32 @!p0 $0x1C03  }
0xf4: {  	[timem:s3], [sflag:s2] =	dma.local @!p0 [hbm:s0], s1  }
0xf5: {  	s0 =	simm.s32 @!p0 $0x3  }
0xf6: {  	_ =	swait.ge @!p0 [sflag:s0], s1  }
0xf7: {  	s1 =	ssub.s32 @!p0 $0x0, s1;
	[sflag:s0] =	ssyncset.done @!p0 $0x0  }
0xf8: {  	[sflag:s0] =	ssyncadd.s32 @!p0 s1  }
0xf9: {  	[bflag:$0x3] =	sbarrier.arrive $0xFFFF  }
0xfa: {  	_ =	shalt  }

// kernel: kernel.14.cloned.1.call-start
scs
__scs_entry_jumppad:
0x0: {  	(pc) =	sbr.rel $0x88, $3  }
0x1: {  	(tag) =	ssettag $0x0;
	lr =	simm.s32 $0x1  }
0x2: {  	[smem:$0x3F8F] =	sst lr;
	_ =	strace $0xD0000000  }
0x3: {  	_ = 	snop  }
0x4: {  	_ = 	snop  }
0x5: {  	_ = 	snop  }
0x6: {  	_ = 	snop  }
0x7: {  	_ = 	snop  }
__scs_overlays_trampoline_lowered:
0x8: {  	[smem:$0x3F9E] =	sst s0  }
0x9: {  	[smem:$0x3F9F] =	sst s1  }
0xa: {  	[smem:$0x3FA0] =	sst s2  }
0xb: {  	[smem:$0x3FA1] =	sst s3  }
0xc: {  	[smem:$0x3FA2] =	sst s4  }
0xd: {  	[smem:$0x3FA3] =	sst s5  }
0xe: {  	[smem:$0x3FA4] =	sst s6  }
0xf: {  	[smem:$0x3FA5] =	sst s7  }
0x10: {  	[smem:$0x3FA6] =	sst s8  }
0x11: {  	[smem:$0x3FA7] =	sst s9;
	s0 =	simm.s32 @!p0 $0x0  }
0x12: {  	s1 =	sld [smem:$0x3F8D];
	s0 =	simm.s32 @p0 $0x1  }
0x13: {  	[smem:$0x3FA8] =	sst s0;
	s0 =	simm.s32 @!p1 $0x0  }
0x14: {  	s2 =	sld [smem:$0x3F8C];
	s0 =	simm.s32 @p1 $0x1  }
0x15: {  	[smem:$0x3FA9] =	sst s0;
	s0 =	simm.s32 @!p2 $0x0  }
0x16: {  	s3 =	sld [smem:$0x3FDB];
	s0 =	simm.s32 @p2 $0x1  }
0x17: {  	s4 =	simm.s32 $0x1BF5;
	[smem:$0x3FAB] =	sst s0  }
0x18: {  	s0 =	sld [smem:$0x3F8E];
	_ =	swait.ge [sflag:s4], $0x0  }
0x19: {  	s7 =	sld [smem:$0x3F8F]  }
0x1a: {  	s8 =	sadd.s32 $0xFFFFE003, lr  }
0x1b: {  	s9 =	sadd.s32 $0xFFFFFEF7, lr;
	s5 =	simm.s32 $0xFFFFFFFF;
	p2 =	slt.u32 s8, $0xFFFFF086  }
0x1c: {  	p1 =	slt.u32 s9, $0xF7A;
	s5 =	simm.s32 @!p2 $0x0  }
0x1d: {  	s5 =	simm.s32 @p1 $0x1;
	p0 =	seq.s32 s7, s2  }
0x1e: {  	s7 =	smul.u32 @!p0 $0xF7A, s2;
	p2 =	seq.s32 @!p0 s5, $0x0  }
0x1f: {  	s9 =	smul.u32 $0xF7A, s1;
	s8 =	simm.s32 @!p0 $0x1BF5;
	p2 =	por !p2, p0  }
0x20: {  	[sflag:s8] =	ssyncset.s32 @!p0 $0xFFFFF086;
	s6 =	sadd.s32 @!p0 s3, s7;
	s7 =	simm.s32 @!p0 $0x108  }
0x21: {  	s3 =	sadd.s32 s3, s9;
	s6 =	sadd.s32 @!p0 $0x88, s6;
	s7 =	simm.s32 @p2 $0x1082  }
0x22: {  	[simem:s7], [sflag:s8] =	dma.local @!p0 [hbm:s6], $0xF7A  }
0x23: {  	s9 =	sor.u32 $0xD0000000, s2;
	s6 =	simm.s32 $0x108;
	_ =	swait.ge @!p0 [sflag:s8], $0x0  }
0x24: {  	s3 =	sadd.s32 $0x88, s3;
	s6 =	simm.s32 @!p1 $0x1082;
	[sflag:s4] =	ssyncset.s32 $0xFFFFF086  }
0x25: {  	[simem:s6], [sflag:s4] =	dma.local [hbm:s3], $0xF7A  }
0x26: {  	[smem:$0x3F8F] =	sst s1;
	(tag) =	ssettag s2;
	_ =	strace s9  }
0x27: {  	s1 =	sld [smem:$0x3F9F]  }
0x28: {  	s2 =	sld [smem:$0x3FA0]  }
0x29: {  	s4 =	sld [smem:$0x3FA2]  }
0x2a: {  	p0 =	seq.s32 s5, $0x0;
	s5 =	sld [smem:$0x3FA3]  }
0x2b: {  	s6 =	sld [smem:$0x3FA4]  }
0x2c: {  	s7 =	sld [smem:$0x3FA5]  }
0x2d: {  	s3 =	simm.s32 $0x108;
	s8 =	sld [smem:$0x3FA6]  }
0x2e: {  	s3 =	simm.s32 @!p0 $0x1082;
	s9 =	sld [smem:$0x3FA7]  }
0x2f: {  	lr =	sadd.s32 s0, s3;
	s0 =	sld [smem:$0x3F9E]  }
0x30: {  	s3 =	sld [smem:$0x3FA1]  }
0x31: {  	[smem:$0x3FAA] =	sst s10  }
0x32: {  	s10 =	sld [smem:$0x3FA8];
	_ =	sdelay $0x3  }
0x33: {  	p0 =	seq.s32 s10, $0x1;
	s10 =	sld [smem:$0x3FAA];
	_ =	sdelay $0x3  }
0x34: {  	[smem:$0x3FAA] =	sst s10  }
0x35: {  	s10 =	sld [smem:$0x3FA9];
	_ =	sdelay $0x3  }
0x36: {  	p1 =	seq.s32 s10, $0x1;
	s10 =	sld [smem:$0x3FAA];
	_ =	sdelay $0x3  }
0x37: {  	[smem:$0x3FAA] =	sst s10  }
0x38: {  	s10 =	sld [smem:$0x3FAB]  }
0x39: {  	_ = 	snop;
	(pc) =	sbr.ind lr, $3  }
0x3a: {  	_ = 	snop  }
0x3b: {  	_ = 	snop  }
0x3c: {  	p2 =	seq.s32 s10, $0x1;
	s10 =	sld [smem:$0x3FAA]  }
0x3d: {  	_ =	shalt  }
0x3e: {  	_ =	shalt  }
0x3f: {  	_ =	shalt  }
0x40: {  	_ =	shalt  }
0x41: {  	_ =	shalt  }
0x42: {  	_ =	shalt  }
0x43: {  	_ =	shalt  }
0x44: {  	_ =	shalt  }
0x45: {  	_ =	shalt  }
0x46: {  	_ =	shalt  }
0x47: {  	_ =	shalt  }
0x48: {  	_ =	shalt  }
0x49: {  	_ =	shalt  }
0x4a: {  	_ =	shalt  }
0x4b: {  	_ =	shalt  }
0x4c: {  	_ =	shalt  }
0x4d: {  	_ =	shalt  }
0x4e: {  	_ =	shalt  }
0x4f: {  	_ =	shalt  }
0x50: {  	_ =	shalt  }
0x51: {  	_ =	shalt  }
0x52: {  	_ =	shalt  }
0x53: {  	_ =	shalt  }
0x54: {  	_ =	shalt  }
0x55: {  	_ =	shalt  }
0x56: {  	_ =	shalt  }
0x57: {  	_ =	shalt  }
0x58: {  	_ =	shalt  }
0x59: {  	_ =	shalt  }
0x5a: {  	_ =	shalt  }
0x5b: {  	_ =	shalt  }
0x5c: {  	_ =	shalt  }
0x5d: {  	_ =	shalt  }
0x5e: {  	_ =	shalt  }
0x5f: {  	_ =	shalt  }
0x60: {  	_ =	shalt  }
0x61: {  	_ =	shalt  }
0x62: {  	_ =	shalt  }
0x63: {  	_ =	shalt  }
0x64: {  	_ =	shalt  }
0x65: {  	_ =	shalt  }
0x66: {  	_ =	shalt  }
0x67: {  	_ =	shalt  }
0x68: {  	_ =	shalt  }
0x69: {  	_ =	shalt  }
0x6a: {  	_ =	shalt  }
0x6b: {  	_ =	shalt  }
0x6c: {  	_ =	shalt  }
0x6d: {  	_ =	shalt  }
0x6e: {  	_ =	shalt  }
0x6f: {  	_ =	shalt  }
0x70: {  	_ =	shalt  }
0x71: {  	_ =	shalt  }
0x72: {  	_ =	shalt  }
0x73: {  	_ =	shalt  }
0x74: {  	_ =	shalt  }
0x75: {  	_ =	shalt  }
0x76: {  	_ =	shalt  }
0x77: {  	_ =	shalt  }
0x78: {  	_ =	shalt  }
0x79: {  	_ =	shalt  }
0x7a: {  	_ =	shalt  }
0x7b: {  	_ =	shalt  }
0x7c: {  	_ =	shalt  }
0x7d: {  	_ =	shalt  }
0x7e: {  	_ =	shalt  }
0x7f: {  	_ =	shalt  }
0x80: {  	_ =	shalt  }
0x81: {  	_ =	shalt  }
0x82: {  	_ =	shalt  }
0x83: {  	_ =	shalt  }
0x84: {  	_ =	shalt  }
0x85: {  	_ =	shalt  }
0x86: {  	_ =	shalt  }
0x87: {  	_ =	shalt  }
.Lfunc_end0:
.L_simem_size_0:
called_computation.2_lowered:
.L_overlay_start_0:
0x88: {  	s2 =	sld [smem:$0x3FD9]  }
0x89: {  	s3 =	sld [smem:$0x3FFE];
	_ =	sdelay $0x1  }
0x8a: {  	s1 =	srdreg.scid  }
0x8b: {  	s0 =	sand.u32 $0x1, s1  }
0x8c: {  	s17 =	sshll.u32 s0, $0xA;
	s2 =	sadd.s32 s3, s2  }
0x8d: {  	s2 =	sadd.s32 s2, s17  }
0x8e: {  	[smem:$0x3FB6] =	sst s2  }
0x8f: {  	_ = 	snop  }
0x90: {  	s2 =	sld [smem:$0x3FD0];
	(tm) =	ssettm $0x1  }
0x91: {  	s18 =	sld [smem:$0x3FFB];
	_ =	sdelay $0x3  }
0x92: {  	_ =	strace s18  }
0x93: {  	s3 =	sld [smem:$0x3FFC];
	_ =	sdelay $0x3  }
0x94: {  	_ =	strace s3  }
0x95: {  	s3 =	sld [smem:$0x3FFD];
	_ =	sdelay $0x3  }
0x96: {  	_ =	strace s3  }
0x97: {  	_ =	strace $0x8FFFFFFF  }
0x98: {  	s19 =	sld [smem:$0x3FDB];
	_ =	sdelay $0x1  }
0x99: {  	s4 =	simm.s32 $_scs_section_size  }
0x9a: {  	s5 =	simm.s32 $_size__tile_overlayer_lowered;
	s6 =	simm.s32 $_tile_overlayer_lowered  }
0x9b: {  	s22 =	simm.s32 $0x1BFF;
	s21 =	sshll.u32 s6, $0x1;
	s3 =	sadd.s32 s4, s19  }
0x9c: {  	s7 =	simm.s32 $0x0;
	s20 =	sshll.u32 s5, $0x1;
	s5 =	sadd.s32 s21, s3  }
0x9d: {  	[timem:s7], [sflag:s22] =	dma.local [hbm:s5], s20  }
0x9e: {  	_ =	swait.ge [sflag:s22], s20  }
0x9f: {  	s4 =	ssub.s32 $0x0, s20;
	[sflag:s22] =	ssyncset.done $0x0  }
0xa0: {  	[sflag:s22] =	ssyncadd.s32 s4;
	_ =	sdelay $0x1  }
0xa1: {  	s23 =	simm.s32 $0x1B8B  }
0xa2: {  	_ =	swait.ge [sflag:s23], $0x1  }
0xa3: {  	[sflag:s23] =	ssyncset.done $0x0  }
0xa4: {  	s25 =	simm.s32 $0x1B8E;
	s24 =	sld [smem:$0x3FFE];
	[sflag:s23] =	ssyncadd.s32 $0xFFFFFFFF  }
0xa5: {  	s26 =	simm.s32 $execute0_lowered;
	[smem:$0x3FD2] =	sst s25  }
0xa6: {  	s5 =	sshll.u32 s26, $0x1;
	_ =	strace $0x8000004C;
	[dreg:$0x1] =	wrdreg $0xFFFFFFFF  }
0xa7: {  	s28 =	simm.s32 $_size_execute0_lowered;
	s3 =	sadd.s32 s3, s5;
	[dreg:$0x0] =	wrdreg $0x0  }
0xa8: {  	s5 =	sshll.u32 s28, $0x1;
	[dreg:$0x2] =	wrdreg s3  }
0xa9: {  	[dreg:$0x3] =	wrdreg s5  }
0xaa: {  	[dreg:$0x4] =	wrdreg $0xC0  }
0xab: {  	_ =	task [dreg:s7], $0x5FFFF  }
0xac: {  	[dreg:$0x1] =	wrdreg $0xFFFFFFFF  }
0xad: {  	[dreg:$0x0] =	wrdreg $0x60  }
0xae: {  	[dreg:$0x2] =	wrdreg s2  }
0xaf: {  	[dreg:$0x3] =	wrdreg s24  }
0xb0: {  	[dreg:$0x4] =	wrdreg $0x64000  }
0xb1: {  	[dreg:$0x5] =	wrdreg $0x9  }
0xb2: {  	_ =	task.clear_ibuf [dreg:s7], $0x6FFFF;
	_ =	strace $0x9000004C  }
0xb3: {  	s29 =	simm.s32 $0x9;
	_ =	strace $0x8000004E  }
0xb4: {  	_ =	swait.ge [sflag:s29], $0x1  }
0xb5: {  	[sflag:s29] =	ssyncadd.s32 $0xFFFFFFFF  }
0xb6: {  	_ =	strace $0x9000004E  }
0xb7: {  	_ =	sfence  }
0xb8: {  	s30 =	sld [smem:$0x0];
	_ =	sdelay $0x2  }
0xb9: {  	s31 =	sshll.u32 s1, $0xD;
	s1 =	sshrl.u32 s1, $0x2  }
0xba: {  	s3 =	sand.u32 $0x4000, s31;
	s1 =	sadd.s32 s1, s30  }
0xbb: {  	s0 =	sor.u32 s3, s0;
	s1 =	sshll.u32 s1, $0x11  }
0xbc: {  	s0 =	sor.u32 s1, s0  }
0xbd: {  	s0 =	sadd.s32 $0x8F2B, s0  }
0xbe: {  	[sflag:s0] =	ssyncadd.remote.s32 $0x1  }
0xbf: {  	_ =	sfence.sel $0xFFFF  }
0xc0: {  	[dreg:$0x0] =	wrdreg $0xFFFFFFFF;
	(pc) =	sbr.abs _section_cstart, $3  }
0xc1: {  	[dreg:$0x1] =	wrdreg $0xFFFFFFFF  }
0xc2: {  	_ =	task.clear_ibuf [dreg:s7], $0x2FFFF;
	_ =	strace $0x9FFFFFFF  }
0xc3: {  	(tm) =	ssettm $0x7FFFFFFF  }
tec
execute0_lowered:
.L_overlay_start_1:
0x0: {  	(tag) =	ssettag $0x1  }
0x1: {  	s1 =	rddreg [dreg:$0x0]  }
0x2: {  	s0 =	rddreg [dreg:$0x1]  }
0x3: {  	s2 =	rddreg [dreg:$0x2]  }
0x4: {  	s3 =	simm.s32 $0x0;
	s24 =	srdreg.scid;
	s4 =	stileid.u32  }
0x5: {  	s16 =	simm.s32 $0x1;
	s17 =	simm.s32 $0x80;
	s18 =	simm.s32 $0x1400  }
0x6: {  	s19 =	simm.s32 $0x2400;
	s21 =	simm.s32 $0x3400;
	s23 =	simm.s32 $0x4400  }
0x7: {  	s15 =	simm.s32 $0x1200;
	s20 =	simm.s32 $0x1300;
	s22 =	simm.s32 $0x1380  }
0x8: {  	s13 =	simm.s32 $0x0;
	s28 =	simm.s32 $0x0;
	[smem:$0x7FF] =	sst s3  }
0x9: {  	s5 =	sadd.s32 $0x3400, s0;
	s6 =	sadd.s32 $0x1BC00, s0;
	s7 =	sadd.s32 $0x34400, s0  }
0xa: {  	s3 =	sand.u32 $0x1, s24;
	s8 =	sadd.s32 $0x4D400, s0;
	s9 =	smul.u32 $0x18800, s4  }
0xb: {  	s0 =	sadd.s32 $0x50600, s0;
	_ =	strace $0x8000004D;
	[dreg:$0x4] =	wrdreg s8  }
0xc: {  	s29 =	sshll.u32 s4, $0x6;
	s25 =	ssub.s32 $0x2, s3;
	[dreg:$0x5] =	wrdreg s0  }
0xd: {  	s11 =	smul.u32 $0x498000, s3;
	s10 =	sshll.u32 s3, $0x4;
	s12 =	sor.u32 $0x1C03, s29  }
.Ltmp0:
0xe: {  	s3 =	simm.s32 $0x1280;
	s26 =	sshrl.u32 s25, $0x1;
	(pc) =	sbr.rel .LBB2_1-.Ltmp0, $4  }
0xf: {  	s30 =	sadd.s32 s9, s2;
	[dreg:$0x6] =	wrdreg s12;
	s31 =	sadd.s32 s11, s9  }
0x10: {  	s0 =	ssub.s32 s25, s26;
	s9 =	sshrl.u32 s30, $0x3;
	[dreg:$0x7] =	wrdreg s31  }
0x11: {  	v0 =	vlaneseq.u32;
	s11 =	simm.s32 $0x3;
	s0 =	smax.u32 s0, $0x1;
	[dreg:$0x9] =	wrdreg s9  }
0x12: {  	v0 =	vor.u32 $0xC350, v0;
	s25 =	simm.s32 $0x5400;
	[dreg:$0x8] =	wrdreg s0;
	s0 =	simm.s32 $0x2  }
.LBB2_11:
0x13: {  	s13 =	rddreg [dreg:$0xa]  }
0x14: {  	s8 =	rddreg [dreg:$0x8];
	s13 =	sadd.s32 $0x1, s13  }
0x15: {  	p0 =	sne.s32 s13, s8  }
.Ltmp1:
0x16: {  	_ = 	snop;
	(pc) =	sbr.rel @!p0 .LBB2_12-.Ltmp1, $1  }
0x17: {  	_ =	sdelay $0x3  }
.LBB2_1:
.Ltmp2:
0x18: {  	(pc) =	sbr.rel .LBB2_2-.Ltmp2, $2  }
0x19: {  	_ =	sdelay $0x2  }
0x1a: {  	[dreg:$0xa] =	wrdreg s13;
	s24 =	simm.s32 $0x0  }
.LBB2_10:
0x1b: {  	s8 =	smul.u32 $0x188000, s24  }
0x1c: {  	s9 =	rddreg [dreg:$0x7];
	[bflag:$0x0] =	sbarrier.arrive $0xFFFF  }
0x1d: {  	s11 =	simm.s32 $0x3;
	s31 =	rddreg [dreg:$0x5];
	s8 =	sadd.s32 s8, s9  }
0x1e: {  	s24 =	sadd.s32 $0x1, s24;
	s12 =	rddreg [dreg:$0x6];
	s8 =	sshrl.u32 s8, $0x3  }
0x1f: {  	p0 =	sne.s32 s24, $0x3;
	s9 =	rddreg [dreg:$0x9];
	s8 =	sadd.s32 s31, s8  }
0x20: {  	[hbm:s8], [sflag:s12] =	dma.local [spmem:s9], $0x3100  }
.Ltmp3:
0x21: {  	_ =	swait.ge [sflag:s11], $0x3100;
	(pc) =	sbr.rel @!p0 .LBB2_11-.Ltmp3, $3  }
0x22: {  	[sflag:s11] =	ssyncset.done $0x0  }
0x23: {  	[sflag:s11] =	ssyncadd.s32 $0xFFFFCF00  }
0x24: {  	[bflag:$0x0] =	sbarrier.arrive $0xFFFF;
	_ =	sdelay $0x1  }
.LBB2_2:
0x25: {  	s8 =	rddreg [dreg:$0x4]  }
0x26: {  	[spmem:s9], [sflag:s12] =	dma.local [hbm:s8], $0x3100  }
.Ltmp4:
0x27: {  	_ =	swait.ge [sflag:s11], $0x3100;
	(pc) =	sbr.rel .LBB2_3-.Ltmp4, $4  }
0x28: {  	[sflag:s11] =	ssyncset.done $0x0  }
0x29: {  	[sflag:s11] =	ssyncadd.s32 $0xFFFFCF00  }
0x2a: {  	[bflag:$0x0] =	sbarrier.arrive $0xFFFF  }
0x2b: {  	v1 =	vmov s24;
	s26 =	simm.s32 $0x0  }
.LBB2_9:
0x2c: {  	s26 =	sadd.s32 $0x1, s26  }
0x2d: {  	p0 =	sne.s32 s26, $0x14  }
.Ltmp5:
0x2e: {  	_ = 	snop;
	(pc) =	sbr.rel @!p0 .LBB2_10-.Ltmp5, $1  }
0x2f: {  	_ =	sdelay $0x3  }
.LBB2_3:
0x30: {  	s8 =	sshll.u32 s26, $0x5  }
0x31: {  	s8 =	sor.u32 s8, s10  }
0x32: {  	s8 =	sor.u32 s4, s8  }
0x33: {  	p0 =	sgt.u32 s8, $0x270  }
.Ltmp6:
0x34: {  	_ = 	snop;
	(pc) =	sbr.rel @p0 .LBB2_9-.Ltmp6, $1  }
0x35: {  	_ =	sdelay $0x3  }
0x36: {  	s8 =	smul.u32 $0xA0, s8;
	_ =	sdelay $0x1  }
0x37: {  	s9 =	sadd.s32 s5, s8  }
0x38: {  	[tilespmem:s28], [sflag:$0x1] =	stream.linear.gather [hbm4b:s9+s28], $0x500, $0x38;
	[tilespmem:$0x1EC00] =	vst v63  }
0x39: {  	s29 =	simm.s32 $0x500;
	s31 =	sadd.s32 s6, s8  }
0x3a: {  	[tilespmem:s29], [sflag:$0x1] =	stream.linear.gather [hbm4b:s31+s28], $0x500, $0x38;
	[tilespmem:$0x1EC00] =	vst v63  }
0x3b: {  	s30 =	simm.s32 $0xA00;
	s8 =	sadd.s32 s7, s8  }
0x3c: {  	[tilespmem:s30], [sflag:$0x1] =	stream.linear.gather [hbm4b:s8+s28], $0x500, $0x38;
	[tilespmem:$0x1EC00] =	vst v63  }
0x3d: {  	_ =	swait.ge [sflag:s16], $0x500  }
0x3e: {  	[sflag:s16] =	ssyncset.done $0x0  }
0x3f: {  	[sflag:s16] =	ssyncadd.s32 $0xFFFFFB00  }
0x40: {  	_ =	swait.ge [sflag:s16], $0x500  }
0x41: {  	[sflag:s16] =	ssyncset.done $0x0  }
0x42: {  	[sflag:s16] =	ssyncadd.s32 $0xFFFFFB00  }
0x43: {  	_ =	swait.ge [sflag:s16], $0x500  }
0x44: {  	[sflag:s16] =	ssyncset.done $0x0  }
0x45: {  	s13 =	simm.s32 $0x0;
	s8 =	simm.s32 $0xF00;
	[sflag:s16] =	ssyncadd.s32 $0xFFFFFB00  }
.LBB2_5:
0x46: {  	v2 =	vld [tilespmem:s30+$0x0]  }
0x47: {  	v3 =	vld [tilespmem:s29+$0x0];
	_ =	sdelay $0x3  }
0x48: {  	v4 =	vadd.s32 s28, v0;
	vm0 =	veq.s32 v2, v1  }
0x49: {  	v2 =	vsel vm0, v3, v4  }
0x4a: {  	s9 =	sadd.s32 $0x10, s30;
	s12 =	simm.s32 $0x10;
	[tilespmem:s8+$0x0] =	vst v2  }
0x4b: {  	s14 =	simm.s32 $0x20;
	s11 =	sadd.s32 $0x10, s29;
	s31 =	smov.u32 s8;
	v2 =	vld [tilespmem:s9+$0x0]  }
.LBB2_6:
0x4c: {  	p0 =	sne.s32 s14, $0x70;
	v3 =	vld [tilespmem:s11+$0x0];
	_ =	sdelay $0x2  }
.Ltmp7:
0x4d: {  	(pc) =	sbr.rel @p0 .LBB2_6-.Ltmp7, $4  }
0x4e: {  	v4 =	vadd.s32 s12, v0;
	s12 =	smov.u32 s14;
	vm0 =	veq.s32 v2, v1  }
0x4f: {  	s31 =	sadd.s32 $0x10, s31;
	v2 =	vsel vm0, v3, v4  }
0x50: {  	s9 =	sadd.s32 $0x10, s9;
	[tilespmem:s31+$0x0] =	vst v2  }
0x51: {  	s14 =	sadd.s32 $0x10, s14;
	s11 =	sadd.s32 $0x10, s11;
	v2 =	vld [tilespmem:s9+$0x0]  }
0x52: {  	v3 =	vld [tilespmem:s11+$0x0];
	s13 =	sadd.s32 $0x1, s13  }
0x53: {  	p0 =	sne.s32 s13, $0xA  }
.Ltmp8:
0x54: {  	_ = 	snop;
	(pc) =	sbr.rel @p0 .LBB2_5-.Ltmp8, $4  }
0x55: {  	_ = 	snop  }
0x56: {  	v4 =	vadd.s32 s12, v0;
	vm0 =	veq.s32 v2, v1  }
0x57: {  	s9 =	sadd.s32 $0x10, s31;
	v2 =	vsel vm0, v3, v4  }
0x58: {  	s29 =	sadd.s32 $0x80, s29;
	s30 =	sadd.s32 $0x80, s30;
	s8 =	sadd.s32 $0x80, s8;
	[tilespmem:s9+$0x0] =	vst v2  }
0x59: {  	s8 =	simm.s32 $0x0  }
0x5a: {  	[tilespmem:s18], [sflag:$0x1] =	stream.indirect.gather [hbm4b:s1+s17], $0x20, s8, s17, $0xb8;
	[tilespmem:$0x1EC00] =	vst v63  }
0x5b: {  	_ = 	snop  }
0x5c: {  	[tilespmem:s19], [sflag:$0x1] =	stream.indirect.gather [hbm4b:s1+s17], $0x20, s17, s17, $0xb8;
	[tilespmem:$0x1EC00] =	vst v63  }
0x5d: {  	s12 =	simm.s32 $0x100  }
0x5e: {  	[tilespmem:s21], [sflag:$0x1] =	stream.indirect.gather [hbm4b:s1+s17], $0x20, s12, s17, $0xb8;
	[tilespmem:$0x1EC00] =	vst v63  }
0x5f: {  	s13 =	simm.s32 $0x180  }
0x60: {  	[tilespmem:s23], [sflag:$0x1] =	stream.indirect.gather [hbm4b:s1+s17], $0x20, s13, s17, $0xb8;
	[tilespmem:$0x1EC00] =	vst v63  }
0x61: {  	s14 =	simm.s32 $0x200  }
0x62: {  	[tilespmem:s25], [sflag:$0x1] =	stream.indirect.gather [hbm4b:s1+s17], $0x20, s14, s17, $0xb8;
	[tilespmem:$0x1EC00] =	vst v63  }
0x63: {  	_ =	swait.ge [sflag:s16], $0x1000  }
0x64: {  	[sflag:s16] =	ssyncset.done $0x0  }
0x65: {  	[sflag:s16] =	ssyncadd.s32 $0xFFFFF000  }
0x66: {  	_ =	swait.ge [sflag:s16], $0x1000  }
0x67: {  	[sflag:s16] =	ssyncset.done $0x0  }
0x68: {  	[sflag:s16] =	ssyncadd.s32 $0xFFFFF000  }
0x69: {  	_ =	swait.ge [sflag:s16], $0x1000  }
0x6a: {  	[sflag:s16] =	ssyncset.done $0x0  }
0x6b: {  	[sflag:s16] =	ssyncadd.s32 $0xFFFFF000  }
0x6c: {  	_ =	swait.ge [sflag:s16], $0x1000  }
0x6d: {  	[sflag:s16] =	ssyncset.done $0x0  }
0x6e: {  	[sflag:s16] =	ssyncadd.s32 $0xFFFFF000  }
0x6f: {  	_ =	swait.ge [sflag:s16], $0x1000  }
0x70: {  	[sflag:s16] =	ssyncset.done $0x0  }
0x71: {  	s29 =	simm.s32 $0xF00;
	[sflag:s16] =	ssyncadd.s32 $0xFFFFF000  }
0x72: {  	[spmem:s2] =	stream.indirect.scatter.add.f32 [tilespmem:s18], [sflag:$0x2], $0x20, s29, s17, $0xb8;
	[tilespmem:$0x1EC00] =	vst v63  }
0x73: {  	s30 =	simm.s32 $0xF80  }
0x74: {  	[spmem:s2] =	stream.indirect.scatter.add.f32 [tilespmem:s19], [sflag:$0x2], $0x20, s30, s17, $0xb8;
	[tilespmem:$0x1EC00] =	vst v63  }
0x75: {  	s31 =	simm.s32 $0x1000  }
0x76: {  	[spmem:s2] =	stream.indirect.scatter.add.f32 [tilespmem:s21], [sflag:$0x2], $0x20, s31, s17, $0xb8;
	[tilespmem:$0x1EC00] =	vst v63  }
0x77: {  	s9 =	simm.s32 $0x1080  }
0x78: {  	[spmem:s2] =	stream.indirect.scatter.add.f32 [tilespmem:s23], [sflag:$0x2], $0x20, s9, s17, $0xb8;
	[tilespmem:$0x1EC00] =	vst v63  }
0x79: {  	s11 =	simm.s32 $0x1100  }
0x7a: {  	[spmem:s2] =	stream.indirect.scatter.add.f32 [tilespmem:s25], [sflag:$0x2], $0x20, s11, s17, $0xb8;
	[tilespmem:$0x1EC00] =	vst v63  }
0x7b: {  	_ =	swait.ge [sflag:s0], $0x1000  }
0x7c: {  	[sflag:s0] =	ssyncset.done $0x0  }
0x7d: {  	[sflag:s0] =	ssyncadd.s32 $0xFFFFF000  }
0x7e: {  	_ =	swait.ge [sflag:s0], $0x1000  }
0x7f: {  	[sflag:s0] =	ssyncset.done $0x0  }
0x80: {  	[sflag:s0] =	ssyncadd.s32 $0xFFFFF000  }
0x81: {  	_ =	swait.ge [sflag:s0], $0x1000  }
0x82: {  	[sflag:s0] =	ssyncset.done $0x0  }
0x83: {  	[sflag:s0] =	ssyncadd.s32 $0xFFFFF000  }
0x84: {  	_ =	swait.ge [sflag:s0], $0x1000  }
0x85: {  	[sflag:s0] =	ssyncset.done $0x0  }
0x86: {  	[sflag:s0] =	ssyncadd.s32 $0xFFFFF000  }
0x87: {  	_ =	swait.ge [sflag:s0], $0x1000  }
0x88: {  	[sflag:s0] =	ssyncset.done $0x0  }
0x89: {  	s12 =	simm.s32 $0x280;
	[sflag:s0] =	ssyncadd.s32 $0xFFFFF000  }
0x8a: {  	[tilespmem:s18], [sflag:$0x1] =	stream.indirect.gather [hbm4b:s1+s17], $0x20, s12, s17, $0xb8;
	[tilespmem:$0x1EC00] =	vst v63  }
0x8b: {  	s13 =	simm.s32 $0x300  }
0x8c: {  	[tilespmem:s19], [sflag:$0x1] =	stream.indirect.gather [hbm4b:s1+s17], $0x20, s13, s17, $0xb8;
	[tilespmem:$0x1EC00] =	vst v63  }
0x8d: {  	s14 =	simm.s32 $0x380  }
0x8e: {  	[tilespmem:s21], [sflag:$0x1] =	stream.indirect.gather [hbm4b:s1+s17], $0x20, s14, s17, $0xb8;
	[tilespmem:$0x1EC00] =	vst v63  }
0x8f: {  	s29 =	simm.s32 $0x400  }
0x90: {  	[tilespmem:s23], [sflag:$0x1] =	stream.indirect.gather [hbm4b:s1+s17], $0x20, s29, s17, $0xb8;
	[tilespmem:$0x1EC00] =	vst v63  }
0x91: {  	s30 =	simm.s32 $0x480  }
0x92: {  	[tilespmem:s25], [sflag:$0x1] =	stream.indirect.gather [hbm4b:s1+s17], $0x20, s30, s17, $0xb8;
	[tilespmem:$0x1EC00] =	vst v63  }
0x93: {  	_ =	swait.ge [sflag:s16], $0x1000  }
0x94: {  	[sflag:s16] =	ssyncset.done $0x0  }
0x95: {  	[sflag:s16] =	ssyncadd.s32 $0xFFFFF000  }
0x96: {  	_ =	swait.ge [sflag:s16], $0x1000  }
0x97: {  	[sflag:s16] =	ssyncset.done $0x0  }
0x98: {  	[sflag:s16] =	ssyncadd.s32 $0xFFFFF000  }
0x99: {  	_ =	swait.ge [sflag:s16], $0x1000  }
0x9a: {  	[sflag:s16] =	ssyncset.done $0x0  }
0x9b: {  	[sflag:s16] =	ssyncadd.s32 $0xFFFFF000  }
0x9c: {  	_ =	swait.ge [sflag:s16], $0x1000  }
0x9d: {  	[sflag:s16] =	ssyncset.done $0x0  }
0x9e: {  	[sflag:s16] =	ssyncadd.s32 $0xFFFFF000  }
0x9f: {  	_ =	swait.ge [sflag:s16], $0x1000  }
0xa0: {  	[sflag:s16] =	ssyncset.done $0x0  }
0xa1: {  	s31 =	simm.s32 $0x1180;
	[sflag:s16] =	ssyncadd.s32 $0xFFFFF000  }
0xa2: {  	[spmem:s2] =	stream.indirect.scatter.add.f32 [tilespmem:s18], [sflag:$0x2], $0x20, s31, s17, $0xb8;
	[tilespmem:$0x1EC00] =	vst v63  }
0xa3: {  	_ = 	snop  }
0xa4: {  	[spmem:s2] =	stream.indirect.scatter.add.f32 [tilespmem:s19], [sflag:$0x2], $0x20, s15, s17, $0xb8;
	[tilespmem:$0x1EC00] =	vst v63  }
0xa5: {  	_ = 	snop  }
0xa6: {  	[spmem:s2] =	stream.indirect.scatter.add.f32 [tilespmem:s21], [sflag:$0x2], $0x20, s3, s17, $0xb8;
	[tilespmem:$0x1EC00] =	vst v63  }
0xa7: {  	_ = 	snop  }
0xa8: {  	[spmem:s2] =	stream.indirect.scatter.add.f32 [tilespmem:s23], [sflag:$0x2], $0x20, s20, s17, $0xb8;
	[tilespmem:$0x1EC00] =	vst v63  }
0xa9: {  	_ = 	snop  }
0xaa: {  	[spmem:s2] =	stream.indirect.scatter.add.f32 [tilespmem:s25], [sflag:$0x2], $0x20, s22, s17, $0xb8;
	[tilespmem:$0x1EC00] =	vst v63  }
0xab: {  	_ =	swait.ge [sflag:s0], $0x1000  }
0xac: {  	[sflag:s0] =	ssyncset.done $0x0  }
0xad: {  	[sflag:s0] =	ssyncadd.s32 $0xFFFFF000  }
0xae: {  	_ =	swait.ge [sflag:s0], $0x1000  }
0xaf: {  	[sflag:s0] =	ssyncset.done $0x0  }
0xb0: {  	[sflag:s0] =	ssyncadd.s32 $0xFFFFF000  }
0xb1: {  	_ =	swait.ge [sflag:s0], $0x1000  }
0xb2: {  	[sflag:s0] =	ssyncset.done $0x0  }
0xb3: {  	[sflag:s0] =	ssyncadd.s32 $0xFFFFF000  }
0xb4: {  	_ =	swait.ge [sflag:s0], $0x1000  }
.Ltmp9:
0xb5: {  	[sflag:s0] =	ssyncset.done $0x0;
	(pc) =	sbr.rel .LBB2_9-.Ltmp9, $4  }
0xb6: {  	[sflag:s0] =	ssyncadd.s32 $0xFFFFF000  }
0xb7: {  	_ =	swait.ge [sflag:s0], $0x1000  }
0xb8: {  	[sflag:s0] =	ssyncset.done $0x0  }
0xb9: {  	[sflag:s0] =	ssyncadd.s32 $0xFFFFF000  }
.LBB2_12:
0xba: {  	_ =	sfence.sel $0x180000  }
0xbb: {  	[bflag:$0x0] =	sbarrier.arrive $0xFFFF  }
0xbc: {  	_ =	strace $0x9000004D  }
0xbd: {  	[bflag:$0x2] =	sbarrier.arrive $0xFFFF  }
0xbe: {  	p0 =	sne.s32 s4, $0x0;
	s0 =	rddreg [dreg:$0x3]  }
0xbf: {  	s0 =	sadd.s32 @!p0 $0x100000, s0  }
0xc0: {  	[sflag:s0] =	ssyncadd.tile.s32 @!p0 $0x1;
	_ =	shalt  }
.Lfunc_end2:
_tile_overlayer_lowered:
.L_overlay_start_2:
0xc1: {  	(tag) =	ssettag $0x2  }
0xc2: {  	s0 =	rddreg [dreg:$0x0];
	s2 =	stileid.u32  }
0xc3: {  	s1 =	rddreg [dreg:$0x1];
	p0 =	sne.s32 s2, $0x0  }
0xc4: {  	s3 =	rddreg [dreg:$0x2];
	[bflag:$0x3] =	sbarrier.arrive $0xFFFF;
	s2 =	simm.s32 @!p0 $0x1C03  }
0xc5: {  	[timem:s3], [sflag:s2] =	dma.local @!p0 [hbm:s0], s1  }
0xc6: {  	s0 =	simm.s32 @!p0 $0x3  }
0xc7: {  	_ =	swait.ge @!p0 [sflag:s0], s1  }
0xc8: {  	s1 =	ssub.s32 @!p0 $0x0, s1;
	[sflag:s0] =	ssyncset.done @!p0 $0x0  }
0xc9: {  	[sflag:s0] =	ssyncadd.s32 @!p0 s1  }
0xca: {  	[bflag:$0x3] =	sbarrier.arrive $0xFFFF  }
0xcb: {  	_ =	shalt  }

// kernel: kernel.8.cloned.1.call-start
scs
__scs_entry_jumppad:
0x0: {  	(pc) =	sbr.rel $0x88, $3  }
0x1: {  	(tag) =	ssettag $0x0;
	lr =	simm.s32 $0x1  }
0x2: {  	[smem:$0x3F8F] =	sst lr;
	_ =	strace $0xD0000000  }
0x3: {  	_ = 	snop  }
0x4: {  	_ = 	snop  }
0x5: {  	_ = 	snop  }
0x6: {  	_ = 	snop  }
0x7: {  	_ = 	snop  }
__scs_overlays_trampoline_lowered:
0x8: {  	[smem:$0x3F9E] =	sst s0  }
0x9: {  	[smem:$0x3F9F] =	sst s1  }
0xa: {  	[smem:$0x3FA0] =	sst s2  }
0xb: {  	[smem:$0x3FA1] =	sst s3  }
0xc: {  	[smem:$0x3FA2] =	sst s4  }
0xd: {  	[smem:$0x3FA3] =	sst s5  }
0xe: {  	[smem:$0x3FA4] =	sst s6  }
0xf: {  	[smem:$0x3FA5] =	sst s7  }
0x10: {  	[smem:$0x3FA6] =	sst s8  }
0x11: {  	[smem:$0x3FA7] =	sst s9;
	s0 =	simm.s32 @!p0 $0x0  }
0x12: {  	s1 =	sld [smem:$0x3F8D];
	s0 =	simm.s32 @p0 $0x1  }
0x13: {  	[smem:$0x3FA8] =	sst s0;
	s0 =	simm.s32 @!p1 $0x0  }
0x14: {  	s2 =	sld [smem:$0x3F8C];
	s0 =	simm.s32 @p1 $0x1  }
0x15: {  	[smem:$0x3FA9] =	sst s0;
	s0 =	simm.s32 @!p2 $0x0  }
0x16: {  	s3 =	sld [smem:$0x3FDB];
	s0 =	simm.s32 @p2 $0x1  }
0x17: {  	s4 =	simm.s32 $0x1BF5;
	[smem:$0x3FAB] =	sst s0  }
0x18: {  	s0 =	sld [smem:$0x3F8E];
	_ =	swait.ge [sflag:s4], $0x0  }
0x19: {  	s7 =	sld [smem:$0x3F8F]  }
0x1a: {  	s8 =	sadd.s32 $0xFFFFE003, lr  }
0x1b: {  	s9 =	sadd.s32 $0xFFFFFEF7, lr;
	s5 =	simm.s32 $0xFFFFFFFF;
	p2 =	slt.u32 s8, $0xFFFFF086  }
0x1c: {  	p1 =	slt.u32 s9, $0xF7A;
	s5 =	simm.s32 @!p2 $0x0  }
0x1d: {  	s5 =	simm.s32 @p1 $0x1;
	p0 =	seq.s32 s7, s2  }
0x1e: {  	s7 =	smul.u32 @!p0 $0xF7A, s2;
	p2 =	seq.s32 @!p0 s5, $0x0  }
0x1f: {  	s9 =	smul.u32 $0xF7A, s1;
	s8 =	simm.s32 @!p0 $0x1BF5;
	p2 =	por !p2, p0  }
0x20: {  	[sflag:s8] =	ssyncset.s32 @!p0 $0xFFFFF086;
	s6 =	sadd.s32 @!p0 s3, s7;
	s7 =	simm.s32 @!p0 $0x108  }
0x21: {  	s3 =	sadd.s32 s3, s9;
	s6 =	sadd.s32 @!p0 $0x88, s6;
	s7 =	simm.s32 @p2 $0x1082  }
0x22: {  	[simem:s7], [sflag:s8] =	dma.local @!p0 [hbm:s6], $0xF7A  }
0x23: {  	s9 =	sor.u32 $0xD0000000, s2;
	s6 =	simm.s32 $0x108;
	_ =	swait.ge @!p0 [sflag:s8], $0x0  }
0x24: {  	s3 =	sadd.s32 $0x88, s3;
	s6 =	simm.s32 @!p1 $0x1082;
	[sflag:s4] =	ssyncset.s32 $0xFFFFF086  }
0x25: {  	[simem:s6], [sflag:s4] =	dma.local [hbm:s3], $0xF7A  }
0x26: {  	[smem:$0x3F8F] =	sst s1;
	(tag) =	ssettag s2;
	_ =	strace s9  }
0x27: {  	s1 =	sld [smem:$0x3F9F]  }
0x28: {  	s2 =	sld [smem:$0x3FA0]  }
0x29: {  	s4 =	sld [smem:$0x3FA2]  }
0x2a: {  	p0 =	seq.s32 s5, $0x0;
	s5 =	sld [smem:$0x3FA3]  }
0x2b: {  	s6 =	sld [smem:$0x3FA4]  }
0x2c: {  	s7 =	sld [smem:$0x3FA5]  }
0x2d: {  	s3 =	simm.s32 $0x108;
	s8 =	sld [smem:$0x3FA6]  }
0x2e: {  	s3 =	simm.s32 @!p0 $0x1082;
	s9 =	sld [smem:$0x3FA7]  }
0x2f: {  	lr =	sadd.s32 s0, s3;
	s0 =	sld [smem:$0x3F9E]  }
0x30: {  	s3 =	sld [smem:$0x3FA1]  }
0x31: {  	[smem:$0x3FAA] =	sst s10  }
0x32: {  	s10 =	sld [smem:$0x3FA8];
	_ =	sdelay $0x3  }
0x33: {  	p0 =	seq.s32 s10, $0x1;
	s10 =	sld [smem:$0x3FAA];
	_ =	sdelay $0x3  }
0x34: {  	[smem:$0x3FAA] =	sst s10  }
0x35: {  	s10 =	sld [smem:$0x3FA9];
	_ =	sdelay $0x3  }
0x36: {  	p1 =	seq.s32 s10, $0x1;
	s10 =	sld [smem:$0x3FAA];
	_ =	sdelay $0x3  }
0x37: {  	[smem:$0x3FAA] =	sst s10  }
0x38: {  	s10 =	sld [smem:$0x3FAB]  }
0x39: {  	_ = 	snop;
	(pc) =	sbr.ind lr, $3  }
0x3a: {  	_ = 	snop  }
0x3b: {  	_ = 	snop  }
0x3c: {  	p2 =	seq.s32 s10, $0x1;
	s10 =	sld [smem:$0x3FAA]  }
0x3d: {  	_ =	shalt  }
0x3e: {  	_ =	shalt  }
0x3f: {  	_ =	shalt  }
0x40: {  	_ =	shalt  }
0x41: {  	_ =	shalt  }
0x42: {  	_ =	shalt  }
0x43: {  	_ =	shalt  }
0x44: {  	_ =	shalt  }
0x45: {  	_ =	shalt  }
0x46: {  	_ =	shalt  }
0x47: {  	_ =	shalt  }
0x48: {  	_ =	shalt  }
0x49: {  	_ =	shalt  }
0x4a: {  	_ =	shalt  }
0x4b: {  	_ =	shalt  }
0x4c: {  	_ =	shalt  }
0x4d: {  	_ =	shalt  }
0x4e: {  	_ =	shalt  }
0x4f: {  	_ =	shalt  }
0x50: {  	_ =	shalt  }
0x51: {  	_ =	shalt  }
0x52: {  	_ =	shalt  }
0x53: {  	_ =	shalt  }
0x54: {  	_ =	shalt  }
0x55: {  	_ =	shalt  }
0x56: {  	_ =	shalt  }
0x57: {  	_ =	shalt  }
0x58: {  	_ =	shalt  }
0x59: {  	_ =	shalt  }
0x5a: {  	_ =	shalt  }
0x5b: {  	_ =	shalt  }
0x5c: {  	_ =	shalt  }
0x5d: {  	_ =	shalt  }
0x5e: {  	_ =	shalt  }
0x5f: {  	_ =	shalt  }
0x60: {  	_ =	shalt  }
0x61: {  	_ =	shalt  }
0x62: {  	_ =	shalt  }
0x63: {  	_ =	shalt  }
0x64: {  	_ =	shalt  }
0x65: {  	_ =	shalt  }
0x66: {  	_ =	shalt  }
0x67: {  	_ =	shalt  }
0x68: {  	_ =	shalt  }
0x69: {  	_ =	shalt  }
0x6a: {  	_ =	shalt  }
0x6b: {  	_ =	shalt  }
0x6c: {  	_ =	shalt  }
0x6d: {  	_ =	shalt  }
0x6e: {  	_ =	shalt  }
0x6f: {  	_ =	shalt  }
0x70: {  	_ =	shalt  }
0x71: {  	_ =	shalt  }
0x72: {  	_ =	shalt  }
0x73: {  	_ =	shalt  }
0x74: {  	_ =	shalt  }
0x75: {  	_ =	shalt  }
0x76: {  	_ =	shalt  }
0x77: {  	_ =	shalt  }
0x78: {  	_ =	shalt  }
0x79: {  	_ =	shalt  }
0x7a: {  	_ =	shalt  }
0x7b: {  	_ =	shalt  }
0x7c: {  	_ =	shalt  }
0x7d: {  	_ =	shalt  }
0x7e: {  	_ =	shalt  }
0x7f: {  	_ =	shalt  }
0x80: {  	_ =	shalt  }
0x81: {  	_ =	shalt  }
0x82: {  	_ =	shalt  }
0x83: {  	_ =	shalt  }
0x84: {  	_ =	shalt  }
0x85: {  	_ =	shalt  }
0x86: {  	_ =	shalt  }
0x87: {  	_ =	shalt  }
.Lfunc_end0:
.L_simem_size_0:
called_computation_lowered:
.L_overlay_start_0:
0x88: {  	s2 =	sld [smem:$0x3FD9]  }
0x89: {  	s3 =	sld [smem:$0x3FFE];
	_ =	sdelay $0x1  }
0x8a: {  	s1 =	srdreg.scid  }
0x8b: {  	s0 =	sand.u32 $0x1, s1  }
0x8c: {  	s17 =	sshll.u32 s0, $0xA;
	s2 =	sadd.s32 s3, s2  }
0x8d: {  	s2 =	sadd.s32 s2, s17  }
0x8e: {  	[smem:$0x3FB6] =	sst s2  }
0x8f: {  	_ = 	snop  }
0x90: {  	s2 =	sld [smem:$0x3FD0];
	(tm) =	ssettm $0x1  }
0x91: {  	s18 =	sld [smem:$0x3FFB];
	_ =	sdelay $0x3  }
0x92: {  	_ =	strace s18  }
0x93: {  	s3 =	sld [smem:$0x3FFC];
	_ =	sdelay $0x3  }
0x94: {  	_ =	strace s3  }
0x95: {  	s3 =	sld [smem:$0x3FFD];
	_ =	sdelay $0x3  }
0x96: {  	_ =	strace s3  }
0x97: {  	_ =	strace $0x8FFFFFFF  }
0x98: {  	s19 =	sld [smem:$0x3FDB];
	_ =	sdelay $0x1  }
0x99: {  	s4 =	simm.s32 $_scs_section_size  }
0x9a: {  	s5 =	simm.s32 $_size__tile_overlayer_lowered;
	s6 =	simm.s32 $_tile_overlayer_lowered  }
0x9b: {  	s22 =	simm.s32 $0x1BFF;
	s21 =	sshll.u32 s6, $0x1;
	s3 =	sadd.s32 s4, s19  }
0x9c: {  	s7 =	simm.s32 $0x0;
	s20 =	sshll.u32 s5, $0x1;
	s5 =	sadd.s32 s21, s3  }
0x9d: {  	[timem:s7], [sflag:s22] =	dma.local [hbm:s5], s20  }
0x9e: {  	_ =	swait.ge [sflag:s22], s20  }
0x9f: {  	s4 =	ssub.s32 $0x0, s20;
	[sflag:s22] =	ssyncset.done $0x0  }
0xa0: {  	[sflag:s22] =	ssyncadd.s32 s4;
	_ =	sdelay $0x1  }
0xa1: {  	s23 =	simm.s32 $0x1B8B  }
0xa2: {  	_ =	swait.ge [sflag:s23], $0x1  }
0xa3: {  	[sflag:s23] =	ssyncset.done $0x0  }
0xa4: {  	s25 =	simm.s32 $0x1B8E;
	s24 =	sld [smem:$0x3FFE];
	[sflag:s23] =	ssyncadd.s32 $0xFFFFFFFF  }
0xa5: {  	s26 =	simm.s32 $execute0_lowered;
	[smem:$0x3FD2] =	sst s25  }
0xa6: {  	s5 =	sshll.u32 s26, $0x1;
	_ =	strace $0x80000046;
	[dreg:$0x1] =	wrdreg $0xFFFFFFFF  }
0xa7: {  	s28 =	simm.s32 $_size_execute0_lowered;
	s3 =	sadd.s32 s3, s5;
	[dreg:$0x0] =	wrdreg $0x0  }
0xa8: {  	s5 =	sshll.u32 s28, $0x1;
	[dreg:$0x2] =	wrdreg s3  }
0xa9: {  	[dreg:$0x3] =	wrdreg s5  }
0xaa: {  	[dreg:$0x4] =	wrdreg $0xC0  }
0xab: {  	_ =	task [dreg:s7], $0x5FFFF  }
0xac: {  	[dreg:$0x1] =	wrdreg $0xFFFFFFFF  }
0xad: {  	[dreg:$0x0] =	wrdreg $0x60  }
0xae: {  	[dreg:$0x2] =	wrdreg s24  }
0xaf: {  	[dreg:$0x3] =	wrdreg s2  }
0xb0: {  	[dreg:$0x4] =	wrdreg $0x9  }
0xb1: {  	_ =	task.clear_ibuf [dreg:s7], $0x5FFFF;
	_ =	strace $0x90000046  }
0xb2: {  	s29 =	simm.s32 $0x9;
	_ =	strace $0x80000048  }
0xb3: {  	_ =	swait.ge [sflag:s29], $0x1  }
0xb4: {  	[sflag:s29] =	ssyncadd.s32 $0xFFFFFFFF  }
0xb5: {  	_ =	strace $0x90000048  }
0xb6: {  	_ =	sfence  }
0xb7: {  	s30 =	sld [smem:$0x0];
	_ =	sdelay $0x2  }
0xb8: {  	s31 =	sshll.u32 s1, $0xD;
	s1 =	sshrl.u32 s1, $0x2  }
0xb9: {  	s3 =	sand.u32 $0x4000, s31;
	s1 =	sadd.s32 s1, s30  }
0xba: {  	s0 =	sor.u32 s3, s0;
	s1 =	sshll.u32 s1, $0x11  }
0xbb: {  	s0 =	sor.u32 s1, s0  }
0xbc: {  	s0 =	sadd.s32 $0x8F2B, s0  }
0xbd: {  	[sflag:s0] =	ssyncadd.remote.s32 $0x1  }
0xbe: {  	_ =	sfence.sel $0xFFFF  }
0xbf: {  	[dreg:$0x0] =	wrdreg $0xFFFFFFFF;
	(pc) =	sbr.abs _section_cstart, $3  }
0xc0: {  	[dreg:$0x1] =	wrdreg $0xFFFFFFFF  }
0xc1: {  	_ =	task.clear_ibuf [dreg:s7], $0x2FFFF;
	_ =	strace $0x9FFFFFFF  }
0xc2: {  	(tm) =	ssettm $0x7FFFFFFF  }
0xc3: {  	_ =	shalt  }
tec
execute0_lowered:
.L_overlay_start_1:
0x0: {  	(tag) =	ssettag $0x1  }
0x1: {  	s0 =	rddreg [dreg:$0x0]  }
0x2: {  	s2 =	rddreg [dreg:$0x1];
	s1 =	simm.s32 $0x0;
	s3 =	srdreg.scid  }
0x3: {  	s9 =	stileid.u32;
	s10 =	simm.s32 $0x500;
	s11 =	simm.s32 $0x1  }
0x4: {  	s12 =	simm.s32 $0x80;
	s13 =	simm.s32 $0xA00;
	s14 =	simm.s32 $0xF00  }
0x5: {  	s15 =	simm.s32 $0xD00;
	s16 =	simm.s32 $0x800;
	s17 =	simm.s32 $0x1200  }
0x6: {  	s18 =	simm.s32 $0x380;
	s19 =	simm.s32 $0xD80;
	s20 =	simm.s32 $0x880  }
0x7: {  	s21 =	simm.s32 $0x1280;
	s22 =	simm.s32 $0x400;
	s23 =	simm.s32 $0xE00  }
0x8: {  	s24 =	simm.s32 $0x900;
	s25 =	simm.s32 $0x1300;
	s26 =	simm.s32 $0x480  }
0x9: {  	s28 =	simm.s32 $0xE80;
	s29 =	simm.s32 $0x980;
	s30 =	simm.s32 $0x1380  }
0xa: {  	[smem:$0x7FF] =	sst s1;
	s4 =	sand.u32 $0x1, s3;
	s7 =	smul.u32 $0xA0, s9  }
0xb: {  	s3 =	sadd.s32 $0x34400, s0;
	s6 =	smul.u32 $0xA00, s4;
	s5 =	ssub.s32 $0x2, s4  }
0xc: {  	_ =	strace $0x80000047;
	s4 =	sshll.u32 s4, $0x4;
	s8 =	sshrl.u32 s5, $0x1  }
.Ltmp0:
0xd: {  	s31 =	sor.u32 s4, s9;
	s9 =	simm.s32 $0x300;
	(pc) =	sbr.rel .LBB2_1-.Ltmp0, $4  }
0xe: {  	s0 =	sadd.s32 s6, s0;
	s5 =	ssub.s32 s5, s8;
	s2 =	sadd.s32 s6, s2  }
0xf: {  	[dreg:$0x4] =	wrdreg s31;
	s0 =	sadd.s32 s7, s0;
	s5 =	smax.u32 s5, $0x1  }
0x10: {  	s7 =	sadd.s32 s7, s2;
	s2 =	simm.s32 $0x0;
	[dreg:$0x3] =	wrdreg s5  }
0x11: {  	s5 =	sadd.s32 $0x3400, s0;
	s6 =	sadd.s32 $0x1BC00, s0;
	s8 =	sadd.s32 $0x35E00, s0  }
.LBB2_5:
0x12: {  	s2 =	rddreg [dreg:$0x5]  }
0x13: {  	s0 =	rddreg [dreg:$0x3];
	s2 =	sadd.s32 $0x1, s2  }
0x14: {  	p0 =	sne.s32 s2, s0  }
.Ltmp1:
0x15: {  	_ = 	snop;
	(pc) =	sbr.rel @!p0 .LBB2_6-.Ltmp1, $1  }
0x16: {  	_ =	sdelay $0x3  }
.LBB2_1:
.Ltmp2:
0x17: {  	(pc) =	sbr.rel .LBB2_2-.Ltmp2, $3  }
0x18: {  	_ =	sdelay $0x1  }
0x19: {  	[dreg:$0x5] =	wrdreg s2  }
0x1a: {  	s31 =	rddreg [dreg:$0x4];
	s0 =	simm.s32 $0x0  }
.LBB2_4:
0x1b: {  	s0 =	sadd.s32 $0x1400, s0  }
0x1c: {  	p0 =	sne.s32 s0, $0x19000  }
.Ltmp3:
0x1d: {  	_ = 	snop;
	(pc) =	sbr.rel @!p0 .LBB2_5-.Ltmp3, $2  }
0x1e: {  	_ =	sdelay $0x2  }
0x1f: {  	s31 =	sadd.s32 $0x20, s31  }
.LBB2_2:
0x20: {  	p0 =	sgt.u32 s31, $0x270  }
.Ltmp4:
0x21: {  	_ = 	snop;
	(pc) =	sbr.rel @p0 .LBB2_4-.Ltmp4, $1  }
0x22: {  	_ =	sdelay $0x3  }
0x23: {  	s2 =	sadd.s32 s0, s5  }
0x24: {  	[tilespmem:s1], [sflag:$0x1] =	stream.linear.gather [hbm4b:s2+s1], $0x500, $0x38;
	[tilespmem:$0x1400] =	vst v63  }
0x25: {  	s4 =	sadd.s32 s0, s6  }
0x26: {  	[tilespmem:s10], [sflag:$0x1] =	stream.linear.gather [hbm4b:s4+s1], $0x500, $0x38;
	[tilespmem:$0x1400] =	vst v63  }
0x27: {  	_ =	swait.ge [sflag:s11], $0x500  }
0x28: {  	[sflag:s11] =	ssyncset.done $0x0  }
0x29: {  	[sflag:s11] =	ssyncadd.s32 $0xFFFFFB00  }
0x2a: {  	_ =	swait.ge [sflag:s11], $0x500  }
0x2b: {  	[sflag:s11] =	ssyncset.done $0x0  }
0x2c: {  	[sflag:s11] =	ssyncadd.s32 $0xFFFFFB00  }
0x2d: {  	[tilespmem:s13], [sflag:$0x1] =	stream.indirect.gather [hbm4b:s3+s12], $0x1, s1, s12, $0xb8;
	[tilespmem:$0x1400] =	vst v63  }
0x2e: {  	_ = 	snop  }
0x2f: {  	[tilespmem:s14], [sflag:$0x1] =	stream.indirect.gather [hbm4b:s3+s12], $0x1, s10, s12, $0xb8;
	[tilespmem:$0x1400] =	vst v63  }
0x30: {  	s4 =	simm.s32 $0xA80  }
0x31: {  	[tilespmem:s4], [sflag:$0x1] =	stream.indirect.gather [hbm4b:s3+s12], $0x1, s12, s12, $0xb8;
	[tilespmem:$0x1400] =	vst v63  }
0x32: {  	s2 =	simm.s32 $0x580;
	s4 =	simm.s32 $0xF80  }
0x33: {  	[tilespmem:s4], [sflag:$0x1] =	stream.indirect.gather [hbm4b:s3+s12], $0x1, s2, s12, $0xb8;
	[tilespmem:$0x1400] =	vst v63  }
0x34: {  	s2 =	simm.s32 $0x100;
	s4 =	simm.s32 $0xB00  }
0x35: {  	[tilespmem:s4], [sflag:$0x1] =	stream.indirect.gather [hbm4b:s3+s12], $0x1, s2, s12, $0xb8;
	[tilespmem:$0x1400] =	vst v63  }
0x36: {  	s2 =	simm.s32 $0x600;
	s4 =	simm.s32 $0x1000  }
0x37: {  	[tilespmem:s4], [sflag:$0x1] =	stream.indirect.gather [hbm4b:s3+s12], $0x1, s2, s12, $0xb8;
	[tilespmem:$0x1400] =	vst v63  }
0x38: {  	s2 =	simm.s32 $0x180;
	s4 =	simm.s32 $0xB80  }
0x39: {  	[tilespmem:s4], [sflag:$0x1] =	stream.indirect.gather [hbm4b:s3+s12], $0x1, s2, s12, $0xb8;
	[tilespmem:$0x1400] =	vst v63  }
0x3a: {  	s2 =	simm.s32 $0x680;
	s4 =	simm.s32 $0x1080  }
0x3b: {  	[tilespmem:s4], [sflag:$0x1] =	stream.indirect.gather [hbm4b:s3+s12], $0x1, s2, s12, $0xb8;
	[tilespmem:$0x1400] =	vst v63  }
0x3c: {  	s2 =	simm.s32 $0x200;
	s4 =	simm.s32 $0xC00  }
0x3d: {  	[tilespmem:s4], [sflag:$0x1] =	stream.indirect.gather [hbm4b:s3+s12], $0x1, s2, s12, $0xb8;
	[tilespmem:$0x1400] =	vst v63  }
0x3e: {  	s2 =	simm.s32 $0x700;
	s4 =	simm.s32 $0x1100  }
0x3f: {  	[tilespmem:s4], [sflag:$0x1] =	stream.indirect.gather [hbm4b:s3+s12], $0x1, s2, s12, $0xb8;
	[tilespmem:$0x1400] =	vst v63  }
0x40: {  	s2 =	simm.s32 $0x280;
	s4 =	simm.s32 $0xC80  }
0x41: {  	[tilespmem:s4], [sflag:$0x1] =	stream.indirect.gather [hbm4b:s3+s12], $0x1, s2, s12, $0xb8;
	[tilespmem:$0x1400] =	vst v63  }
0x42: {  	s2 =	simm.s32 $0x780;
	s4 =	simm.s32 $0x1180  }
0x43: {  	[tilespmem:s4], [sflag:$0x1] =	stream.indirect.gather [hbm4b:s3+s12], $0x1, s2, s12, $0xb8;
	[tilespmem:$0x1400] =	vst v63  }
0x44: {  	_ = 	snop  }
0x45: {  	[tilespmem:s15], [sflag:$0x1] =	stream.indirect.gather [hbm4b:s3+s12], $0x1, s9, s12, $0xb8;
	[tilespmem:$0x1400] =	vst v63  }
0x46: {  	_ = 	snop  }
0x47: {  	[tilespmem:s17], [sflag:$0x1] =	stream.indirect.gather [hbm4b:s3+s12], $0x1, s16, s12, $0xb8;
	[tilespmem:$0x1400] =	vst v63  }
0x48: {  	_ = 	snop  }
0x49: {  	[tilespmem:s19], [sflag:$0x1] =	stream.indirect.gather [hbm4b:s3+s12], $0x1, s18, s12, $0xb8;
	[tilespmem:$0x1400] =	vst v63  }
0x4a: {  	_ = 	snop  }
0x4b: {  	[tilespmem:s21], [sflag:$0x1] =	stream.indirect.gather [hbm4b:s3+s12], $0x1, s20, s12, $0xb8;
	[tilespmem:$0x1400] =	vst v63  }
0x4c: {  	_ = 	snop  }
0x4d: {  	[tilespmem:s23], [sflag:$0x1] =	stream.indirect.gather [hbm4b:s3+s12], $0x1, s22, s12, $0xb8;
	[tilespmem:$0x1400] =	vst v63  }
0x4e: {  	_ = 	snop  }
0x4f: {  	[tilespmem:s25], [sflag:$0x1] =	stream.indirect.gather [hbm4b:s3+s12], $0x1, s24, s12, $0xb8;
	[tilespmem:$0x1400] =	vst v63  }
0x50: {  	_ = 	snop  }
0x51: {  	[tilespmem:s28], [sflag:$0x1] =	stream.indirect.gather [hbm4b:s3+s12], $0x1, s26, s12, $0xb8;
	[tilespmem:$0x1400] =	vst v63  }
0x52: {  	_ = 	snop  }
0x53: {  	[tilespmem:s30], [sflag:$0x1] =	stream.indirect.gather [hbm4b:s3+s12], $0x1, s29, s12, $0xb8;
	[tilespmem:$0x1400] =	vst v63  }
0x54: {  	_ =	swait.ge [sflag:s11], $0x80  }
0x55: {  	[sflag:s11] =	ssyncset.done $0x0  }
0x56: {  	[sflag:s11] =	ssyncadd.s32 $0xFFFFFF80  }
0x57: {  	_ =	swait.ge [sflag:s11], $0x80  }
0x58: {  	[sflag:s11] =	ssyncset.done $0x0  }
0x59: {  	[sflag:s11] =	ssyncadd.s32 $0xFFFFFF80  }
0x5a: {  	_ =	swait.ge [sflag:s11], $0x80  }
0x5b: {  	[sflag:s11] =	ssyncset.done $0x0  }
0x5c: {  	[sflag:s11] =	ssyncadd.s32 $0xFFFFFF80  }
0x5d: {  	_ =	swait.ge [sflag:s11], $0x80  }
0x5e: {  	[sflag:s11] =	ssyncset.done $0x0  }
0x5f: {  	[sflag:s11] =	ssyncadd.s32 $0xFFFFFF80  }
0x60: {  	_ =	swait.ge [sflag:s11], $0x80  }
0x61: {  	[sflag:s11] =	ssyncset.done $0x0  }
0x62: {  	[sflag:s11] =	ssyncadd.s32 $0xFFFFFF80  }
0x63: {  	_ =	swait.ge [sflag:s11], $0x80  }
0x64: {  	[sflag:s11] =	ssyncset.done $0x0  }
0x65: {  	[sflag:s11] =	ssyncadd.s32 $0xFFFFFF80  }
0x66: {  	_ =	swait.ge [sflag:s11], $0x80  }
0x67: {  	[sflag:s11] =	ssyncset.done $0x0  }
0x68: {  	[sflag:s11] =	ssyncadd.s32 $0xFFFFFF80  }
0x69: {  	_ =	swait.ge [sflag:s11], $0x80  }
0x6a: {  	[sflag:s11] =	ssyncset.done $0x0  }
0x6b: {  	[sflag:s11] =	ssyncadd.s32 $0xFFFFFF80  }
0x6c: {  	_ =	swait.ge [sflag:s11], $0x80  }
0x6d: {  	[sflag:s11] =	ssyncset.done $0x0  }
0x6e: {  	[sflag:s11] =	ssyncadd.s32 $0xFFFFFF80  }
0x6f: {  	_ =	swait.ge [sflag:s11], $0x80  }
0x70: {  	[sflag:s11] =	ssyncset.done $0x0  }
0x71: {  	[sflag:s11] =	ssyncadd.s32 $0xFFFFFF80  }
0x72: {  	_ =	swait.ge [sflag:s11], $0x80  }
0x73: {  	[sflag:s11] =	ssyncset.done $0x0  }
0x74: {  	[sflag:s11] =	ssyncadd.s32 $0xFFFFFF80  }
0x75: {  	_ =	swait.ge [sflag:s11], $0x80  }
0x76: {  	[sflag:s11] =	ssyncset.done $0x0  }
0x77: {  	[sflag:s11] =	ssyncadd.s32 $0xFFFFFF80  }
0x78: {  	_ =	swait.ge [sflag:s11], $0x80  }
0x79: {  	[sflag:s11] =	ssyncset.done $0x0  }
0x7a: {  	[sflag:s11] =	ssyncadd.s32 $0xFFFFFF80  }
0x7b: {  	_ =	swait.ge [sflag:s11], $0x80  }
0x7c: {  	[sflag:s11] =	ssyncset.done $0x0  }
0x7d: {  	[sflag:s11] =	ssyncadd.s32 $0xFFFFFF80  }
0x7e: {  	_ =	swait.ge [sflag:s11], $0x80  }
0x7f: {  	[sflag:s11] =	ssyncset.done $0x0  }
0x80: {  	[sflag:s11] =	ssyncadd.s32 $0xFFFFFF80  }
0x81: {  	_ =	swait.ge [sflag:s11], $0x80  }
0x82: {  	[sflag:s11] =	ssyncset.done $0x0  }
0x83: {  	[sflag:s11] =	ssyncadd.s32 $0xFFFFFF80  }
0x84: {  	_ =	swait.ge [sflag:s11], $0x80  }
0x85: {  	[sflag:s11] =	ssyncset.done $0x0  }
0x86: {  	[sflag:s11] =	ssyncadd.s32 $0xFFFFFF80  }
0x87: {  	_ =	swait.ge [sflag:s11], $0x80  }
0x88: {  	[sflag:s11] =	ssyncset.done $0x0  }
0x89: {  	[sflag:s11] =	ssyncadd.s32 $0xFFFFFF80  }
0x8a: {  	_ =	swait.ge [sflag:s11], $0x80  }
0x8b: {  	[sflag:s11] =	ssyncset.done $0x0  }
0x8c: {  	[sflag:s11] =	ssyncadd.s32 $0xFFFFFF80  }
0x8d: {  	_ =	swait.ge [sflag:s11], $0x80  }
0x8e: {  	[sflag:s11] =	ssyncset.done $0x0  }
0x8f: {  	s4 =	sadd.s32 s0, s7;
	[sflag:s11] =	ssyncadd.s32 $0xFFFFFF80  }
0x90: {  	[hbm4b:s4+s1] =	stream.linear.scatter [tilespmem:s13], [sflag:$0x1], $0x500, $0x38;
	[tilespmem:$0x1400] =	vst v63  }
0x91: {  	s4 =	sadd.s32 s0, s8  }
0x92: {  	[hbm4b:s4+s1] =	stream.linear.scatter [tilespmem:s14], [sflag:$0x1], $0x500, $0x38;
	[tilespmem:$0x1400] =	vst v63  }
0x93: {  	_ =	swait.ge [sflag:s11], $0x500  }
.Ltmp5:
0x94: {  	[sflag:s11] =	ssyncset.done $0x0;
	(pc) =	sbr.rel .LBB2_4-.Ltmp5, $4  }
0x95: {  	[sflag:s11] =	ssyncadd.s32 $0xFFFFFB00  }
0x96: {  	_ =	swait.ge [sflag:s11], $0x500  }
0x97: {  	[sflag:s11] =	ssyncset.done $0x0  }
0x98: {  	[sflag:s11] =	ssyncadd.s32 $0xFFFFFB00  }
.LBB2_6:
0x99: {  	_ =	sfence.sel $0x180000  }
0x9a: {  	[bflag:$0x0] =	sbarrier.arrive $0xFFFF  }
0x9b: {  	_ =	strace $0x90000047  }
0x9c: {  	s0 =	stileid.u32;
	[bflag:$0x2] =	sbarrier.arrive $0xFFFF  }
0x9d: {  	p0 =	sne.s32 s0, $0x0;
	s0 =	rddreg [dreg:$0x2]  }
0x9e: {  	s0 =	sadd.s32 @!p0 $0x100000, s0  }
0x9f: {  	[sflag:s0] =	ssyncadd.tile.s32 @!p0 $0x1;
	_ =	shalt  }
.Lfunc_end2:
_tile_overlayer_lowered:
.L_overlay_start_2:
0xa0: {  	(tag) =	ssettag $0x2  }
0xa1: {  	s0 =	rddreg [dreg:$0x0];
	s2 =	stileid.u32  }
0xa2: {  	s1 =	rddreg [dreg:$0x1];
	p0 =	sne.s32 s2, $0x0  }
0xa3: {  	s3 =	rddreg [dreg:$0x2];
	[bflag:$0x3] =	sbarrier.arrive $0xFFFF;
	s2 =	simm.s32 @!p0 $0x1C02  }
0xa4: {  	[timem:s3], [sflag:s2] =	dma.local @!p0 [hbm:s0], s1  }
0xa5: {  	s0 =	simm.s32 @!p0 $0x2  }
0xa6: {  	_ =	swait.ge @!p0 [sflag:s0], s1  }
0xa7: {  	s1 =	ssub.s32 @!p0 $0x0, s1;
	[sflag:s0] =	ssyncset.done @!p0 $0x0  }
0xa8: {  	[sflag:s0] =	ssyncadd.s32 @!p0 s1  }
0xa9: {  	[bflag:$0x3] =	sbarrier.arrive $0xFFFF  }
0xaa: {  	_ =	shalt  }

</sc_bundles>
